<compile_context>
chip_gen: v7x
topology: tpu7x:2x2x1
jax: 0.10.2.dev20260603
libtpu: 0.0.44.dev20260713+nightly
codegen_flags: <defaults>
</compile_context>

<pallas_src>
import functools

import jax
import jax.numpy as jnp
from jax import lax
from jax.experimental import pallas as pl
from jax.experimental.pallas import tpu as pltpu
from jax.experimental.pallas import tpu_sc as plsc

BATCH = 16384
HIST_LEN = 50
EMB_DIM = 32
N_TOKENS = BATCH * HIST_LEN
N_ROWS = 1_000_000

NUM_WORKERS = 32
PER_WORKER = N_TOKENS // NUM_WORKERS
CHUNK = 1600
NUM_CHUNKS = PER_WORKER // CHUNK

QS = 1 << 18
TC_C = 4096
TC_GRID = QS // TC_C
_LAST_BLK = (N_ROWS - 1) // TC_C


def _tc_transpose_body(x0_ref, x1_ref, x2_ref, x3_ref, o_ref):
    for k, xk in enumerate((x0_ref, x1_ref, x2_ref, x3_ref)):
        o_ref[:, k * EMB_DIM:(k + 1) * EMB_DIM] = jnp.transpose(xk[...])


def _gather_body(tok_hbm, tab_hbm, out_hbm,
                 idx0, idx1, rows0, rows1,
                 s_i0, s_i1, s_g0, s_g1, s_o0, s_o1):
    wid = lax.axis_index("s") * 2 + lax.axis_index("c")
    base = wid * PER_WORKER
    idxb, rowsb = [idx0, idx1], [rows0, rows1]
    s_i, s_g, s_o = [s_i0, s_i1], [s_g0, s_g1], [s_o0, s_o1]

    def start_idx(g):
        off = base + g * CHUNK
        return pltpu.async_copy(tok_hbm.at[pl.ds(off, CHUNK)], idxb[g & 1],
                                s_i[g & 1])

    def remap_idx(g):
        ref = idxb[g & 1]

        @pl.loop(0, CHUNK // 16, unroll=4)
        def _(m):
            v = ref[pl.ds(m * 16, 16)]
            ref[pl.ds(m * 16, 16)] = ((v & (QS - 1)) << 2) | (v >> 18)

    def start_gather(g):
        return pltpu.async_copy(tab_hbm.at[idxb[g & 1]], rowsb[g & 1],
                                s_g[g & 1])

    def start_out(g):
        off = base + g * CHUNK
        return pltpu.async_copy(rowsb[g & 1], out_hbm.at[pl.ds(off, CHUNK)],
                                s_o[g & 1])

    ic = [start_idx(0), start_idx(1)]
    ic[0].wait()
    remap_idx(0)
    gc = [None, None]
    gc[0] = start_gather(0)
    oc = [None, None]
    for g in range(NUM_CHUNKS):
        b = g & 1
        nb = 1 - b
        if g + 1 < NUM_CHUNKS:
            ic[nb].wait()
            remap_idx(g + 1)
            if oc[nb] is not None:
                oc[nb].wait()
            gc[nb] = start_gather(g + 1)
        gc[b].wait()
        if g + 2 < NUM_CHUNKS:
            ic[b] = start_idx(g + 2)
        oc[b] = start_out(g)
    oc[(NUM_CHUNKS - 2) & 1].wait()
    oc[(NUM_CHUNKS - 1) & 1].wait()


@jax.jit
def _embedding_lookup(tok_flat, tabT):
    mesh = plsc.VectorSubcoreMesh(core_axis_name="c", subcore_axis_name="s")
    def _quad_map(k):
        return lambda j: (0, jnp.minimum(k * TC_GRID + j, _LAST_BLK))

    transpose = pl.pallas_call(
        _tc_transpose_body,
        grid=(TC_GRID,),
        in_specs=[pl.BlockSpec((EMB_DIM, TC_C), _quad_map(k))
                  for k in range(4)],
        out_specs=pl.BlockSpec((TC_C, 4 * EMB_DIM), lambda j: (j, 0)),
        out_shape=jax.ShapeDtypeStruct((QS, 4 * EMB_DIM), jnp.float32),
    )
    tab_lin = transpose(tabT, tabT, tabT, tabT)
    gather = pl.kernel(
        _gather_body,
        mesh=mesh,
        out_type=jax.ShapeDtypeStruct((N_TOKENS, EMB_DIM), jnp.float32),
        scratch_types=[
            pltpu.VMEM((CHUNK,), jnp.int32),
            pltpu.VMEM((CHUNK,), jnp.int32),
            pltpu.VMEM((CHUNK, EMB_DIM), jnp.float32),
            pltpu.VMEM((CHUNK, EMB_DIM), jnp.float32),
            pltpu.SemaphoreType.DMA,
            pltpu.SemaphoreType.DMA,
            pltpu.SemaphoreType.DMA,
            pltpu.SemaphoreType.DMA,
            pltpu.SemaphoreType.DMA,
            pltpu.SemaphoreType.DMA,
        ],
        compiler_params=pltpu.CompilerParams(use_tc_tiling_on_sc=False),
    )
    return gather(tok_flat, tab_lin.reshape(4 * QS, EMB_DIM))


def kernel(token_ids, embedding_mat):
    tok_flat = token_ids.T.reshape(-1).astype(jnp.int32)
    out = _embedding_lookup(tok_flat, embedding_mat.T)
    return out.reshape(HIST_LEN, BATCH, EMB_DIM).transpose(1, 0, 2)

# --- scband reference (transcript-rebuilt; emitter-appended) ---
"""Pipeline reference for scband-embedding-14070312861742 (READ-ONLY COPY).

The authoritative reference and input builder live on the scoring server;
editing this copy changes nothing except your own understanding.
"""

import jax, jax.numpy as jnp
import numpy as np

NUM_EMBEDDINGS = 1000000
EMBEDDING_DIM = 32
BATCH = 16384
HIST_LEN = 50

def _trunc_normal(key, shape, std=1.0, a=-3.0, b=3.0):
    # truncated normal in [a, b] with given std (mean 0)
    return jax.random.truncated_normal(key, a / std, b / std, shape, dtype=jnp.float32) * std

def setup_inputs(seed: int = 0) -> dict:
    key = jax.random.key(seed)
    k1, k2 = jax.random.split(key)
    token_ids = jax.random.randint(k1, (BATCH, HIST_LEN), 0, NUM_EMBEDDINGS, dtype=jnp.int64 if jax.config.jax_enable_x64 else jnp.int32)
    embedding_mat = _trunc_normal(k2, (NUM_EMBEDDINGS, EMBEDDING_DIM))
    return {"token_ids": token_ids, "embedding_mat": embedding_mat}

def reference(token_ids, embedding_mat):
    # Faithful translation of: embedded_vectors = self.embedding_mat[token_ids]
    embedded_vectors = jnp.take(embedding_mat, token_ids, axis=0)
    return embedded_vectors

if __name__ == "__main__":
    import jax
    _d = setup_inputs()
    print(jax.jit(kernel)(*tuple(_d.values())))

</pallas_src>

<mosaic_0001>
#map = affine_map<(d0, d1) -> (0)>
#map1 = affine_map<(d0, d1) -> (0, 0)>
module attributes {stable_mosaic.version = 14 : i64} {
  func.func @_gather_body(%arg0: i32, %arg1: i32, %arg2: memref<819200xi32, #tpu.memory_space<hbm>>, %arg3: memref<1048576x32xf32, #tpu.memory_space<hbm>>, %arg4: memref<819200x32xf32, #tpu.memory_space<hbm>>, %arg5: memref<1600xi32, #tpu.memory_space<vmem>>, %arg6: memref<1600xi32, #tpu.memory_space<vmem>>, %arg7: memref<1600x32xf32, #tpu.memory_space<vmem>>, %arg8: memref<1600x32xf32, #tpu.memory_space<vmem>>, %arg9: memref<!tpu.dma_semaphore, #tpu.memory_space<semaphore_mem>>, %arg10: memref<!tpu.dma_semaphore, #tpu.memory_space<semaphore_mem>>, %arg11: memref<!tpu.dma_semaphore, #tpu.memory_space<semaphore_mem>>, %arg12: memref<!tpu.dma_semaphore, #tpu.memory_space<semaphore_mem>>, %arg13: memref<!tpu.dma_semaphore, #tpu.memory_space<semaphore_mem>>, %arg14: memref<!tpu.dma_semaphore, #tpu.memory_space<semaphore_mem>>) attributes {dimension_semantics = [#tpu.dimension_semantics<core_parallel>, #tpu.dimension_semantics<subcore_parallel>], iteration_bounds = array<i64: 2, 16>, scalar_prefetch = 0 : i64, scratch_operands = 10 : i64, tpu.core_type = #tpu.core_type<sc_vector_subcore>, window_params = [{transform_indices = #map}, {transform_indices = #map1}, {transform_indices = #map1}]} {
    %mul3A = arith.constant 2 : i32
    %mul3A_0 = arith.muli %arg1, %mul3A : i32
    %add3A = arith.addi %mul3A_0, %arg0 : i32
    %mul3A_1 = arith.constant 25600 : i32
    %mul3A_2 = arith.muli %add3A, %mul3A_1 : i32
    %add3A_3 = arith.constant 0 : i32
    %add3A_4 = arith.addi %mul3A_2, %add3A_3 : i32
    %dma_start3A = tpu.memref_slice %arg2[%add3A_4] : memref<819200xi32, #tpu.memory_space<hbm>> -> memref<1600xi32, #tpu.memory_space<hbm>>
    %dma_start3A_5 = tpu.memref_slice %arg2[%add3A_4] : memref<819200xi32, #tpu.memory_space<hbm>> -> memref<1600xi32, #tpu.memory_space<hbm>>
    tpu.enqueue_dma source(%dma_start3A_5 : memref<1600xi32, #tpu.memory_space<hbm>>) target(%arg5 : memref<1600xi32, #tpu.memory_space<vmem>>) target_semaphore(%arg9 : memref<!tpu.dma_semaphore, #tpu.memory_space<semaphore_mem>>)
    %add3A_6 = arith.constant 1600 : i32
    %add3A_7 = arith.addi %mul3A_2, %add3A_6 : i32
    %dma_start3A_8 = tpu.memref_slice %arg2[%add3A_7] : memref<819200xi32, #tpu.memory_space<hbm>> -> memref<1600xi32, #tpu.memory_space<hbm>>
    %dma_start3A_9 = tpu.memref_slice %arg2[%add3A_7] : memref<819200xi32, #tpu.memory_space<hbm>> -> memref<1600xi32, #tpu.memory_space<hbm>>
    tpu.enqueue_dma source(%dma_start3A_9 : memref<1600xi32, #tpu.memory_space<hbm>>) target(%arg6 : memref<1600xi32, #tpu.memory_space<vmem>>) target_semaphore(%arg10 : memref<!tpu.dma_semaphore, #tpu.memory_space<semaphore_mem>>)
    %dma_wait3A = tpu.memref_slice %arg2[%add3A_4] : memref<819200xi32, #tpu.memory_space<hbm>> -> memref<1600xi32, #tpu.memory_space<hbm>>
    %dma_wait3A_10 = tpu.memref_slice %arg2[%add3A_4] : memref<819200xi32, #tpu.memory_space<hbm>> -> memref<1600xi32, #tpu.memory_space<hbm>>
    tpu.wait_dma2 semaphore(%arg9 : memref<!tpu.dma_semaphore, #tpu.memory_space<semaphore_mem>>) src(%dma_wait3A_10 : memref<1600xi32, #tpu.memory_space<hbm>>) dst(%arg5 : memref<1600xi32, #tpu.memory_space<vmem>>)
    %scan3A = arith.constant 0 : i32
    %scan3A_11 = arith.constant 100 : i32
    %scan3A_12 = arith.addi %scan3A, %scan3A_11 : i32
    %scan3A_13 = arith.constant 4 : i32
    scf.for %scan3A_432 = %scan3A to %scan3A_12 step %scan3A_13  : i32 {
      %mul3A_433 = arith.constant 1 : i32
      %mul3A_434 = arith.muli %scan3A_432, %mul3A_433 : i32
      %add3A_435 = arith.constant 0 : i32
      %add3A_436 = arith.addi %add3A_435, %mul3A_434 : i32
      %mul3A_437 = arith.constant 16 : i32
      %mul3A_438 = arith.muli %add3A_436, %mul3A_437 : i32
      %get3A = arith.index_cast %mul3A_438 : i32 to index
      %get3A_439 = tpu.vector_load %arg5[%get3A] {strides = array<i32>} : memref<1600xi32, #tpu.memory_space<vmem>>, vector<16xi32>,
      %get3A_440 = vector.shape_cast %get3A_439 : vector<16xi32> to vector<16xi32>
      %and3A = arith.constant 262143 : i32
      %and3A_441 = vector.broadcast %and3A : i32 to vector<16xi32>
      %and3A_442 = arith.andi %get3A_440, %and3A_441 : vector<16xi32>
      %shift_left3A = arith.constant 2 : i32
      %shift_left3A_443 = vector.broadcast %shift_left3A : i32 to vector<16xi32>
      %shift_left3A_444 = arith.shli %and3A_442, %shift_left3A_443 : vector<16xi32>
      %shift_right_arithmetic3A = arith.constant 18 : i32
      %shift_right_arithmetic3A_445 = vector.broadcast %shift_right_arithmetic3A : i32 to vector<16xi32>
      %shift_right_arithmetic3A_446 = arith.shrsi %get3A_440, %shift_right_arithmetic3A_445 : vector<16xi32>
      %or3A = arith.ori %shift_left3A_444, %shift_right_arithmetic3A_446 : vector<16xi32>
      %mul3A_447 = arith.constant 16 : i32
      %mul3A_448 = arith.muli %add3A_436, %mul3A_447 : i32
      %swap3A = arith.index_cast %mul3A_448 : i32 to index
      %swap3A_449 = tpu.vector_load %arg5[%swap3A] {strides = array<i32>} : memref<1600xi32, #tpu.memory_space<vmem>>, vector<16xi32>,
      %swap3A_450 = vector.shape_cast %swap3A_449 : vector<16xi32> to vector<16xi32>
      %swap3A_451 = vector.shape_cast %or3A : vector<16xi32> to vector<16xi32>
      tpu.vector_store %arg5[%swap3A], %swap3A_451 {strides = array<i32>} : memref<1600xi32, #tpu.memory_space<vmem>>, vector<16xi32>,
      %scan3A_452 = arith.constant 1 : i32
      %scan3A_453 = arith.addi %scan3A_432, %scan3A_452 : i32
      %mul3A_454 = arith.constant 1 : i32
      %mul3A_455 = arith.muli %scan3A_453, %mul3A_454 : i32
      %add3A_456 = arith.constant 0 : i32
      %add3A_457 = arith.addi %add3A_456, %mul3A_455 : i32
      %mul3A_458 = arith.constant 16 : i32
      %mul3A_459 = arith.muli %add3A_457, %mul3A_458 : i32
      %get3A_460 = arith.index_cast %mul3A_459 : i32 to index
      %get3A_461 = tpu.vector_load %arg5[%get3A_460] {strides = array<i32>} : memref<1600xi32, #tpu.memory_space<vmem>>, vector<16xi32>,
      %get3A_462 = vector.shape_cast %get3A_461 : vector<16xi32> to vector<16xi32>
      %and3A_463 = arith.constant 262143 : i32
      %and3A_464 = vector.broadcast %and3A_463 : i32 to vector<16xi32>
      %and3A_465 = arith.andi %get3A_462, %and3A_464 : vector<16xi32>
      %shift_left3A_466 = arith.constant 2 : i32
      %shift_left3A_467 = vector.broadcast %shift_left3A_466 : i32 to vector<16xi32>
      %shift_left3A_468 = arith.shli %and3A_465, %shift_left3A_467 : vector<16xi32>
      %shift_right_arithmetic3A_469 = arith.constant 18 : i32
      %shift_right_arithmetic3A_470 = vector.broadcast %shift_right_arithmetic3A_469 : i32 to vector<16xi32>
      %shift_right_arithmetic3A_471 = arith.shrsi %get3A_462, %shift_right_arithmetic3A_470 : vector<16xi32>
      %or3A_472 = arith.ori %shift_left3A_468, %shift_right_arithmetic3A_471 : vector<16xi32>
      %mul3A_473 = arith.constant 16 : i32
      %mul3A_474 = arith.muli %add3A_457, %mul3A_473 : i32
      %swap3A_475 = arith.index_cast %mul3A_474 : i32 to index
      %swap3A_476 = tpu.vector_load %arg5[%swap3A_475] {strides = array<i32>} : memref<1600xi32, #tpu.memory_space<vmem>>, vector<16xi32>,
      %swap3A_477 = vector.shape_cast %swap3A_476 : vector<16xi32> to vector<16xi32>
      %swap3A_478 = vector.shape_cast %or3A_472 : vector<16xi32> to vector<16xi32>
      tpu.vector_store %arg5[%swap3A_475], %swap3A_478 {strides = array<i32>} : memref<1600xi32, #tpu.memory_space<vmem>>, vector<16xi32>,
      %scan3A_479 = arith.constant 2 : i32
      %scan3A_480 = arith.addi %scan3A_432, %scan3A_479 : i32
      %mul3A_481 = arith.constant 1 : i32
      %mul3A_482 = arith.muli %scan3A_480, %mul3A_481 : i32
      %add3A_483 = arith.constant 0 : i32
      %add3A_484 = arith.addi %add3A_483, %mul3A_482 : i32
      %mul3A_485 = arith.constant 16 : i32
      %mul3A_486 = arith.muli %add3A_484, %mul3A_485 : i32
      %get3A_487 = arith.index_cast %mul3A_486 : i32 to index
      %get3A_488 = tpu.vector_load %arg5[%get3A_487] {strides = array<i32>} : memref<1600xi32, #tpu.memory_space<vmem>>, vector<16xi32>,
      %get3A_489 = vector.shape_cast %get3A_488 : vector<16xi32> to vector<16xi32>
      %and3A_490 = arith.constant 262143 : i32
      %and3A_491 = vector.broadcast %and3A_490 : i32 to vector<16xi32>
      %and3A_492 = arith.andi %get3A_489, %and3A_491 : vector<16xi32>
      %shift_left3A_493 = arith.constant 2 : i32
      %shift_left3A_494 = vector.broadcast %shift_left3A_493 : i32 to vector<16xi32>
      %shift_left3A_495 = arith.shli %and3A_492, %shift_left3A_494 : vector<16xi32>
      %shift_right_arithmetic3A_496 = arith.constant 18 : i32
      %shift_right_arithmetic3A_497 = vector.broadcast %shift_right_arithmetic3A_496 : i32 to vector<16xi32>
      %shift_right_arithmetic3A_498 = arith.shrsi %get3A_489, %shift_right_arithmetic3A_497 : vector<16xi32>
      %or3A_499 = arith.ori %shift_left3A_495, %shift_right_arithmetic3A_498 : vector<16xi32>
      %mul3A_500 = arith.constant 16 : i32
      %mul3A_501 = arith.muli %add3A_484, %mul3A_500 : i32
      %swap3A_502 = arith.index_cast %mul3A_501 : i32 to index
      %swap3A_503 = tpu.vector_load %arg5[%swap3A_502] {strides = array<i32>} : memref<1600xi32, #tpu.memory_space<vmem>>, vector<16xi32>,
      %swap3A_504 = vector.shape_cast %swap3A_503 : vector<16xi32> to vector<16xi32>
      %swap3A_505 = vector.shape_cast %or3A_499 : vector<16xi32> to vector<16xi32>
      tpu.vector_store %arg5[%swap3A_502], %swap3A_505 {strides = array<i32>} : memref<1600xi32, #tpu.memory_space<vmem>>, vector<16xi32>,
      %scan3A_506 = arith.constant 3 : i32
      %scan3A_507 = arith.addi %scan3A_432, %scan3A_506 : i32
      %mul3A_508 = arith.constant 1 : i32
      %mul3A_509 = arith.muli %scan3A_507, %mul3A_508 : i32
      %add3A_510 = arith.constant 0 : i32
      %add3A_511 = arith.addi %add3A_510, %mul3A_509 : i32
      %mul3A_512 = arith.constant 16 : i32
      %mul3A_513 = arith.muli %add3A_511, %mul3A_512 : i32
      %get3A_514 = arith.index_cast %mul3A_513 : i32 to index
      %get3A_515 = tpu.vector_load %arg5[%get3A_514] {strides = array<i32>} : memref<1600xi32, #tpu.memory_space<vmem>>, vector<16xi32>,
      %get3A_516 = vector.shape_cast %get3A_515 : vector<16xi32> to vector<16xi32>
      %and3A_517 = arith.constant 262143 : i32
      %and3A_518 = vector.broadcast %and3A_517 : i32 to vector<16xi32>
      %and3A_519 = arith.andi %get3A_516, %and3A_518 : vector<16xi32>
      %shift_left3A_520 = arith.constant 2 : i32
      %shift_left3A_521 = vector.broadcast %shift_left3A_520 : i32 to vector<16xi32>
      %shift_left3A_522 = arith.shli %and3A_519, %shift_left3A_521 : vector<16xi32>
      %shift_right_arithmetic3A_523 = arith.constant 18 : i32
      %shift_right_arithmetic3A_524 = vector.broadcast %shift_right_arithmetic3A_523 : i32 to vector<16xi32>
      %shift_right_arithmetic3A_525 = arith.shrsi %get3A_516, %shift_right_arithmetic3A_524 : vector<16xi32>
      %or3A_526 = arith.ori %shift_left3A_522, %shift_right_arithmetic3A_525 : vector<16xi32>
      %mul3A_527 = arith.constant 16 : i32
      %mul3A_528 = arith.muli %add3A_511, %mul3A_527 : i32
      %swap3A_529 = arith.index_cast %mul3A_528 : i32 to index
      %swap3A_530 = tpu.vector_load %arg5[%swap3A_529] {strides = array<i32>} : memref<1600xi32, #tpu.memory_space<vmem>>, vector<16xi32>,
      %swap3A_531 = vector.shape_cast %swap3A_530 : vector<16xi32> to vector<16xi32>
      %swap3A_532 = vector.shape_cast %or3A_526 : vector<16xi32> to vector<16xi32>
      tpu.vector_store %arg5[%swap3A_529], %swap3A_532 {strides = array<i32>} : memref<1600xi32, #tpu.memory_space<vmem>>, vector<16xi32>,
    }
    %scan3A_14 = arith.constant 100 : i32
    %dma_start3A_15 = arith.constant 0 : i32
    %dma_start3A_16 = arith.constant 0 : i32
    %dma_start3A_17 = tpu.memref_slice %arg3[%dma_start3A_15, %dma_start3A_16] : memref<1048576x32xf32, #tpu.memory_space<hbm>> -> memref<1048576x32xf32, #tpu.memory_space<hbm>>
    tpu.enqueue_indirect_dma source(%dma_start3A_17 : memref<1048576x32xf32, #tpu.memory_space<hbm>>) target(%arg7 : memref<1600x32xf32, #tpu.memory_space<vmem>>) offsets(%arg5 : memref<1600xi32, #tpu.memory_space<vmem>>) semaphore(%arg11 : memref<!tpu.dma_semaphore, #tpu.memory_space<semaphore_mem>>)
    %dma_wait3A_18 = tpu.memref_slice %arg2[%add3A_7] : memref<819200xi32, #tpu.memory_space<hbm>> -> memref<1600xi32, #tpu.memory_space<hbm>>
    %dma_wait3A_19 = tpu.memref_slice %arg2[%add3A_7] : memref<819200xi32, #tpu.memory_space<hbm>> -> memref<1600xi32, #tpu.memory_space<hbm>>
    tpu.wait_dma2 semaphore(%arg10 : memref<!tpu.dma_semaphore, #tpu.memory_space<semaphore_mem>>) src(%dma_wait3A_19 : memref<1600xi32, #tpu.memory_space<hbm>>) dst(%arg6 : memref<1600xi32, #tpu.memory_space<vmem>>)
    %scan3A_20 = arith.constant 0 : i32
    %scan3A_21 = arith.constant 100 : i32
    %scan3A_22 = arith.addi %scan3A_20, %scan3A_21 : i32
    %scan3A_23 = arith.constant 4 : i32
    scf.for %scan3A_432 = %scan3A_20 to %scan3A_22 step %scan3A_23  : i32 {
      %mul3A_433 = arith.constant 1 : i32
      %mul3A_434 = arith.muli %scan3A_432, %mul3A_433 : i32
      %add3A_435 = arith.constant 0 : i32
      %add3A_436 = arith.addi %add3A_435, %mul3A_434 : i32
      %mul3A_437 = arith.constant 16 : i32
      %mul3A_438 = arith.muli %add3A_436, %mul3A_437 : i32
      %get3A = arith.index_cast %mul3A_438 : i32 to index
      %get3A_439 = tpu.vector_load %arg6[%get3A] {strides = array<i32>} : memref<1600xi32, #tpu.memory_space<vmem>>, vector<16xi32>,
      %get3A_440 = vector.shape_cast %get3A_439 : vector<16xi32> to vector<16xi32>
      %and3A = arith.constant 262143 : i32
      %and3A_441 = vector.broadcast %and3A : i32 to vector<16xi32>
      %and3A_442 = arith.andi %get3A_440, %and3A_441 : vector<16xi32>
      %shift_left3A = arith.constant 2 : i32
      %shift_left3A_443 = vector.broadcast %shift_left3A : i32 to vector<16xi32>
      %shift_left3A_444 = arith.shli %and3A_442, %shift_left3A_443 : vector<16xi32>
      %shift_right_arithmetic3A = arith.constant 18 : i32
      %shift_right_arithmetic3A_445 = vector.broadcast %shift_right_arithmetic3A : i32 to vector<16xi32>
      %shift_right_arithmetic3A_446 = arith.shrsi %get3A_440, %shift_right_arithmetic3A_445 : vector<16xi32>
      %or3A = arith.ori %shift_left3A_444, %shift_right_arithmetic3A_446 : vector<16xi32>
      %mul3A_447 = arith.constant 16 : i32
      %mul3A_448 = arith.muli %add3A_436, %mul3A_447 : i32
      %swap3A = arith.index_cast %mul3A_448 : i32 to index
      %swap3A_449 = tpu.vector_load %arg6[%swap3A] {strides = array<i32>} : memref<1600xi32, #tpu.memory_space<vmem>>, vector<16xi32>,
      %swap3A_450 = vector.shape_cast %swap3A_449 : vector<16xi32> to vector<16xi32>
      %swap3A_451 = vector.shape_cast %or3A : vector<16xi32> to vector<16xi32>
      tpu.vector_store %arg6[%swap3A], %swap3A_451 {strides = array<i32>} : memref<1600xi32, #tpu.memory_space<vmem>>, vector<16xi32>,
      %scan3A_452 = arith.constant 1 : i32
      %scan3A_453 = arith.addi %scan3A_432, %scan3A_452 : i32
      %mul3A_454 = arith.constant 1 : i32
      %mul3A_455 = arith.muli %scan3A_453, %mul3A_454 : i32
      %add3A_456 = arith.constant 0 : i32
      %add3A_457 = arith.addi %add3A_456, %mul3A_455 : i32
      %mul3A_458 = arith.constant 16 : i32
      %mul3A_459 = arith.muli %add3A_457, %mul3A_458 : i32
      %get3A_460 = arith.index_cast %mul3A_459 : i32 to index
      %get3A_461 = tpu.vector_load %arg6[%get3A_460] {strides = array<i32>} : memref<1600xi32, #tpu.memory_space<vmem>>, vector<16xi32>,
      %get3A_462 = vector.shape_cast %get3A_461 : vector<16xi32> to vector<16xi32>
      %and3A_463 = arith.constant 262143 : i32
      %and3A_464 = vector.broadcast %and3A_463 : i32 to vector<16xi32>
      %and3A_465 = arith.andi %get3A_462, %and3A_464 : vector<16xi32>
      %shift_left3A_466 = arith.constant 2 : i32
      %shift_left3A_467 = vector.broadcast %shift_left3A_466 : i32 to vector<16xi32>
      %shift_left3A_468 = arith.shli %and3A_465, %shift_left3A_467 : vector<16xi32>
      %shift_right_arithmetic3A_469 = arith.constant 18 : i32
      %shift_right_arithmetic3A_470 = vector.broadcast %shift_right_arithmetic3A_469 : i32 to vector<16xi32>
      %shift_right_arithmetic3A_471 = arith.shrsi %get3A_462, %shift_right_arithmetic3A_470 : vector<16xi32>
      %or3A_472 = arith.ori %shift_left3A_468, %shift_right_arithmetic3A_471 : vector<16xi32>
      %mul3A_473 = arith.constant 16 : i32
      %mul3A_474 = arith.muli %add3A_457, %mul3A_473 : i32
      %swap3A_475 = arith.index_cast %mul3A_474 : i32 to index
      %swap3A_476 = tpu.vector_load %arg6[%swap3A_475] {strides = array<i32>} : memref<1600xi32, #tpu.memory_space<vmem>>, vector<16xi32>,
      %swap3A_477 = vector.shape_cast %swap3A_476 : vector<16xi32> to vector<16xi32>
      %swap3A_478 = vector.shape_cast %or3A_472 : vector<16xi32> to vector<16xi32>
      tpu.vector_store %arg6[%swap3A_475], %swap3A_478 {strides = array<i32>} : memref<1600xi32, #tpu.memory_space<vmem>>, vector<16xi32>,
      %scan3A_479 = arith.constant 2 : i32
      %scan3A_480 = arith.addi %scan3A_432, %scan3A_479 : i32
      %mul3A_481 = arith.constant 1 : i32
      %mul3A_482 = arith.muli %scan3A_480, %mul3A_481 : i32
      %add3A_483 = arith.constant 0 : i32
      %add3A_484 = arith.addi %add3A_483, %mul3A_482 : i32
      %mul3A_485 = arith.constant 16 : i32
      %mul3A_486 = arith.muli %add3A_484, %mul3A_485 : i32
      %get3A_487 = arith.index_cast %mul3A_486 : i32 to index
      %get3A_488 = tpu.vector_load %arg6[%get3A_487] {strides = array<i32>} : memref<1600xi32, #tpu.memory_space<vmem>>, vector<16xi32>,
      %get3A_489 = vector.shape_cast %get3A_488 : vector<16xi32> to vector<16xi32>
      %and3A_490 = arith.constant 262143 : i32
      %and3A_491 = vector.broadcast %and3A_490 : i32 to vector<16xi32>
      %and3A_492 = arith.andi %get3A_489, %and3A_491 : vector<16xi32>
      %shift_left3A_493 = arith.constant 2 : i32
      %shift_left3A_494 = vector.broadcast %shift_left3A_493 : i32 to vector<16xi32>
      %shift_left3A_495 = arith.shli %and3A_492, %shift_left3A_494 : vector<16xi32>
      %shift_right_arithmetic3A_496 = arith.constant 18 : i32
      %shift_right_arithmetic3A_497 = vector.broadcast %shift_right_arithmetic3A_496 : i32 to vector<16xi32>
      %shift_right_arithmetic3A_498 = arith.shrsi %get3A_489, %shift_right_arithmetic3A_497 : vector<16xi32>
      %or3A_499 = arith.ori %shift_left3A_495, %shift_right_arithmetic3A_498 : vector<16xi32>
      %mul3A_500 = arith.constant 16 : i32
      %mul3A_501 = arith.muli %add3A_484, %mul3A_500 : i32
      %swap3A_502 = arith.index_cast %mul3A_501 : i32 to index
      %swap3A_503 = tpu.vector_load %arg6[%swap3A_502] {strides = array<i32>} : memref<1600xi32, #tpu.memory_space<vmem>>, vector<16xi32>,
      %swap3A_504 = vector.shape_cast %swap3A_503 : vector<16xi32> to vector<16xi32>
      %swap3A_505 = vector.shape_cast %or3A_499 : vector<16xi32> to vector<16xi32>
      tpu.vector_store %arg6[%swap3A_502], %swap3A_505 {strides = array<i32>} : memref<1600xi32, #tpu.memory_space<vmem>>, vector<16xi32>,
      %scan3A_506 = arith.constant 3 : i32
      %scan3A_507 = arith.addi %scan3A_432, %scan3A_506 : i32
      %mul3A_508 = arith.constant 1 : i32
      %mul3A_509 = arith.muli %scan3A_507, %mul3A_508 : i32
      %add3A_510 = arith.constant 0 : i32
      %add3A_511 = arith.addi %add3A_510, %mul3A_509 : i32
      %mul3A_512 = arith.constant 16 : i32
      %mul3A_513 = arith.muli %add3A_511, %mul3A_512 : i32
      %get3A_514 = arith.index_cast %mul3A_513 : i32 to index
      %get3A_515 = tpu.vector_load %arg6[%get3A_514] {strides = array<i32>} : memref<1600xi32, #tpu.memory_space<vmem>>, vector<16xi32>,
      %get3A_516 = vector.shape_cast %get3A_515 : vector<16xi32> to vector<16xi32>
      %and3A_517 = arith.constant 262143 : i32
      %and3A_518 = vector.broadcast %and3A_517 : i32 to vector<16xi32>
      %and3A_519 = arith.andi %get3A_516, %and3A_518 : vector<16xi32>
      %shift_left3A_520 = arith.constant 2 : i32
      %shift_left3A_521 = vector.broadcast %shift_left3A_520 : i32 to vector<16xi32>
      %shift_left3A_522 = arith.shli %and3A_519, %shift_left3A_521 : vector<16xi32>
      %shift_right_arithmetic3A_523 = arith.constant 18 : i32
      %shift_right_arithmetic3A_524 = vector.broadcast %shift_right_arithmetic3A_523 : i32 to vector<16xi32>
      %shift_right_arithmetic3A_525 = arith.shrsi %get3A_516, %shift_right_arithmetic3A_524 : vector<16xi32>
      %or3A_526 = arith.ori %shift_left3A_522, %shift_right_arithmetic3A_525 : vector<16xi32>
      %mul3A_527 = arith.constant 16 : i32
      %mul3A_528 = arith.muli %add3A_511, %mul3A_527 : i32
      %swap3A_529 = arith.index_cast %mul3A_528 : i32 to index
      %swap3A_530 = tpu.vector_load %arg6[%swap3A_529] {strides = array<i32>} : memref<1600xi32, #tpu.memory_space<vmem>>, vector<16xi32>,
      %swap3A_531 = vector.shape_cast %swap3A_530 : vector<16xi32> to vector<16xi32>
      %swap3A_532 = vector.shape_cast %or3A_526 : vector<16xi32> to vector<16xi32>
      tpu.vector_store %arg6[%swap3A_529], %swap3A_532 {strides = array<i32>} : memref<1600xi32, #tpu.memory_space<vmem>>, vector<16xi32>,
    }
    %scan3A_24 = arith.constant 100 : i32
    %dma_start3A_25 = arith.constant 0 : i32
    %dma_start3A_26 = arith.constant 0 : i32
    %dma_start3A_27 = tpu.memref_slice %arg3[%dma_start3A_25, %dma_start3A_26] : memref<1048576x32xf32, #tpu.memory_space<hbm>> -> memref<1048576x32xf32, #tpu.memory_space<hbm>>
    tpu.enqueue_indirect_dma source(%dma_start3A_27 : memref<1048576x32xf32, #tpu.memory_space<hbm>>) target(%arg8 : memref<1600x32xf32, #tpu.memory_space<vmem>>) offsets(%arg6 : memref<1600xi32, #tpu.memory_space<vmem>>) semaphore(%arg12 : memref<!tpu.dma_semaphore, #tpu.memory_space<semaphore_mem>>)
    %dma_wait3A_28 = arith.constant 0 : i32
    %dma_wait3A_29 = arith.constant 0 : i32
    %dma_wait3A_30 = tpu.memref_slice %arg3[%dma_wait3A_28, %dma_wait3A_29] : memref<1048576x32xf32, #tpu.memory_space<hbm>> -> memref<1048576x32xf32, #tpu.memory_space<hbm>>
    tpu.wait_indirect_dma semaphore(%arg11 : memref<!tpu.dma_semaphore, #tpu.memory_space<semaphore_mem>>) src(%dma_wait3A_30 : memref<1048576x32xf32, #tpu.memory_space<hbm>>) dst(%arg7 : memref<1600x32xf32, #tpu.memory_space<vmem>>)
    %add3A_31 = arith.constant 3200 : i32
    %add3A_32 = arith.addi %mul3A_2, %add3A_31 : i32
    %dma_start3A_33 = tpu.memref_slice %arg2[%add3A_32] : memref<819200xi32, #tpu.memory_space<hbm>> -> memref<1600xi32, #tpu.memory_space<hbm>>
    %dma_start3A_34 = tpu.memref_slice %arg2[%add3A_32] : memref<819200xi32, #tpu.memory_space<hbm>> -> memref<1600xi32, #tpu.memory_space<hbm>>
    tpu.enqueue_dma source(%dma_start3A_34 : memref<1600xi32, #tpu.memory_space<hbm>>) target(%arg5 : memref<1600xi32, #tpu.memory_space<vmem>>) target_semaphore(%arg9 : memref<!tpu.dma_semaphore, #tpu.memory_space<semaphore_mem>>)
    %add3A_35 = arith.constant 0 : i32
    %add3A_36 = arith.addi %mul3A_2, %add3A_35 : i32
    %dma_start3A_37 = arith.constant 0 : i32
    %dma_start3A_38 = tpu.memref_slice %arg4[%add3A_36, %dma_start3A_37] : memref<819200x32xf32, #tpu.memory_space<hbm>> -> memref<1600x32xf32, #tpu.memory_space<hbm>>
    %dma_start3A_39 = arith.constant 0 : i32
    %dma_start3A_40 = tpu.memref_slice %arg4[%add3A_36, %dma_start3A_39] : memref<819200x32xf32, #tpu.memory_space<hbm>> -> memref<1600x32xf32, #tpu.memory_space<hbm>>
    tpu.enqueue_dma source(%arg7 : memref<1600x32xf32, #tpu.memory_space<vmem>>) target(%dma_start3A_40 : memref<1600x32xf32, #tpu.memory_space<hbm>>) target_semaphore(%arg13 : memref<!tpu.dma_semaphore, #tpu.memory_space<semaphore_mem>>)
    %dma_wait3A_41 = tpu.memref_slice %arg2[%add3A_32] : memref<819200xi32, #tpu.memory_space<hbm>> -> memref<1600xi32, #tpu.memory_space<hbm>>
    %dma_wait3A_42 = tpu.memref_slice %arg2[%add3A_32] : memref<819200xi32, #tpu.memory_space<hbm>> -> memref<1600xi32, #tpu.memory_space<hbm>>
    tpu.wait_dma2 semaphore(%arg9 : memref<!tpu.dma_semaphore, #tpu.memory_space<semaphore_mem>>) src(%dma_wait3A_42 : memref<1600xi32, #tpu.memory_space<hbm>>) dst(%arg5 : memref<1600xi32, #tpu.memory_space<vmem>>)
    %scan3A_43 = arith.constant 0 : i32
    %scan3A_44 = arith.constant 100 : i32
    %scan3A_45 = arith.addi %scan3A_43, %scan3A_44 : i32
    %scan3A_46 = arith.constant 4 : i32
    scf.for %scan3A_432 = %scan3A_43 to %scan3A_45 step %scan3A_46  : i32 {
      %mul3A_433 = arith.constant 1 : i32
      %mul3A_434 = arith.muli %scan3A_432, %mul3A_433 : i32
      %add3A_435 = arith.constant 0 : i32
      %add3A_436 = arith.addi %add3A_435, %mul3A_434 : i32
      %mul3A_437 = arith.constant 16 : i32
      %mul3A_438 = arith.muli %add3A_436, %mul3A_437 : i32
      %get3A = arith.index_cast %mul3A_438 : i32 to index
      %get3A_439 = tpu.vector_load %arg5[%get3A] {strides = array<i32>} : memref<1600xi32, #tpu.memory_space<vmem>>, vector<16xi32>,
      %get3A_440 = vector.shape_cast %get3A_439 : vector<16xi32> to vector<16xi32>
      %and3A = arith.constant 262143 : i32
      %and3A_441 = vector.broadcast %and3A : i32 to vector<16xi32>
      %and3A_442 = arith.andi %get3A_440, %and3A_441 : vector<16xi32>
      %shift_left3A = arith.constant 2 : i32
      %shift_left3A_443 = vector.broadcast %shift_left3A : i32 to vector<16xi32>
      %shift_left3A_444 = arith.shli %and3A_442, %shift_left3A_443 : vector<16xi32>
      %shift_right_arithmetic3A = arith.constant 18 : i32
      %shift_right_arithmetic3A_445 = vector.broadcast %shift_right_arithmetic3A : i32 to vector<16xi32>
      %shift_right_arithmetic3A_446 = arith.shrsi %get3A_440, %shift_right_arithmetic3A_445 : vector<16xi32>
      %or3A = arith.ori %shift_left3A_444, %shift_right_arithmetic3A_446 : vector<16xi32>
      %mul3A_447 = arith.constant 16 : i32
      %mul3A_448 = arith.muli %add3A_436, %mul3A_447 : i32
      %swap3A = arith.index_cast %mul3A_448 : i32 to index
      %swap3A_449 = tpu.vector_load %arg5[%swap3A] {strides = array<i32>} : memref<1600xi32, #tpu.memory_space<vmem>>, vector<16xi32>,
      %swap3A_450 = vector.shape_cast %swap3A_449 : vector<16xi32> to vector<16xi32>
      %swap3A_451 = vector.shape_cast %or3A : vector<16xi32> to vector<16xi32>
      tpu.vector_store %arg5[%swap3A], %swap3A_451 {strides = array<i32>} : memref<1600xi32, #tpu.memory_space<vmem>>, vector<16xi32>,
      %scan3A_452 = arith.constant 1 : i32
      %scan3A_453 = arith.addi %scan3A_432, %scan3A_452 : i32
      %mul3A_454 = arith.constant 1 : i32
      %mul3A_455 = arith.muli %scan3A_453, %mul3A_454 : i32
      %add3A_456 = arith.constant 0 : i32
      %add3A_457 = arith.addi %add3A_456, %mul3A_455 : i32
      %mul3A_458 = arith.constant 16 : i32
      %mul3A_459 = arith.muli %add3A_457, %mul3A_458 : i32
      %get3A_460 = arith.index_cast %mul3A_459 : i32 to index
      %get3A_461 = tpu.vector_load %arg5[%get3A_460] {strides = array<i32>} : memref<1600xi32, #tpu.memory_space<vmem>>, vector<16xi32>,
      %get3A_462 = vector.shape_cast %get3A_461 : vector<16xi32> to vector<16xi32>
      %and3A_463 = arith.constant 262143 : i32
      %and3A_464 = vector.broadcast %and3A_463 : i32 to vector<16xi32>
      %and3A_465 = arith.andi %get3A_462, %and3A_464 : vector<16xi32>
      %shift_left3A_466 = arith.constant 2 : i32
      %shift_left3A_467 = vector.broadcast %shift_left3A_466 : i32 to vector<16xi32>
      %shift_left3A_468 = arith.shli %and3A_465, %shift_left3A_467 : vector<16xi32>
      %shift_right_arithmetic3A_469 = arith.constant 18 : i32
      %shift_right_arithmetic3A_470 = vector.broadcast %shift_right_arithmetic3A_469 : i32 to vector<16xi32>
      %shift_right_arithmetic3A_471 = arith.shrsi %get3A_462, %shift_right_arithmetic3A_470 : vector<16xi32>
      %or3A_472 = arith.ori %shift_left3A_468, %shift_right_arithmetic3A_471 : vector<16xi32>
      %mul3A_473 = arith.constant 16 : i32
      %mul3A_474 = arith.muli %add3A_457, %mul3A_473 : i32
      %swap3A_475 = arith.index_cast %mul3A_474 : i32 to index
      %swap3A_476 = tpu.vector_load %arg5[%swap3A_475] {strides = array<i32>} : memref<1600xi32, #tpu.memory_space<vmem>>, vector<16xi32>,
      %swap3A_477 = vector.shape_cast %swap3A_476 : vector<16xi32> to vector<16xi32>
      %swap3A_478 = vector.shape_cast %or3A_472 : vector<16xi32> to vector<16xi32>
      tpu.vector_store %arg5[%swap3A_475], %swap3A_478 {strides = array<i32>} : memref<1600xi32, #tpu.memory_space<vmem>>, vector<16xi32>,
      %scan3A_479 = arith.constant 2 : i32
      %scan3A_480 = arith.addi %scan3A_432, %scan3A_479 : i32
      %mul3A_481 = arith.constant 1 : i32
      %mul3A_482 = arith.muli %scan3A_480, %mul3A_481 : i32
      %add3A_483 = arith.constant 0 : i32
      %add3A_484 = arith.addi %add3A_483, %mul3A_482 : i32
      %mul3A_485 = arith.constant 16 : i32
      %mul3A_486 = arith.muli %add3A_484, %mul3A_485 : i32
      %get3A_487 = arith.index_cast %mul3A_486 : i32 to index
      %get3A_488 = tpu.vector_load %arg5[%get3A_487] {strides = array<i32>} : memref<1600xi32, #tpu.memory_space<vmem>>, vector<16xi32>,
      %get3A_489 = vector.shape_cast %get3A_488 : vector<16xi32> to vector<16xi32>
      %and3A_490 = arith.constant 262143 : i32
      %and3A_491 = vector.broadcast %and3A_490 : i32 to vector<16xi32>
      %and3A_492 = arith.andi %get3A_489, %and3A_491 : vector<16xi32>
      %shift_left3A_493 = arith.constant 2 : i32
      %shift_left3A_494 = vector.broadcast %shift_left3A_493 : i32 to vector<16xi32>
      %shift_left3A_495 = arith.shli %and3A_492, %shift_left3A_494 : vector<16xi32>
      %shift_right_arithmetic3A_496 = arith.constant 18 : i32
      %shift_right_arithmetic3A_497 = vector.broadcast %shift_right_arithmetic3A_496 : i32 to vector<16xi32>
      %shift_right_arithmetic3A_498 = arith.shrsi %get3A_489, %shift_right_arithmetic3A_497 : vector<16xi32>
      %or3A_499 = arith.ori %shift_left3A_495, %shift_right_arithmetic3A_498 : vector<16xi32>
      %mul3A_500 = arith.constant 16 : i32
      %mul3A_501 = arith.muli %add3A_484, %mul3A_500 : i32
      %swap3A_502 = arith.index_cast %mul3A_501 : i32 to index
      %swap3A_503 = tpu.vector_load %arg5[%swap3A_502] {strides = array<i32>} : memref<1600xi32, #tpu.memory_space<vmem>>, vector<16xi32>,
      %swap3A_504 = vector.shape_cast %swap3A_503 : vector<16xi32> to vector<16xi32>
      %swap3A_505 = vector.shape_cast %or3A_499 : vector<16xi32> to vector<16xi32>
      tpu.vector_store %arg5[%swap3A_502], %swap3A_505 {strides = array<i32>} : memref<1600xi32, #tpu.memory_space<vmem>>, vector<16xi32>,
      %scan3A_506 = arith.constant 3 : i32
      %scan3A_507 = arith.addi %scan3A_432, %scan3A_506 : i32
      %mul3A_508 = arith.constant 1 : i32
      %mul3A_509 = arith.muli %scan3A_507, %mul3A_508 : i32
      %add3A_510 = arith.constant 0 : i32
      %add3A_511 = arith.addi %add3A_510, %mul3A_509 : i32
      %mul3A_512 = arith.constant 16 : i32
      %mul3A_513 = arith.muli %add3A_511, %mul3A_512 : i32
      %get3A_514 = arith.index_cast %mul3A_513 : i32 to index
      %get3A_515 = tpu.vector_load %arg5[%get3A_514] {strides = array<i32>} : memref<1600xi32, #tpu.memory_space<vmem>>, vector<16xi32>,
      %get3A_516 = vector.shape_cast %get3A_515 : vector<16xi32> to vector<16xi32>
      %and3A_517 = arith.constant 262143 : i32
      %and3A_518 = vector.broadcast %and3A_517 : i32 to vector<16xi32>
      %and3A_519 = arith.andi %get3A_516, %and3A_518 : vector<16xi32>
      %shift_left3A_520 = arith.constant 2 : i32
      %shift_left3A_521 = vector.broadcast %shift_left3A_520 : i32 to vector<16xi32>
      %shift_left3A_522 = arith.shli %and3A_519, %shift_left3A_521 : vector<16xi32>
      %shift_right_arithmetic3A_523 = arith.constant 18 : i32
      %shift_right_arithmetic3A_524 = vector.broadcast %shift_right_arithmetic3A_523 : i32 to vector<16xi32>
      %shift_right_arithmetic3A_525 = arith.shrsi %get3A_516, %shift_right_arithmetic3A_524 : vector<16xi32>
      %or3A_526 = arith.ori %shift_left3A_522, %shift_right_arithmetic3A_525 : vector<16xi32>
      %mul3A_527 = arith.constant 16 : i32
      %mul3A_528 = arith.muli %add3A_511, %mul3A_527 : i32
      %swap3A_529 = arith.index_cast %mul3A_528 : i32 to index
      %swap3A_530 = tpu.vector_load %arg5[%swap3A_529] {strides = array<i32>} : memref<1600xi32, #tpu.memory_space<vmem>>, vector<16xi32>,
      %swap3A_531 = vector.shape_cast %swap3A_530 : vector<16xi32> to vector<16xi32>
      %swap3A_532 = vector.shape_cast %or3A_526 : vector<16xi32> to vector<16xi32>
      tpu.vector_store %arg5[%swap3A_529], %swap3A_532 {strides = array<i32>} : memref<1600xi32, #tpu.memory_space<vmem>>, vector<16xi32>,
    }
    %scan3A_47 = arith.constant 100 : i32
    %dma_wait3A_48 = arith.constant 0 : i32
    %dma_wait3A_49 = tpu.memref_slice %arg4[%add3A_36, %dma_wait3A_48] : memref<819200x32xf32, #tpu.memory_space<hbm>> -> memref<1600x32xf32, #tpu.memory_space<hbm>>
    %dma_wait3A_50 = arith.constant 0 : i32
    %dma_wait3A_51 = tpu.memref_slice %arg4[%add3A_36, %dma_wait3A_50] : memref<819200x32xf32, #tpu.memory_space<hbm>> -> memref<1600x32xf32, #tpu.memory_space<hbm>>
    tpu.wait_dma2 semaphore(%arg13 : memref<!tpu.dma_semaphore, #tpu.memory_space<semaphore_mem>>) src(%arg7 : memref<1600x32xf32, #tpu.memory_space<vmem>>) dst(%dma_wait3A_51 : memref<1600x32xf32, #tpu.memory_space<hbm>>)
    %dma_start3A_52 = arith.constant 0 : i32
    %dma_start3A_53 = arith.constant 0 : i32
    %dma_start3A_54 = tpu.memref_slice %arg3[%dma_start3A_52, %dma_start3A_53] : memref<1048576x32xf32, #tpu.memory_space<hbm>> -> memref<1048576x32xf32, #tpu.memory_space<hbm>>
    tpu.enqueue_indirect_dma source(%dma_start3A_54 : memref<1048576x32xf32, #tpu.memory_space<hbm>>) target(%arg7 : memref<1600x32xf32, #tpu.memory_space<vmem>>) offsets(%arg5 : memref<1600xi32, #tpu.memory_space<vmem>>) semaphore(%arg11 : memref<!tpu.dma_semaphore, #tpu.memory_space<semaphore_mem>>)
    %dma_wait3A_55 = arith.constant 0 : i32
    %dma_wait3A_56 = arith.constant 0 : i32
    %dma_wait3A_57 = tpu.memref_slice %arg3[%dma_wait3A_55, %dma_wait3A_56] : memref<1048576x32xf32, #tpu.memory_space<hbm>> -> memref<1048576x32xf32, #tpu.memory_space<hbm>>
    tpu.wait_indirect_dma semaphore(%arg12 : memref<!tpu.dma_semaphore, #tpu.memory_space<semaphore_mem>>) src(%dma_wait3A_57 : memref<1048576x32xf32, #tpu.memory_space<hbm>>) dst(%arg8 : memref<1600x32xf32, #tpu.memory_space<vmem>>)
    %add3A_58 = arith.constant 4800 : i32
    %add3A_59 = arith.addi %mul3A_2, %add3A_58 : i32
    %dma_start3A_60 = tpu.memref_slice %arg2[%add3A_59] : memref<819200xi32, #tpu.memory_space<hbm>> -> memref<1600xi32, #tpu.memory_space<hbm>>
    %dma_start3A_61 = tpu.memref_slice %arg2[%add3A_59] : memref<819200xi32, #tpu.memory_space<hbm>> -> memref<1600xi32, #tpu.memory_space<hbm>>
    tpu.enqueue_dma source(%dma_start3A_61 : memref<1600xi32, #tpu.memory_space<hbm>>) target(%arg6 : memref<1600xi32, #tpu.memory_space<vmem>>) target_semaphore(%arg10 : memref<!tpu.dma_semaphore, #tpu.memory_space<semaphore_mem>>)
    %add3A_62 = arith.constant 1600 : i32
    %add3A_63 = arith.addi %mul3A_2, %add3A_62 : i32
    %dma_start3A_64 = arith.constant 0 : i32
    %dma_start3A_65 = tpu.memref_slice %arg4[%add3A_63, %dma_start3A_64] : memref<819200x32xf32, #tpu.memory_space<hbm>> -> memref<1600x32xf32, #tpu.memory_space<hbm>>
    %dma_start3A_66 = arith.constant 0 : i32
    %dma_start3A_67 = tpu.memref_slice %arg4[%add3A_63, %dma_start3A_66] : memref<819200x32xf32, #tpu.memory_space<hbm>> -> memref<1600x32xf32, #tpu.memory_space<hbm>>
    tpu.enqueue_dma source(%arg8 : memref<1600x32xf32, #tpu.memory_space<vmem>>) target(%dma_start3A_67 : memref<1600x32xf32, #tpu.memory_space<hbm>>) target_semaphore(%arg14 : memref<!tpu.dma_semaphore, #tpu.memory_space<semaphore_mem>>)
    %dma_wait3A_68 = tpu.memref_slice %arg2[%add3A_59] : memref<819200xi32, #tpu.memory_space<hbm>> -> memref<1600xi32, #tpu.memory_space<hbm>>
    %dma_wait3A_69 = tpu.memref_slice %arg2[%add3A_59] : memref<819200xi32, #tpu.memory_space<hbm>> -> memref<1600xi32, #tpu.memory_space<hbm>>
    tpu.wait_dma2 semaphore(%arg10 : memref<!tpu.dma_semaphore, #tpu.memory_space<semaphore_mem>>) src(%dma_wait3A_69 : memref<1600xi32, #tpu.memory_space<hbm>>) dst(%arg6 : memref<1600xi32, #tpu.memory_space<vmem>>)
    %scan3A_70 = arith.constant 0 : i32
    %scan3A_71 = arith.constant 100 : i32
    %scan3A_72 = arith.addi %scan3A_70, %scan3A_71 : i32
    %scan3A_73 = arith.constant 4 : i32
    scf.for %scan3A_432 = %scan3A_70 to %scan3A_72 step %scan3A_73  : i32 {
      %mul3A_433 = arith.constant 1 : i32
      %mul3A_434 = arith.muli %scan3A_432, %mul3A_433 : i32
      %add3A_435 = arith.constant 0 : i32
      %add3A_436 = arith.addi %add3A_435, %mul3A_434 : i32
      %mul3A_437 = arith.constant 16 : i32
      %mul3A_438 = arith.muli %add3A_436, %mul3A_437 : i32
      %get3A = arith.index_cast %mul3A_438 : i32 to index
      %get3A_439 = tpu.vector_load %arg6[%get3A] {strides = array<i32>} : memref<1600xi32, #tpu.memory_space<vmem>>, vector<16xi32>,
      %get3A_440 = vector.shape_cast %get3A_439 : vector<16xi32> to vector<16xi32>
      %and3A = arith.constant 262143 : i32
      %and3A_441 = vector.broadcast %and3A : i32 to vector<16xi32>
      %and3A_442 = arith.andi %get3A_440, %and3A_441 : vector<16xi32>
      %shift_left3A = arith.constant 2 : i32
      %shift_left3A_443 = vector.broadcast %shift_left3A : i32 to vector<16xi32>
      %shift_left3A_444 = arith.shli %and3A_442, %shift_left3A_443 : vector<16xi32>
      %shift_right_arithmetic3A = arith.constant 18 : i32
      %shift_right_arithmetic3A_445 = vector.broadcast %shift_right_arithmetic3A : i32 to vector<16xi32>
      %shift_right_arithmetic3A_446 = arith.shrsi %get3A_440, %shift_right_arithmetic3A_445 : vector<16xi32>
      %or3A = arith.ori %shift_left3A_444, %shift_right_arithmetic3A_446 : vector<16xi32>
      %mul3A_447 = arith.constant 16 : i32
      %mul3A_448 = arith.muli %add3A_436, %mul3A_447 : i32
      %swap3A = arith.index_cast %mul3A_448 : i32 to index
      %swap3A_449 = tpu.vector_load %arg6[%swap3A] {strides = array<i32>} : memref<1600xi32, #tpu.memory_space<vmem>>, vector<16xi32>,
      %swap3A_450 = vector.shape_cast %swap3A_449 : vector<16xi32> to vector<16xi32>
      %swap3A_451 = vector.shape_cast %or3A : vector<16xi32> to vector<16xi32>
      tpu.vector_store %arg6[%swap3A], %swap3A_451 {strides = array<i32>} : memref<1600xi32, #tpu.memory_space<vmem>>, vector<16xi32>,
      %scan3A_452 = arith.constant 1 : i32
      %scan3A_453 = arith.addi %scan3A_432, %scan3A_452 : i32
      %mul3A_454 = arith.constant 1 : i32
      %mul3A_455 = arith.muli %scan3A_453, %mul3A_454 : i32
      %add3A_456 = arith.constant 0 : i32
      %add3A_457 = arith.addi %add3A_456, %mul3A_455 : i32
      %mul3A_458 = arith.constant 16 : i32
      %mul3A_459 = arith.muli %add3A_457, %mul3A_458 : i32
      %get3A_460 = arith.index_cast %mul3A_459 : i32 to index
      %get3A_461 = tpu.vector_load %arg6[%get3A_460] {strides = array<i32>} : memref<1600xi32, #tpu.memory_space<vmem>>, vector<16xi32>,
      %get3A_462 = vector.shape_cast %get3A_461 : vector<16xi32> to vector<16xi32>
      %and3A_463 = arith.constant 262143 : i32
      %and3A_464 = vector.broadcast %and3A_463 : i32 to vector<16xi32>
      %and3A_465 = arith.andi %get3A_462, %and3A_464 : vector<16xi32>
      %shift_left3A_466 = arith.constant 2 : i32
      %shift_left3A_467 = vector.broadcast %shift_left3A_466 : i32 to vector<16xi32>
      %shift_left3A_468 = arith.shli %and3A_465, %shift_left3A_467 : vector<16xi32>
      %shift_right_arithmetic3A_469 = arith.constant 18 : i32
      %shift_right_arithmetic3A_470 = vector.broadcast %shift_right_arithmetic3A_469 : i32 to vector<16xi32>
      %shift_right_arithmetic3A_471 = arith.shrsi %get3A_462, %shift_right_arithmetic3A_470 : vector<16xi32>
      %or3A_472 = arith.ori %shift_left3A_468, %shift_right_arithmetic3A_471 : vector<16xi32>
      %mul3A_473 = arith.constant 16 : i32
      %mul3A_474 = arith.muli %add3A_457, %mul3A_473 : i32
      %swap3A_475 = arith.index_cast %mul3A_474 : i32 to index
      %swap3A_476 = tpu.vector_load %arg6[%swap3A_475] {strides = array<i32>} : memref<1600xi32, #tpu.memory_space<vmem>>, vector<16xi32>,
      %swap3A_477 = vector.shape_cast %swap3A_476 : vector<16xi32> to vector<16xi32>
      %swap3A_478 = vector.shape_cast %or3A_472 : vector<16xi32> to vector<16xi32>
      tpu.vector_store %arg6[%swap3A_475], %swap3A_478 {strides = array<i32>} : memref<1600xi32, #tpu.memory_space<vmem>>, vector<16xi32>,
      %scan3A_479 = arith.constant 2 : i32
      %scan3A_480 = arith.addi %scan3A_432, %scan3A_479 : i32
      %mul3A_481 = arith.constant 1 : i32
      %mul3A_482 = arith.muli %scan3A_480, %mul3A_481 : i32
      %add3A_483 = arith.constant 0 : i32
      %add3A_484 = arith.addi %add3A_483, %mul3A_482 : i32
      %mul3A_485 = arith.constant 16 : i32
      %mul3A_486 = arith.muli %add3A_484, %mul3A_485 : i32
      %get3A_487 = arith.index_cast %mul3A_486 : i32 to index
      %get3A_488 = tpu.vector_load %arg6[%get3A_487] {strides = array<i32>} : memref<1600xi32, #tpu.memory_space<vmem>>, vector<16xi32>,
      %get3A_489 = vector.shape_cast %get3A_488 : vector<16xi32> to vector<16xi32>
      %and3A_490 = arith.constant 262143 : i32
      %and3A_491 = vector.broadcast %and3A_490 : i32 to vector<16xi32>
      %and3A_492 = arith.andi %get3A_489, %and3A_491 : vector<16xi32>
      %shift_left3A_493 = arith.constant 2 : i32
      %shift_left3A_494 = vector.broadcast %shift_left3A_493 : i32 to vector<16xi32>
      %shift_left3A_495 = arith.shli %and3A_492, %shift_left3A_494 : vector<16xi32>
      %shift_right_arithmetic3A_496 = arith.constant 18 : i32
      %shift_right_arithmetic3A_497 = vector.broadcast %shift_right_arithmetic3A_496 : i32 to vector<16xi32>
      %shift_right_arithmetic3A_498 = arith.shrsi %get3A_489, %shift_right_arithmetic3A_497 : vector<16xi32>
      %or3A_499 = arith.ori %shift_left3A_495, %shift_right_arithmetic3A_498 : vector<16xi32>
      %mul3A_500 = arith.constant 16 : i32
      %mul3A_501 = arith.muli %add3A_484, %mul3A_500 : i32
      %swap3A_502 = arith.index_cast %mul3A_501 : i32 to index
      %swap3A_503 = tpu.vector_load %arg6[%swap3A_502] {strides = array<i32>} : memref<1600xi32, #tpu.memory_space<vmem>>, vector<16xi32>,
      %swap3A_504 = vector.shape_cast %swap3A_503 : vector<16xi32> to vector<16xi32>
      %swap3A_505 = vector.shape_cast %or3A_499 : vector<16xi32> to vector<16xi32>
      tpu.vector_store %arg6[%swap3A_502], %swap3A_505 {strides = array<i32>} : memref<1600xi32, #tpu.memory_space<vmem>>, vector<16xi32>,
      %scan3A_506 = arith.constant 3 : i32
      %scan3A_507 = arith.addi %scan3A_432, %scan3A_506 : i32
      %mul3A_508 = arith.constant 1 : i32
      %mul3A_509 = arith.muli %scan3A_507, %mul3A_508 : i32
      %add3A_510 = arith.constant 0 : i32
      %add3A_511 = arith.addi %add3A_510, %mul3A_509 : i32
      %mul3A_512 = arith.constant 16 : i32
      %mul3A_513 = arith.muli %add3A_511, %mul3A_512 : i32
      %get3A_514 = arith.index_cast %mul3A_513 : i32 to index
      %get3A_515 = tpu.vector_load %arg6[%get3A_514] {strides = array<i32>} : memref<1600xi32, #tpu.memory_space<vmem>>, vector<16xi32>,
      %get3A_516 = vector.shape_cast %get3A_515 : vector<16xi32> to vector<16xi32>
      %and3A_517 = arith.constant 262143 : i32
      %and3A_518 = vector.broadcast %and3A_517 : i32 to vector<16xi32>
      %and3A_519 = arith.andi %get3A_516, %and3A_518 : vector<16xi32>
      %shift_left3A_520 = arith.constant 2 : i32
      %shift_left3A_521 = vector.broadcast %shift_left3A_520 : i32 to vector<16xi32>
      %shift_left3A_522 = arith.shli %and3A_519, %shift_left3A_521 : vector<16xi32>
      %shift_right_arithmetic3A_523 = arith.constant 18 : i32
      %shift_right_arithmetic3A_524 = vector.broadcast %shift_right_arithmetic3A_523 : i32 to vector<16xi32>
      %shift_right_arithmetic3A_525 = arith.shrsi %get3A_516, %shift_right_arithmetic3A_524 : vector<16xi32>
      %or3A_526 = arith.ori %shift_left3A_522, %shift_right_arithmetic3A_525 : vector<16xi32>
      %mul3A_527 = arith.constant 16 : i32
      %mul3A_528 = arith.muli %add3A_511, %mul3A_527 : i32
      %swap3A_529 = arith.index_cast %mul3A_528 : i32 to index
      %swap3A_530 = tpu.vector_load %arg6[%swap3A_529] {strides = array<i32>} : memref<1600xi32, #tpu.memory_space<vmem>>, vector<16xi32>,
      %swap3A_531 = vector.shape_cast %swap3A_530 : vector<16xi32> to vector<16xi32>
      %swap3A_532 = vector.shape_cast %or3A_526 : vector<16xi32> to vector<16xi32>
      tpu.vector_store %arg6[%swap3A_529], %swap3A_532 {strides = array<i32>} : memref<1600xi32, #tpu.memory_space<vmem>>, vector<16xi32>,
    }
    %scan3A_74 = arith.constant 100 : i32
    %dma_wait3A_75 = arith.constant 0 : i32
    %dma_wait3A_76 = tpu.memref_slice %arg4[%add3A_63, %dma_wait3A_75] : memref<819200x32xf32, #tpu.memory_space<hbm>> -> memref<1600x32xf32, #tpu.memory_space<hbm>>
    %dma_wait3A_77 = arith.constant 0 : i32
    %dma_wait3A_78 = tpu.memref_slice %arg4[%add3A_63, %dma_wait3A_77] : memref<819200x32xf32, #tpu.memory_space<hbm>> -> memref<1600x32xf32, #tpu.memory_space<hbm>>
    tpu.wait_dma2 semaphore(%arg14 : memref<!tpu.dma_semaphore, #tpu.memory_space<semaphore_mem>>) src(%arg8 : memref<1600x32xf32, #tpu.memory_space<vmem>>) dst(%dma_wait3A_78 : memref<1600x32xf32, #tpu.memory_space<hbm>>)
    %dma_start3A_79 = arith.constant 0 : i32
    %dma_start3A_80 = arith.constant 0 : i32
    %dma_start3A_81 = tpu.memref_slice %arg3[%dma_start3A_79, %dma_start3A_80] : memref<1048576x32xf32, #tpu.memory_space<hbm>> -> memref<1048576x32xf32, #tpu.memory_space<hbm>>
    tpu.enqueue_indirect_dma source(%dma_start3A_81 : memref<1048576x32xf32, #tpu.memory_space<hbm>>) target(%arg8 : memref<1600x32xf32, #tpu.memory_space<vmem>>) offsets(%arg6 : memref<1600xi32, #tpu.memory_space<vmem>>) semaphore(%arg12 : memref<!tpu.dma_semaphore, #tpu.memory_space<semaphore_mem>>)
    %dma_wait3A_82 = arith.constant 0 : i32
    %dma_wait3A_83 = arith.constant 0 : i32
    %dma_wait3A_84 = tpu.memref_slice %arg3[%dma_wait3A_82, %dma_wait3A_83] : memref<1048576x32xf32, #tpu.memory_space<hbm>> -> memref<1048576x32xf32, #tpu.memory_space<hbm>>
    tpu.wait_indirect_dma semaphore(%arg11 : memref<!tpu.dma_semaphore, #tpu.memory_space<semaphore_mem>>) src(%dma_wait3A_84 : memref<1048576x32xf32, #tpu.memory_space<hbm>>) dst(%arg7 : memref<1600x32xf32, #tpu.memory_space<vmem>>)
    %add3A_85 = arith.constant 6400 : i32
    %add3A_86 = arith.addi %mul3A_2, %add3A_85 : i32
    %dma_start3A_87 = tpu.memref_slice %arg2[%add3A_86] : memref<819200xi32, #tpu.memory_space<hbm>> -> memref<1600xi32, #tpu.memory_space<hbm>>
    %dma_start3A_88 = tpu.memref_slice %arg2[%add3A_86] : memref<819200xi32, #tpu.memory_space<hbm>> -> memref<1600xi32, #tpu.memory_space<hbm>>
    tpu.enqueue_dma source(%dma_start3A_88 : memref<1600xi32, #tpu.memory_space<hbm>>) target(%arg5 : memref<1600xi32, #tpu.memory_space<vmem>>) target_semaphore(%arg9 : memref<!tpu.dma_semaphore, #tpu.memory_space<semaphore_mem>>)
    %add3A_89 = arith.constant 3200 : i32
    %add3A_90 = arith.addi %mul3A_2, %add3A_89 : i32
    %dma_start3A_91 = arith.constant 0 : i32
    %dma_start3A_92 = tpu.memref_slice %arg4[%add3A_90, %dma_start3A_91] : memref<819200x32xf32, #tpu.memory_space<hbm>> -> memref<1600x32xf32, #tpu.memory_space<hbm>>
    %dma_start3A_93 = arith.constant 0 : i32
    %dma_start3A_94 = tpu.memref_slice %arg4[%add3A_90, %dma_start3A_93] : memref<819200x32xf32, #tpu.memory_space<hbm>> -> memref<1600x32xf32, #tpu.memory_space<hbm>>
    tpu.enqueue_dma source(%arg7 : memref<1600x32xf32, #tpu.memory_space<vmem>>) target(%dma_start3A_94 : memref<1600x32xf32, #tpu.memory_space<hbm>>) target_semaphore(%arg13 : memref<!tpu.dma_semaphore, #tpu.memory_space<semaphore_mem>>)
    %dma_wait3A_95 = tpu.memref_slice %arg2[%add3A_86] : memref<819200xi32, #tpu.memory_space<hbm>> -> memref<1600xi32, #tpu.memory_space<hbm>>
    %dma_wait3A_96 = tpu.memref_slice %arg2[%add3A_86] : memref<819200xi32, #tpu.memory_space<hbm>> -> memref<1600xi32, #tpu.memory_space<hbm>>
    tpu.wait_dma2 semaphore(%arg9 : memref<!tpu.dma_semaphore, #tpu.memory_space<semaphore_mem>>) src(%dma_wait3A_96 : memref<1600xi32, #tpu.memory_space<hbm>>) dst(%arg5 : memref<1600xi32, #tpu.memory_space<vmem>>)
    %scan3A_97 = arith.constant 0 : i32
    %scan3A_98 = arith.constant 100 : i32
    %scan3A_99 = arith.addi %scan3A_97, %scan3A_98 : i32
    %scan3A_100 = arith.constant 4 : i32
    scf.for %scan3A_432 = %scan3A_97 to %scan3A_99 step %scan3A_100  : i32 {
      %mul3A_433 = arith.constant 1 : i32
      %mul3A_434 = arith.muli %scan3A_432, %mul3A_433 : i32
      %add3A_435 = arith.constant 0 : i32
      %add3A_436 = arith.addi %add3A_435, %mul3A_434 : i32
      %mul3A_437 = arith.constant 16 : i32
      %mul3A_438 = arith.muli %add3A_436, %mul3A_437 : i32
      %get3A = arith.index_cast %mul3A_438 : i32 to index
      %get3A_439 = tpu.vector_load %arg5[%get3A] {strides = array<i32>} : memref<1600xi32, #tpu.memory_space<vmem>>, vector<16xi32>,
      %get3A_440 = vector.shape_cast %get3A_439 : vector<16xi32> to vector<16xi32>
      %and3A = arith.constant 262143 : i32
      %and3A_441 = vector.broadcast %and3A : i32 to vector<16xi32>
      %and3A_442 = arith.andi %get3A_440, %and3A_441 : vector<16xi32>
      %shift_left3A = arith.constant 2 : i32
      %shift_left3A_443 = vector.broadcast %shift_left3A : i32 to vector<16xi32>
      %shift_left3A_444 = arith.shli %and3A_442, %shift_left3A_443 : vector<16xi32>
      %shift_right_arithmetic3A = arith.constant 18 : i32
      %shift_right_arithmetic3A_445 = vector.broadcast %shift_right_arithmetic3A : i32 to vector<16xi32>
      %shift_right_arithmetic3A_446 = arith.shrsi %get3A_440, %shift_right_arithmetic3A_445 : vector<16xi32>
      %or3A = arith.ori %shift_left3A_444, %shift_right_arithmetic3A_446 : vector<16xi32>
      %mul3A_447 = arith.constant 16 : i32
      %mul3A_448 = arith.muli %add3A_436, %mul3A_447 : i32
      %swap3A = arith.index_cast %mul3A_448 : i32 to index
      %swap3A_449 = tpu.vector_load %arg5[%swap3A] {strides = array<i32>} : memref<1600xi32, #tpu.memory_space<vmem>>, vector<16xi32>,
      %swap3A_450 = vector.shape_cast %swap3A_449 : vector<16xi32> to vector<16xi32>
      %swap3A_451 = vector.shape_cast %or3A : vector<16xi32> to vector<16xi32>
      tpu.vector_store %arg5[%swap3A], %swap3A_451 {strides = array<i32>} : memref<1600xi32, #tpu.memory_space<vmem>>, vector<16xi32>,
      %scan3A_452 = arith.constant 1 : i32
      %scan3A_453 = arith.addi %scan3A_432, %scan3A_452 : i32
      %mul3A_454 = arith.constant 1 : i32
      %mul3A_455 = arith.muli %scan3A_453, %mul3A_454 : i32
      %add3A_456 = arith.constant 0 : i32
      %add3A_457 = arith.addi %add3A_456, %mul3A_455 : i32
      %mul3A_458 = arith.constant 16 : i32
      %mul3A_459 = arith.muli %add3A_457, %mul3A_458 : i32
      %get3A_460 = arith.index_cast %mul3A_459 : i32 to index
      %get3A_461 = tpu.vector_load %arg5[%get3A_460] {strides = array<i32>} : memref<1600xi32, #tpu.memory_space<vmem>>, vector<16xi32>,
      %get3A_462 = vector.shape_cast %get3A_461 : vector<16xi32> to vector<16xi32>
      %and3A_463 = arith.constant 262143 : i32
      %and3A_464 = vector.broadcast %and3A_463 : i32 to vector<16xi32>
      %and3A_465 = arith.andi %get3A_462, %and3A_464 : vector<16xi32>
      %shift_left3A_466 = arith.constant 2 : i32
      %shift_left3A_467 = vector.broadcast %shift_left3A_466 : i32 to vector<16xi32>
      %shift_left3A_468 = arith.shli %and3A_465, %shift_left3A_467 : vector<16xi32>
      %shift_right_arithmetic3A_469 = arith.constant 18 : i32
      %shift_right_arithmetic3A_470 = vector.broadcast %shift_right_arithmetic3A_469 : i32 to vector<16xi32>
      %shift_right_arithmetic3A_471 = arith.shrsi %get3A_462, %shift_right_arithmetic3A_470 : vector<16xi32>
      %or3A_472 = arith.ori %shift_left3A_468, %shift_right_arithmetic3A_471 : vector<16xi32>
      %mul3A_473 = arith.constant 16 : i32
      %mul3A_474 = arith.muli %add3A_457, %mul3A_473 : i32
      %swap3A_475 = arith.index_cast %mul3A_474 : i32 to index
      %swap3A_476 = tpu.vector_load %arg5[%swap3A_475] {strides = array<i32>} : memref<1600xi32, #tpu.memory_space<vmem>>, vector<16xi32>,
      %swap3A_477 = vector.shape_cast %swap3A_476 : vector<16xi32> to vector<16xi32>
      %swap3A_478 = vector.shape_cast %or3A_472 : vector<16xi32> to vector<16xi32>
      tpu.vector_store %arg5[%swap3A_475], %swap3A_478 {strides = array<i32>} : memref<1600xi32, #tpu.memory_space<vmem>>, vector<16xi32>,
      %scan3A_479 = arith.constant 2 : i32
      %scan3A_480 = arith.addi %scan3A_432, %scan3A_479 : i32
      %mul3A_481 = arith.constant 1 : i32
      %mul3A_482 = arith.muli %scan3A_480, %mul3A_481 : i32
      %add3A_483 = arith.constant 0 : i32
      %add3A_484 = arith.addi %add3A_483, %mul3A_482 : i32
      %mul3A_485 = arith.constant 16 : i32
      %mul3A_486 = arith.muli %add3A_484, %mul3A_485 : i32
      %get3A_487 = arith.index_cast %mul3A_486 : i32 to index
      %get3A_488 = tpu.vector_load %arg5[%get3A_487] {strides = array<i32>} : memref<1600xi32, #tpu.memory_space<vmem>>, vector<16xi32>,
      %get3A_489 = vector.shape_cast %get3A_488 : vector<16xi32> to vector<16xi32>
      %and3A_490 = arith.constant 262143 : i32
      %and3A_491 = vector.broadcast %and3A_490 : i32 to vector<16xi32>
      %and3A_492 = arith.andi %get3A_489, %and3A_491 : vector<16xi32>
      %shift_left3A_493 = arith.constant 2 : i32
      %shift_left3A_494 = vector.broadcast %shift_left3A_493 : i32 to vector<16xi32>
      %shift_left3A_495 = arith.shli %and3A_492, %shift_left3A_494 : vector<16xi32>
      %shift_right_arithmetic3A_496 = arith.constant 18 : i32
      %shift_right_arithmetic3A_497 = vector.broadcast %shift_right_arithmetic3A_496 : i32 to vector<16xi32>
      %shift_right_arithmetic3A_498 = arith.shrsi %get3A_489, %shift_right_arithmetic3A_497 : vector<16xi32>
      %or3A_499 = arith.ori %shift_left3A_495, %shift_right_arithmetic3A_498 : vector<16xi32>
      %mul3A_500 = arith.constant 16 : i32
      %mul3A_501 = arith.muli %add3A_484, %mul3A_500 : i32
      %swap3A_502 = arith.index_cast %mul3A_501 : i32 to index
      %swap3A_503 = tpu.vector_load %arg5[%swap3A_502] {strides = array<i32>} : memref<1600xi32, #tpu.memory_space<vmem>>, vector<16xi32>,
      %swap3A_504 = vector.shape_cast %swap3A_503 : vector<16xi32> to vector<16xi32>
      %swap3A_505 = vector.shape_cast %or3A_499 : vector<16xi32> to vector<16xi32>
      tpu.vector_store %arg5[%swap3A_502], %swap3A_505 {strides = array<i32>} : memref<1600xi32, #tpu.memory_space<vmem>>, vector<16xi32>,
      %scan3A_506 = arith.constant 3 : i32
      %scan3A_507 = arith.addi %scan3A_432, %scan3A_506 : i32
      %mul3A_508 = arith.constant 1 : i32
      %mul3A_509 = arith.muli %scan3A_507, %mul3A_508 : i32
      %add3A_510 = arith.constant 0 : i32
      %add3A_511 = arith.addi %add3A_510, %mul3A_509 : i32
      %mul3A_512 = arith.constant 16 : i32
      %mul3A_513 = arith.muli %add3A_511, %mul3A_512 : i32
      %get3A_514 = arith.index_cast %mul3A_513 : i32 to index
      %get3A_515 = tpu.vector_load %arg5[%get3A_514] {strides = array<i32>} : memref<1600xi32, #tpu.memory_space<vmem>>, vector<16xi32>,
      %get3A_516 = vector.shape_cast %get3A_515 : vector<16xi32> to vector<16xi32>
      %and3A_517 = arith.constant 262143 : i32
      %and3A_518 = vector.broadcast %and3A_517 : i32 to vector<16xi32>
      %and3A_519 = arith.andi %get3A_516, %and3A_518 : vector<16xi32>
      %shift_left3A_520 = arith.constant 2 : i32
      %shift_left3A_521 = vector.broadcast %shift_left3A_520 : i32 to vector<16xi32>
      %shift_left3A_522 = arith.shli %and3A_519, %shift_left3A_521 : vector<16xi32>
      %shift_right_arithmetic3A_523 = arith.constant 18 : i32
      %shift_right_arithmetic3A_524 = vector.broadcast %shift_right_arithmetic3A_523 : i32 to vector<16xi32>
      %shift_right_arithmetic3A_525 = arith.shrsi %get3A_516, %shift_right_arithmetic3A_524 : vector<16xi32>
      %or3A_526 = arith.ori %shift_left3A_522, %shift_right_arithmetic3A_525 : vector<16xi32>
      %mul3A_527 = arith.constant 16 : i32
      %mul3A_528 = arith.muli %add3A_511, %mul3A_527 : i32
      %swap3A_529 = arith.index_cast %mul3A_528 : i32 to index
      %swap3A_530 = tpu.vector_load %arg5[%swap3A_529] {strides = array<i32>} : memref<1600xi32, #tpu.memory_space<vmem>>, vector<16xi32>,
      %swap3A_531 = vector.shape_cast %swap3A_530 : vector<16xi32> to vector<16xi32>
      %swap3A_532 = vector.shape_cast %or3A_526 : vector<16xi32> to vector<16xi32>
      tpu.vector_store %arg5[%swap3A_529], %swap3A_532 {strides = array<i32>} : memref<1600xi32, #tpu.memory_space<vmem>>, vector<16xi32>,
    }
    %scan3A_101 = arith.constant 100 : i32
    %dma_wait3A_102 = arith.constant 0 : i32
    %dma_wait3A_103 = tpu.memref_slice %arg4[%add3A_90, %dma_wait3A_102] : memref<819200x32xf32, #tpu.memory_space<hbm>> -> memref<1600x32xf32, #tpu.memory_space<hbm>>
    %dma_wait3A_104 = arith.constant 0 : i32
    %dma_wait3A_105 = tpu.memref_slice %arg4[%add3A_90, %dma_wait3A_104] : memref<819200x32xf32, #tpu.memory_space<hbm>> -> memref<1600x32xf32, #tpu.memory_space<hbm>>
    tpu.wait_dma2 semaphore(%arg13 : memref<!tpu.dma_semaphore, #tpu.memory_space<semaphore_mem>>) src(%arg7 : memref<1600x32xf32, #tpu.memory_space<vmem>>) dst(%dma_wait3A_105 : memref<1600x32xf32, #tpu.memory_space<hbm>>)
    %dma_start3A_106 = arith.constant 0 : i32
    %dma_start3A_107 = arith.constant 0 : i32
    %dma_start3A_108 = tpu.memref_slice %arg3[%dma_start3A_106, %dma_start3A_107] : memref<1048576x32xf32, #tpu.memory_space<hbm>> -> memref<1048576x32xf32, #tpu.memory_space<hbm>>
    tpu.enqueue_indirect_dma source(%dma_start3A_108 : memref<1048576x32xf32, #tpu.memory_space<hbm>>) target(%arg7 : memref<1600x32xf32, #tpu.memory_space<vmem>>) offsets(%arg5 : memref<1600xi32, #tpu.memory_space<vmem>>) semaphore(%arg11 : memref<!tpu.dma_semaphore, #tpu.memory_space<semaphore_mem>>)
    %dma_wait3A_109 = arith.constant 0 : i32
    %dma_wait3A_110 = arith.constant 0 : i32
    %dma_wait3A_111 = tpu.memref_slice %arg3[%dma_wait3A_109, %dma_wait3A_110] : memref<1048576x32xf32, #tpu.memory_space<hbm>> -> memref<1048576x32xf32, #tpu.memory_space<hbm>>
    tpu.wait_indirect_dma semaphore(%arg12 : memref<!tpu.dma_semaphore, #tpu.memory_space<semaphore_mem>>) src(%dma_wait3A_111 : memref<1048576x32xf32, #tpu.memory_space<hbm>>) dst(%arg8 : memref<1600x32xf32, #tpu.memory_space<vmem>>)
    %add3A_112 = arith.constant 8000 : i32
    %add3A_113 = arith.addi %mul3A_2, %add3A_112 : i32
    %dma_start3A_114 = tpu.memref_slice %arg2[%add3A_113] : memref<819200xi32, #tpu.memory_space<hbm>> -> memref<1600xi32, #tpu.memory_space<hbm>>
    %dma_start3A_115 = tpu.memref_slice %arg2[%add3A_113] : memref<819200xi32, #tpu.memory_space<hbm>> -> memref<1600xi32, #tpu.memory_space<hbm>>
    tpu.enqueue_dma source(%dma_start3A_115 : memref<1600xi32, #tpu.memory_space<hbm>>) target(%arg6 : memref<1600xi32, #tpu.memory_space<vmem>>) target_semaphore(%arg10 : memref<!tpu.dma_semaphore, #tpu.memory_space<semaphore_mem>>)
    %add3A_116 = arith.constant 4800 : i32
    %add3A_117 = arith.addi %mul3A_2, %add3A_116 : i32
    %dma_start3A_118 = arith.constant 0 : i32
    %dma_start3A_119 = tpu.memref_slice %arg4[%add3A_117, %dma_start3A_118] : memref<819200x32xf32, #tpu.memory_space<hbm>> -> memref<1600x32xf32, #tpu.memory_space<hbm>>
    %dma_start3A_120 = arith.constant 0 : i32
    %dma_start3A_121 = tpu.memref_slice %arg4[%add3A_117, %dma_start3A_120] : memref<819200x32xf32, #tpu.memory_space<hbm>> -> memref<1600x32xf32, #tpu.memory_space<hbm>>
    tpu.enqueue_dma source(%arg8 : memref<1600x32xf32, #tpu.memory_space<vmem>>) target(%dma_start3A_121 : memref<1600x32xf32, #tpu.memory_space<hbm>>) target_semaphore(%arg14 : memref<!tpu.dma_semaphore, #tpu.memory_space<semaphore_mem>>)
    %dma_wait3A_122 = tpu.memref_slice %arg2[%add3A_113] : memref<819200xi32, #tpu.memory_space<hbm>> -> memref<1600xi32, #tpu.memory_space<hbm>>
    %dma_wait3A_123 = tpu.memref_slice %arg2[%add3A_113] : memref<819200xi32, #tpu.memory_space<hbm>> -> memref<1600xi32, #tpu.memory_space<hbm>>
    tpu.wait_dma2 semaphore(%arg10 : memref<!tpu.dma_semaphore, #tpu.memory_space<semaphore_mem>>) src(%dma_wait3A_123 : memref<1600xi32, #tpu.memory_space<hbm>>) dst(%arg6 : memref<1600xi32, #tpu.memory_space<vmem>>)
    %scan3A_124 = arith.constant 0 : i32
    %scan3A_125 = arith.constant 100 : i32
    %scan3A_126 = arith.addi %scan3A_124, %scan3A_125 : i32
    %scan3A_127 = arith.constant 4 : i32
    scf.for %scan3A_432 = %scan3A_124 to %scan3A_126 step %scan3A_127  : i32 {
      %mul3A_433 = arith.constant 1 : i32
      %mul3A_434 = arith.muli %scan3A_432, %mul3A_433 : i32
      %add3A_435 = arith.constant 0 : i32
      %add3A_436 = arith.addi %add3A_435, %mul3A_434 : i32
      %mul3A_437 = arith.constant 16 : i32
      %mul3A_438 = arith.muli %add3A_436, %mul3A_437 : i32
      %get3A = arith.index_cast %mul3A_438 : i32 to index
      %get3A_439 = tpu.vector_load %arg6[%get3A] {strides = array<i32>} : memref<1600xi32, #tpu.memory_space<vmem>>, vector<16xi32>,
      %get3A_440 = vector.shape_cast %get3A_439 : vector<16xi32> to vector<16xi32>
      %and3A = arith.constant 262143 : i32
      %and3A_441 = vector.broadcast %and3A : i32 to vector<16xi32>
      %and3A_442 = arith.andi %get3A_440, %and3A_441 : vector<16xi32>
      %shift_left3A = arith.constant 2 : i32
      %shift_left3A_443 = vector.broadcast %shift_left3A : i32 to vector<16xi32>
      %shift_left3A_444 = arith.shli %and3A_442, %shift_left3A_443 : vector<16xi32>
      %shift_right_arithmetic3A = arith.constant 18 : i32
      %shift_right_arithmetic3A_445 = vector.broadcast %shift_right_arithmetic3A : i32 to vector<16xi32>
      %shift_right_arithmetic3A_446 = arith.shrsi %get3A_440, %shift_right_arithmetic3A_445 : vector<16xi32>
      %or3A = arith.ori %shift_left3A_444, %shift_right_arithmetic3A_446 : vector<16xi32>
      %mul3A_447 = arith.constant 16 : i32
      %mul3A_448 = arith.muli %add3A_436, %mul3A_447 : i32
      %swap3A = arith.index_cast %mul3A_448 : i32 to index
      %swap3A_449 = tpu.vector_load %arg6[%swap3A] {strides = array<i32>} : memref<1600xi32, #tpu.memory_space<vmem>>, vector<16xi32>,
      %swap3A_450 = vector.shape_cast %swap3A_449 : vector<16xi32> to vector<16xi32>
      %swap3A_451 = vector.shape_cast %or3A : vector<16xi32> to vector<16xi32>
      tpu.vector_store %arg6[%swap3A], %swap3A_451 {strides = array<i32>} : memref<1600xi32, #tpu.memory_space<vmem>>, vector<16xi32>,
      %scan3A_452 = arith.constant 1 : i32
      %scan3A_453 = arith.addi %scan3A_432, %scan3A_452 : i32
      %mul3A_454 = arith.constant 1 : i32
      %mul3A_455 = arith.muli %scan3A_453, %mul3A_454 : i32
      %add3A_456 = arith.constant 0 : i32
      %add3A_457 = arith.addi %add3A_456, %mul3A_455 : i32
      %mul3A_458 = arith.constant 16 : i32
      %mul3A_459 = arith.muli %add3A_457, %mul3A_458 : i32
      %get3A_460 = arith.index_cast %mul3A_459 : i32 to index
      %get3A_461 = tpu.vector_load %arg6[%get3A_460] {strides = array<i32>} : memref<1600xi32, #tpu.memory_space<vmem>>, vector<16xi32>,
      %get3A_462 = vector.shape_cast %get3A_461 : vector<16xi32> to vector<16xi32>
      %and3A_463 = arith.constant 262143 : i32
      %and3A_464 = vector.broadcast %and3A_463 : i32 to vector<16xi32>
      %and3A_465 = arith.andi %get3A_462, %and3A_464 : vector<16xi32>
      %shift_left3A_466 = arith.constant 2 : i32
      %shift_left3A_467 = vector.broadcast %shift_left3A_466 : i32 to vector<16xi32>
      %shift_left3A_468 = arith.shli %and3A_465, %shift_left3A_467 : vector<16xi32>
      %shift_right_arithmetic3A_469 = arith.constant 18 : i32
      %shift_right_arithmetic3A_470 = vector.broadcast %shift_right_arithmetic3A_469 : i32 to vector<16xi32>
      %shift_right_arithmetic3A_471 = arith.shrsi %get3A_462, %shift_right_arithmetic3A_470 : vector<16xi32>
      %or3A_472 = arith.ori %shift_left3A_468, %shift_right_arithmetic3A_471 : vector<16xi32>
      %mul3A_473 = arith.constant 16 : i32
      %mul3A_474 = arith.muli %add3A_457, %mul3A_473 : i32
      %swap3A_475 = arith.index_cast %mul3A_474 : i32 to index
      %swap3A_476 = tpu.vector_load %arg6[%swap3A_475] {strides = array<i32>} : memref<1600xi32, #tpu.memory_space<vmem>>, vector<16xi32>,
      %swap3A_477 = vector.shape_cast %swap3A_476 : vector<16xi32> to vector<16xi32>
      %swap3A_478 = vector.shape_cast %or3A_472 : vector<16xi32> to vector<16xi32>
      tpu.vector_store %arg6[%swap3A_475], %swap3A_478 {strides = array<i32>} : memref<1600xi32, #tpu.memory_space<vmem>>, vector<16xi32>,
      %scan3A_479 = arith.constant 2 : i32
      %scan3A_480 = arith.addi %scan3A_432, %scan3A_479 : i32
      %mul3A_481 = arith.constant 1 : i32
      %mul3A_482 = arith.muli %scan3A_480, %mul3A_481 : i32
      %add3A_483 = arith.constant 0 : i32
      %add3A_484 = arith.addi %add3A_483, %mul3A_482 : i32
      %mul3A_485 = arith.constant 16 : i32
      %mul3A_486 = arith.muli %add3A_484, %mul3A_485 : i32
      %get3A_487 = arith.index_cast %mul3A_486 : i32 to index
      %get3A_488 = tpu.vector_load %arg6[%get3A_487] {strides = array<i32>} : memref<1600xi32, #tpu.memory_space<vmem>>, vector<16xi32>,
      %get3A_489 = vector.shape_cast %get3A_488 : vector<16xi32> to vector<16xi32>
      %and3A_490 = arith.constant 262143 : i32
      %and3A_491 = vector.broadcast %and3A_490 : i32 to vector<16xi32>
      %and3A_492 = arith.andi %get3A_489, %and3A_491 : vector<16xi32>
      %shift_left3A_493 = arith.constant 2 : i32
      %shift_left3A_494 = vector.broadcast %shift_left3A_493 : i32 to vector<16xi32>
      %shift_left3A_495 = arith.shli %and3A_492, %shift_left3A_494 : vector<16xi32>
      %shift_right_arithmetic3A_496 = arith.constant 18 : i32
      %shift_right_arithmetic3A_497 = vector.broadcast %shift_right_arithmetic3A_496 : i32 to vector<16xi32>
      %shift_right_arithmetic3A_498 = arith.shrsi %get3A_489, %shift_right_arithmetic3A_497 : vector<16xi32>
      %or3A_499 = arith.ori %shift_left3A_495, %shift_right_arithmetic3A_498 : vector<16xi32>
      %mul3A_500 = arith.constant 16 : i32
      %mul3A_501 = arith.muli %add3A_484, %mul3A_500 : i32
      %swap3A_502 = arith.index_cast %mul3A_501 : i32 to index
      %swap3A_503 = tpu.vector_load %arg6[%swap3A_502] {strides = array<i32>} : memref<1600xi32, #tpu.memory_space<vmem>>, vector<16xi32>,
      %swap3A_504 = vector.shape_cast %swap3A_503 : vector<16xi32> to vector<16xi32>
      %swap3A_505 = vector.shape_cast %or3A_499 : vector<16xi32> to vector<16xi32>
      tpu.vector_store %arg6[%swap3A_502], %swap3A_505 {strides = array<i32>} : memref<1600xi32, #tpu.memory_space<vmem>>, vector<16xi32>,
      %scan3A_506 = arith.constant 3 : i32
      %scan3A_507 = arith.addi %scan3A_432, %scan3A_506 : i32
      %mul3A_508 = arith.constant 1 : i32
      %mul3A_509 = arith.muli %scan3A_507, %mul3A_508 : i32
      %add3A_510 = arith.constant 0 : i32
      %add3A_511 = arith.addi %add3A_510, %mul3A_509 : i32
      %mul3A_512 = arith.constant 16 : i32
      %mul3A_513 = arith.muli %add3A_511, %mul3A_512 : i32
      %get3A_514 = arith.index_cast %mul3A_513 : i32 to index
      %get3A_515 = tpu.vector_load %arg6[%get3A_514] {strides = array<i32>} : memref<1600xi32, #tpu.memory_space<vmem>>, vector<16xi32>,
      %get3A_516 = vector.shape_cast %get3A_515 : vector<16xi32> to vector<16xi32>
      %and3A_517 = arith.constant 262143 : i32
      %and3A_518 = vector.broadcast %and3A_517 : i32 to vector<16xi32>
      %and3A_519 = arith.andi %get3A_516, %and3A_518 : vector<16xi32>
      %shift_left3A_520 = arith.constant 2 : i32
      %shift_left3A_521 = vector.broadcast %shift_left3A_520 : i32 to vector<16xi32>
      %shift_left3A_522 = arith.shli %and3A_519, %shift_left3A_521 : vector<16xi32>
      %shift_right_arithmetic3A_523 = arith.constant 18 : i32
      %shift_right_arithmetic3A_524 = vector.broadcast %shift_right_arithmetic3A_523 : i32 to vector<16xi32>
      %shift_right_arithmetic3A_525 = arith.shrsi %get3A_516, %shift_right_arithmetic3A_524 : vector<16xi32>
      %or3A_526 = arith.ori %shift_left3A_522, %shift_right_arithmetic3A_525 : vector<16xi32>
      %mul3A_527 = arith.constant 16 : i32
      %mul3A_528 = arith.muli %add3A_511, %mul3A_527 : i32
      %swap3A_529 = arith.index_cast %mul3A_528 : i32 to index
      %swap3A_530 = tpu.vector_load %arg6[%swap3A_529] {strides = array<i32>} : memref<1600xi32, #tpu.memory_space<vmem>>, vector<16xi32>,
      %swap3A_531 = vector.shape_cast %swap3A_530 : vector<16xi32> to vector<16xi32>
      %swap3A_532 = vector.shape_cast %or3A_526 : vector<16xi32> to vector<16xi32>
      tpu.vector_store %arg6[%swap3A_529], %swap3A_532 {strides = array<i32>} : memref<1600xi32, #tpu.memory_space<vmem>>, vector<16xi32>,
    }
    %scan3A_128 = arith.constant 100 : i32
    %dma_wait3A_129 = arith.constant 0 : i32
    %dma_wait3A_130 = tpu.memref_slice %arg4[%add3A_117, %dma_wait3A_129] : memref<819200x32xf32, #tpu.memory_space<hbm>> -> memref<1600x32xf32, #tpu.memory_space<hbm>>
    %dma_wait3A_131 = arith.constant 0 : i32
    %dma_wait3A_132 = tpu.memref_slice %arg4[%add3A_117, %dma_wait3A_131] : memref<819200x32xf32, #tpu.memory_space<hbm>> -> memref<1600x32xf32, #tpu.memory_space<hbm>>
    tpu.wait_dma2 semaphore(%arg14 : memref<!tpu.dma_semaphore, #tpu.memory_space<semaphore_mem>>) src(%arg8 : memref<1600x32xf32, #tpu.memory_space<vmem>>) dst(%dma_wait3A_132 : memref<1600x32xf32, #tpu.memory_space<hbm>>)
    %dma_start3A_133 = arith.constant 0 : i32
    %dma_start3A_134 = arith.constant 0 : i32
    %dma_start3A_135 = tpu.memref_slice %arg3[%dma_start3A_133, %dma_start3A_134] : memref<1048576x32xf32, #tpu.memory_space<hbm>> -> memref<1048576x32xf32, #tpu.memory_space<hbm>>
    tpu.enqueue_indirect_dma source(%dma_start3A_135 : memref<1048576x32xf32, #tpu.memory_space<hbm>>) target(%arg8 : memref<1600x32xf32, #tpu.memory_space<vmem>>) offsets(%arg6 : memref<1600xi32, #tpu.memory_space<vmem>>) semaphore(%arg12 : memref<!tpu.dma_semaphore, #tpu.memory_space<semaphore_mem>>)
    %dma_wait3A_136 = arith.constant 0 : i32
    %dma_wait3A_137 = arith.constant 0 : i32
    %dma_wait3A_138 = tpu.memref_slice %arg3[%dma_wait3A_136, %dma_wait3A_137] : memref<1048576x32xf32, #tpu.memory_space<hbm>> -> memref<1048576x32xf32, #tpu.memory_space<hbm>>
    tpu.wait_indirect_dma semaphore(%arg11 : memref<!tpu.dma_semaphore, #tpu.memory_space<semaphore_mem>>) src(%dma_wait3A_138 : memref<1048576x32xf32, #tpu.memory_space<hbm>>) dst(%arg7 : memref<1600x32xf32, #tpu.memory_space<vmem>>)
    %add3A_139 = arith.constant 9600 : i32
    %add3A_140 = arith.addi %mul3A_2, %add3A_139 : i32
    %dma_start3A_141 = tpu.memref_slice %arg2[%add3A_140] : memref<819200xi32, #tpu.memory_space<hbm>> -> memref<1600xi32, #tpu.memory_space<hbm>>
    %dma_start3A_142 = tpu.memref_slice %arg2[%add3A_140] : memref<819200xi32, #tpu.memory_space<hbm>> -> memref<1600xi32, #tpu.memory_space<hbm>>
    tpu.enqueue_dma source(%dma_start3A_142 : memref<1600xi32, #tpu.memory_space<hbm>>) target(%arg5 : memref<1600xi32, #tpu.memory_space<vmem>>) target_semaphore(%arg9 : memref<!tpu.dma_semaphore, #tpu.memory_space<semaphore_mem>>)
    %add3A_143 = arith.constant 6400 : i32
    %add3A_144 = arith.addi %mul3A_2, %add3A_143 : i32
    %dma_start3A_145 = arith.constant 0 : i32
    %dma_start3A_146 = tpu.memref_slice %arg4[%add3A_144, %dma_start3A_145] : memref<819200x32xf32, #tpu.memory_space<hbm>> -> memref<1600x32xf32, #tpu.memory_space<hbm>>
    %dma_start3A_147 = arith.constant 0 : i32
    %dma_start3A_148 = tpu.memref_slice %arg4[%add3A_144, %dma_start3A_147] : memref<819200x32xf32, #tpu.memory_space<hbm>> -> memref<1600x32xf32, #tpu.memory_space<hbm>>
    tpu.enqueue_dma source(%arg7 : memref<1600x32xf32, #tpu.memory_space<vmem>>) target(%dma_start3A_148 : memref<1600x32xf32, #tpu.memory_space<hbm>>) target_semaphore(%arg13 : memref<!tpu.dma_semaphore, #tpu.memory_space<semaphore_mem>>)
    %dma_wait3A_149 = tpu.memref_slice %arg2[%add3A_140] : memref<819200xi32, #tpu.memory_space<hbm>> -> memref<1600xi32, #tpu.memory_space<hbm>>
    %dma_wait3A_150 = tpu.memref_slice %arg2[%add3A_140] : memref<819200xi32, #tpu.memory_space<hbm>> -> memref<1600xi32, #tpu.memory_space<hbm>>
    tpu.wait_dma2 semaphore(%arg9 : memref<!tpu.dma_semaphore, #tpu.memory_space<semaphore_mem>>) src(%dma_wait3A_150 : memref<1600xi32, #tpu.memory_space<hbm>>) dst(%arg5 : memref<1600xi32, #tpu.memory_space<vmem>>)
    %scan3A_151 = arith.constant 0 : i32
    %scan3A_152 = arith.constant 100 : i32
    %scan3A_153 = arith.addi %scan3A_151, %scan3A_152 : i32
    %scan3A_154 = arith.constant 4 : i32
    scf.for %scan3A_432 = %scan3A_151 to %scan3A_153 step %scan3A_154  : i32 {
      %mul3A_433 = arith.constant 1 : i32
      %mul3A_434 = arith.muli %scan3A_432, %mul3A_433 : i32
      %add3A_435 = arith.constant 0 : i32
      %add3A_436 = arith.addi %add3A_435, %mul3A_434 : i32
      %mul3A_437 = arith.constant 16 : i32
      %mul3A_438 = arith.muli %add3A_436, %mul3A_437 : i32
      %get3A = arith.index_cast %mul3A_438 : i32 to index
      %get3A_439 = tpu.vector_load %arg5[%get3A] {strides = array<i32>} : memref<1600xi32, #tpu.memory_space<vmem>>, vector<16xi32>,
      %get3A_440 = vector.shape_cast %get3A_439 : vector<16xi32> to vector<16xi32>
      %and3A = arith.constant 262143 : i32
      %and3A_441 = vector.broadcast %and3A : i32 to vector<16xi32>
      %and3A_442 = arith.andi %get3A_440, %and3A_441 : vector<16xi32>
      %shift_left3A = arith.constant 2 : i32
      %shift_left3A_443 = vector.broadcast %shift_left3A : i32 to vector<16xi32>
      %shift_left3A_444 = arith.shli %and3A_442, %shift_left3A_443 : vector<16xi32>
      %shift_right_arithmetic3A = arith.constant 18 : i32
      %shift_right_arithmetic3A_445 = vector.broadcast %shift_right_arithmetic3A : i32 to vector<16xi32>
      %shift_right_arithmetic3A_446 = arith.shrsi %get3A_440, %shift_right_arithmetic3A_445 : vector<16xi32>
      %or3A = arith.ori %shift_left3A_444, %shift_right_arithmetic3A_446 : vector<16xi32>
      %mul3A_447 = arith.constant 16 : i32
      %mul3A_448 = arith.muli %add3A_436, %mul3A_447 : i32
      %swap3A = arith.index_cast %mul3A_448 : i32 to index
      %swap3A_449 = tpu.vector_load %arg5[%swap3A] {strides = array<i32>} : memref<1600xi32, #tpu.memory_space<vmem>>, vector<16xi32>,
      %swap3A_450 = vector.shape_cast %swap3A_449 : vector<16xi32> to vector<16xi32>
      %swap3A_451 = vector.shape_cast %or3A : vector<16xi32> to vector<16xi32>
      tpu.vector_store %arg5[%swap3A], %swap3A_451 {strides = array<i32>} : memref<1600xi32, #tpu.memory_space<vmem>>, vector<16xi32>,
      %scan3A_452 = arith.constant 1 : i32
      %scan3A_453 = arith.addi %scan3A_432, %scan3A_452 : i32
      %mul3A_454 = arith.constant 1 : i32
      %mul3A_455 = arith.muli %scan3A_453, %mul3A_454 : i32
      %add3A_456 = arith.constant 0 : i32
      %add3A_457 = arith.addi %add3A_456, %mul3A_455 : i32
      %mul3A_458 = arith.constant 16 : i32
      %mul3A_459 = arith.muli %add3A_457, %mul3A_458 : i32
      %get3A_460 = arith.index_cast %mul3A_459 : i32 to index
      %get3A_461 = tpu.vector_load %arg5[%get3A_460] {strides = array<i32>} : memref<1600xi32, #tpu.memory_space<vmem>>, vector<16xi32>,
      %get3A_462 = vector.shape_cast %get3A_461 : vector<16xi32> to vector<16xi32>
      %and3A_463 = arith.constant 262143 : i32
      %and3A_464 = vector.broadcast %and3A_463 : i32 to vector<16xi32>
      %and3A_465 = arith.andi %get3A_462, %and3A_464 : vector<16xi32>
      %shift_left3A_466 = arith.constant 2 : i32
      %shift_left3A_467 = vector.broadcast %shift_left3A_466 : i32 to vector<16xi32>
      %shift_left3A_468 = arith.shli %and3A_465, %shift_left3A_467 : vector<16xi32>
      %shift_right_arithmetic3A_469 = arith.constant 18 : i32
      %shift_right_arithmetic3A_470 = vector.broadcast %shift_right_arithmetic3A_469 : i32 to vector<16xi32>
      %shift_right_arithmetic3A_471 = arith.shrsi %get3A_462, %shift_right_arithmetic3A_470 : vector<16xi32>
      %or3A_472 = arith.ori %shift_left3A_468, %shift_right_arithmetic3A_471 : vector<16xi32>
      %mul3A_473 = arith.constant 16 : i32
      %mul3A_474 = arith.muli %add3A_457, %mul3A_473 : i32
      %swap3A_475 = arith.index_cast %mul3A_474 : i32 to index
      %swap3A_476 = tpu.vector_load %arg5[%swap3A_475] {strides = array<i32>} : memref<1600xi32, #tpu.memory_space<vmem>>, vector<16xi32>,
      %swap3A_477 = vector.shape_cast %swap3A_476 : vector<16xi32> to vector<16xi32>
      %swap3A_478 = vector.shape_cast %or3A_472 : vector<16xi32> to vector<16xi32>
      tpu.vector_store %arg5[%swap3A_475], %swap3A_478 {strides = array<i32>} : memref<1600xi32, #tpu.memory_space<vmem>>, vector<16xi32>,
      %scan3A_479 = arith.constant 2 : i32
      %scan3A_480 = arith.addi %scan3A_432, %scan3A_479 : i32
      %mul3A_481 = arith.constant 1 : i32
      %mul3A_482 = arith.muli %scan3A_480, %mul3A_481 : i32
      %add3A_483 = arith.constant 0 : i32
      %add3A_484 = arith.addi %add3A_483, %mul3A_482 : i32
      %mul3A_485 = arith.constant 16 : i32
      %mul3A_486 = arith.muli %add3A_484, %mul3A_485 : i32
      %get3A_487 = arith.index_cast %mul3A_486 : i32 to index
      %get3A_488 = tpu.vector_load %arg5[%get3A_487] {strides = array<i32>} : memref<1600xi32, #tpu.memory_space<vmem>>, vector<16xi32>,
      %get3A_489 = vector.shape_cast %get3A_488 : vector<16xi32> to vector<16xi32>
      %and3A_490 = arith.constant 262143 : i32
      %and3A_491 = vector.broadcast %and3A_490 : i32 to vector<16xi32>
      %and3A_492 = arith.andi %get3A_489, %and3A_491 : vector<16xi32>
      %shift_left3A_493 = arith.constant 2 : i32
      %shift_left3A_494 = vector.broadcast %shift_left3A_493 : i32 to vector<16xi32>
      %shift_left3A_495 = arith.shli %and3A_492, %shift_left3A_494 : vector<16xi32>
      %shift_right_arithmetic3A_496 = arith.constant 18 : i32
      %shift_right_arithmetic3A_497 = vector.broadcast %shift_right_arithmetic3A_496 : i32 to vector<16xi32>
      %shift_right_arithmetic3A_498 = arith.shrsi %get3A_489, %shift_right_arithmetic3A_497 : vector<16xi32>
      %or3A_499 = arith.ori %shift_left3A_495, %shift_right_arithmetic3A_498 : vector<16xi32>
      %mul3A_500 = arith.constant 16 : i32
      %mul3A_501 = arith.muli %add3A_484, %mul3A_500 : i32
      %swap3A_502 = arith.index_cast %mul3A_501 : i32 to index
      %swap3A_503 = tpu.vector_load %arg5[%swap3A_502] {strides = array<i32>} : memref<1600xi32, #tpu.memory_space<vmem>>, vector<16xi32>,
      %swap3A_504 = vector.shape_cast %swap3A_503 : vector<16xi32> to vector<16xi32>
      %swap3A_505 = vector.shape_cast %or3A_499 : vector<16xi32> to vector<16xi32>
      tpu.vector_store %arg5[%swap3A_502], %swap3A_505 {strides = array<i32>} : memref<1600xi32, #tpu.memory_space<vmem>>, vector<16xi32>,
      %scan3A_506 = arith.constant 3 : i32
      %scan3A_507 = arith.addi %scan3A_432, %scan3A_506 : i32
      %mul3A_508 = arith.constant 1 : i32
      %mul3A_509 = arith.muli %scan3A_507, %mul3A_508 : i32
      %add3A_510 = arith.constant 0 : i32
      %add3A_511 = arith.addi %add3A_510, %mul3A_509 : i32
      %mul3A_512 = arith.constant 16 : i32
      %mul3A_513 = arith.muli %add3A_511, %mul3A_512 : i32
      %get3A_514 = arith.index_cast %mul3A_513 : i32 to index
      %get3A_515 = tpu.vector_load %arg5[%get3A_514] {strides = array<i32>} : memref<1600xi32, #tpu.memory_space<vmem>>, vector<16xi32>,
      %get3A_516 = vector.shape_cast %get3A_515 : vector<16xi32> to vector<16xi32>
      %and3A_517 = arith.constant 262143 : i32
      %and3A_518 = vector.broadcast %and3A_517 : i32 to vector<16xi32>
      %and3A_519 = arith.andi %get3A_516, %and3A_518 : vector<16xi32>
      %shift_left3A_520 = arith.constant 2 : i32
      %shift_left3A_521 = vector.broadcast %shift_left3A_520 : i32 to vector<16xi32>
      %shift_left3A_522 = arith.shli %and3A_519, %shift_left3A_521 : vector<16xi32>
      %shift_right_arithmetic3A_523 = arith.constant 18 : i32
      %shift_right_arithmetic3A_524 = vector.broadcast %shift_right_arithmetic3A_523 : i32 to vector<16xi32>
      %shift_right_arithmetic3A_525 = arith.shrsi %get3A_516, %shift_right_arithmetic3A_524 : vector<16xi32>
      %or3A_526 = arith.ori %shift_left3A_522, %shift_right_arithmetic3A_525 : vector<16xi32>
      %mul3A_527 = arith.constant 16 : i32
      %mul3A_528 = arith.muli %add3A_511, %mul3A_527 : i32
      %swap3A_529 = arith.index_cast %mul3A_528 : i32 to index
      %swap3A_530 = tpu.vector_load %arg5[%swap3A_529] {strides = array<i32>} : memref<1600xi32, #tpu.memory_space<vmem>>, vector<16xi32>,
      %swap3A_531 = vector.shape_cast %swap3A_530 : vector<16xi32> to vector<16xi32>
      %swap3A_532 = vector.shape_cast %or3A_526 : vector<16xi32> to vector<16xi32>
      tpu.vector_store %arg5[%swap3A_529], %swap3A_532 {strides = array<i32>} : memref<1600xi32, #tpu.memory_space<vmem>>, vector<16xi32>,
    }
    %scan3A_155 = arith.constant 100 : i32
    %dma_wait3A_156 = arith.constant 0 : i32
    %dma_wait3A_157 = tpu.memref_slice %arg4[%add3A_144, %dma_wait3A_156] : memref<819200x32xf32, #tpu.memory_space<hbm>> -> memref<1600x32xf32, #tpu.memory_space<hbm>>
    %dma_wait3A_158 = arith.constant 0 : i32
    %dma_wait3A_159 = tpu.memref_slice %arg4[%add3A_144, %dma_wait3A_158] : memref<819200x32xf32, #tpu.memory_space<hbm>> -> memref<1600x32xf32, #tpu.memory_space<hbm>>
    tpu.wait_dma2 semaphore(%arg13 : memref<!tpu.dma_semaphore, #tpu.memory_space<semaphore_mem>>) src(%arg7 : memref<1600x32xf32, #tpu.memory_space<vmem>>) dst(%dma_wait3A_159 : memref<1600x32xf32, #tpu.memory_space<hbm>>)
    %dma_start3A_160 = arith.constant 0 : i32
    %dma_start3A_161 = arith.constant 0 : i32
    %dma_start3A_162 = tpu.memref_slice %arg3[%dma_start3A_160, %dma_start3A_161] : memref<1048576x32xf32, #tpu.memory_space<hbm>> -> memref<1048576x32xf32, #tpu.memory_space<hbm>>
    tpu.enqueue_indirect_dma source(%dma_start3A_162 : memref<1048576x32xf32, #tpu.memory_space<hbm>>) target(%arg7 : memref<1600x32xf32, #tpu.memory_space<vmem>>) offsets(%arg5 : memref<1600xi32, #tpu.memory_space<vmem>>) semaphore(%arg11 : memref<!tpu.dma_semaphore, #tpu.memory_space<semaphore_mem>>)
    %dma_wait3A_163 = arith.constant 0 : i32
    %dma_wait3A_164 = arith.constant 0 : i32
    %dma_wait3A_165 = tpu.memref_slice %arg3[%dma_wait3A_163, %dma_wait3A_164] : memref<1048576x32xf32, #tpu.memory_space<hbm>> -> memref<1048576x32xf32, #tpu.memory_space<hbm>>
    tpu.wait_indirect_dma semaphore(%arg12 : memref<!tpu.dma_semaphore, #tpu.memory_space<semaphore_mem>>) src(%dma_wait3A_165 : memref<1048576x32xf32, #tpu.memory_space<hbm>>) dst(%arg8 : memref<1600x32xf32, #tpu.memory_space<vmem>>)
    %add3A_166 = arith.constant 11200 : i32
    %add3A_167 = arith.addi %mul3A_2, %add3A_166 : i32
    %dma_start3A_168 = tpu.memref_slice %arg2[%add3A_167] : memref<819200xi32, #tpu.memory_space<hbm>> -> memref<1600xi32, #tpu.memory_space<hbm>>
    %dma_start3A_169 = tpu.memref_slice %arg2[%add3A_167] : memref<819200xi32, #tpu.memory_space<hbm>> -> memref<1600xi32, #tpu.memory_space<hbm>>
    tpu.enqueue_dma source(%dma_start3A_169 : memref<1600xi32, #tpu.memory_space<hbm>>) target(%arg6 : memref<1600xi32, #tpu.memory_space<vmem>>) target_semaphore(%arg10 : memref<!tpu.dma_semaphore, #tpu.memory_space<semaphore_mem>>)
    %add3A_170 = arith.constant 8000 : i32
    %add3A_171 = arith.addi %mul3A_2, %add3A_170 : i32
    %dma_start3A_172 = arith.constant 0 : i32
    %dma_start3A_173 = tpu.memref_slice %arg4[%add3A_171, %dma_start3A_172] : memref<819200x32xf32, #tpu.memory_space<hbm>> -> memref<1600x32xf32, #tpu.memory_space<hbm>>
    %dma_start3A_174 = arith.constant 0 : i32
    %dma_start3A_175 = tpu.memref_slice %arg4[%add3A_171, %dma_start3A_174] : memref<819200x32xf32, #tpu.memory_space<hbm>> -> memref<1600x32xf32, #tpu.memory_space<hbm>>
    tpu.enqueue_dma source(%arg8 : memref<1600x32xf32, #tpu.memory_space<vmem>>) target(%dma_start3A_175 : memref<1600x32xf32, #tpu.memory_space<hbm>>) target_semaphore(%arg14 : memref<!tpu.dma_semaphore, #tpu.memory_space<semaphore_mem>>)
    %dma_wait3A_176 = tpu.memref_slice %arg2[%add3A_167] : memref<819200xi32, #tpu.memory_space<hbm>> -> memref<1600xi32, #tpu.memory_space<hbm>>
    %dma_wait3A_177 = tpu.memref_slice %arg2[%add3A_167] : memref<819200xi32, #tpu.memory_space<hbm>> -> memref<1600xi32, #tpu.memory_space<hbm>>
    tpu.wait_dma2 semaphore(%arg10 : memref<!tpu.dma_semaphore, #tpu.memory_space<semaphore_mem>>) src(%dma_wait3A_177 : memref<1600xi32, #tpu.memory_space<hbm>>) dst(%arg6 : memref<1600xi32, #tpu.memory_space<vmem>>)
    %scan3A_178 = arith.constant 0 : i32
    %scan3A_179 = arith.constant 100 : i32
    %scan3A_180 = arith.addi %scan3A_178, %scan3A_179 : i32
    %scan3A_181 = arith.constant 4 : i32
    scf.for %scan3A_432 = %scan3A_178 to %scan3A_180 step %scan3A_181  : i32 {
      %mul3A_433 = arith.constant 1 : i32
      %mul3A_434 = arith.muli %scan3A_432, %mul3A_433 : i32
      %add3A_435 = arith.constant 0 : i32
      %add3A_436 = arith.addi %add3A_435, %mul3A_434 : i32
      %mul3A_437 = arith.constant 16 : i32
      %mul3A_438 = arith.muli %add3A_436, %mul3A_437 : i32
      %get3A = arith.index_cast %mul3A_438 : i32 to index
      %get3A_439 = tpu.vector_load %arg6[%get3A] {strides = array<i32>} : memref<1600xi32, #tpu.memory_space<vmem>>, vector<16xi32>,
      %get3A_440 = vector.shape_cast %get3A_439 : vector<16xi32> to vector<16xi32>
      %and3A = arith.constant 262143 : i32
      %and3A_441 = vector.broadcast %and3A : i32 to vector<16xi32>
      %and3A_442 = arith.andi %get3A_440, %and3A_441 : vector<16xi32>
      %shift_left3A = arith.constant 2 : i32
      %shift_left3A_443 = vector.broadcast %shift_left3A : i32 to vector<16xi32>
      %shift_left3A_444 = arith.shli %and3A_442, %shift_left3A_443 : vector<16xi32>
      %shift_right_arithmetic3A = arith.constant 18 : i32
      %shift_right_arithmetic3A_445 = vector.broadcast %shift_right_arithmetic3A : i32 to vector<16xi32>
      %shift_right_arithmetic3A_446 = arith.shrsi %get3A_440, %shift_right_arithmetic3A_445 : vector<16xi32>
      %or3A = arith.ori %shift_left3A_444, %shift_right_arithmetic3A_446 : vector<16xi32>
      %mul3A_447 = arith.constant 16 : i32
      %mul3A_448 = arith.muli %add3A_436, %mul3A_447 : i32
      %swap3A = arith.index_cast %mul3A_448 : i32 to index
      %swap3A_449 = tpu.vector_load %arg6[%swap3A] {strides = array<i32>} : memref<1600xi32, #tpu.memory_space<vmem>>, vector<16xi32>,
      %swap3A_450 = vector.shape_cast %swap3A_449 : vector<16xi32> to vector<16xi32>
      %swap3A_451 = vector.shape_cast %or3A : vector<16xi32> to vector<16xi32>
      tpu.vector_store %arg6[%swap3A], %swap3A_451 {strides = array<i32>} : memref<1600xi32, #tpu.memory_space<vmem>>, vector<16xi32>,
      %scan3A_452 = arith.constant 1 : i32
      %scan3A_453 = arith.addi %scan3A_432, %scan3A_452 : i32
      %mul3A_454 = arith.constant 1 : i32
      %mul3A_455 = arith.muli %scan3A_453, %mul3A_454 : i32
      %add3A_456 = arith.constant 0 : i32
      %add3A_457 = arith.addi %add3A_456, %mul3A_455 : i32
      %mul3A_458 = arith.constant 16 : i32
      %mul3A_459 = arith.muli %add3A_457, %mul3A_458 : i32
      %get3A_460 = arith.index_cast %mul3A_459 : i32 to index
      %get3A_461 = tpu.vector_load %arg6[%get3A_460] {strides = array<i32>} : memref<1600xi32, #tpu.memory_space<vmem>>, vector<16xi32>,
      %get3A_462 = vector.shape_cast %get3A_461 : vector<16xi32> to vector<16xi32>
      %and3A_463 = arith.constant 262143 : i32
      %and3A_464 = vector.broadcast %and3A_463 : i32 to vector<16xi32>
      %and3A_465 = arith.andi %get3A_462, %and3A_464 : vector<16xi32>
      %shift_left3A_466 = arith.constant 2 : i32
      %shift_left3A_467 = vector.broadcast %shift_left3A_466 : i32 to vector<16xi32>
      %shift_left3A_468 = arith.shli %and3A_465, %shift_left3A_467 : vector<16xi32>
      %shift_right_arithmetic3A_469 = arith.constant 18 : i32
      %shift_right_arithmetic3A_470 = vector.broadcast %shift_right_arithmetic3A_469 : i32 to vector<16xi32>
      %shift_right_arithmetic3A_471 = arith.shrsi %get3A_462, %shift_right_arithmetic3A_470 : vector<16xi32>
      %or3A_472 = arith.ori %shift_left3A_468, %shift_right_arithmetic3A_471 : vector<16xi32>
      %mul3A_473 = arith.constant 16 : i32
      %mul3A_474 = arith.muli %add3A_457, %mul3A_473 : i32
      %swap3A_475 = arith.index_cast %mul3A_474 : i32 to index
      %swap3A_476 = tpu.vector_load %arg6[%swap3A_475] {strides = array<i32>} : memref<1600xi32, #tpu.memory_space<vmem>>, vector<16xi32>,
      %swap3A_477 = vector.shape_cast %swap3A_476 : vector<16xi32> to vector<16xi32>
      %swap3A_478 = vector.shape_cast %or3A_472 : vector<16xi32> to vector<16xi32>
      tpu.vector_store %arg6[%swap3A_475], %swap3A_478 {strides = array<i32>} : memref<1600xi32, #tpu.memory_space<vmem>>, vector<16xi32>,
      %scan3A_479 = arith.constant 2 : i32
      %scan3A_480 = arith.addi %scan3A_432, %scan3A_479 : i32
      %mul3A_481 = arith.constant 1 : i32
      %mul3A_482 = arith.muli %scan3A_480, %mul3A_481 : i32
      %add3A_483 = arith.constant 0 : i32
      %add3A_484 = arith.addi %add3A_483, %mul3A_482 : i32
      %mul3A_485 = arith.constant 16 : i32
      %mul3A_486 = arith.muli %add3A_484, %mul3A_485 : i32
      %get3A_487 = arith.index_cast %mul3A_486 : i32 to index
      %get3A_488 = tpu.vector_load %arg6[%get3A_487] {strides = array<i32>} : memref<1600xi32, #tpu.memory_space<vmem>>, vector<16xi32>,
      %get3A_489 = vector.shape_cast %get3A_488 : vector<16xi32> to vector<16xi32>
      %and3A_490 = arith.constant 262143 : i32
      %and3A_491 = vector.broadcast %and3A_490 : i32 to vector<16xi32>
      %and3A_492 = arith.andi %get3A_489, %and3A_491 : vector<16xi32>
      %shift_left3A_493 = arith.constant 2 : i32
      %shift_left3A_494 = vector.broadcast %shift_left3A_493 : i32 to vector<16xi32>
      %shift_left3A_495 = arith.shli %and3A_492, %shift_left3A_494 : vector<16xi32>
      %shift_right_arithmetic3A_496 = arith.constant 18 : i32
      %shift_right_arithmetic3A_497 = vector.broadcast %shift_right_arithmetic3A_496 : i32 to vector<16xi32>
      %shift_right_arithmetic3A_498 = arith.shrsi %get3A_489, %shift_right_arithmetic3A_497 : vector<16xi32>
      %or3A_499 = arith.ori %shift_left3A_495, %shift_right_arithmetic3A_498 : vector<16xi32>
      %mul3A_500 = arith.constant 16 : i32
      %mul3A_501 = arith.muli %add3A_484, %mul3A_500 : i32
      %swap3A_502 = arith.index_cast %mul3A_501 : i32 to index
      %swap3A_503 = tpu.vector_load %arg6[%swap3A_502] {strides = array<i32>} : memref<1600xi32, #tpu.memory_space<vmem>>, vector<16xi32>,
      %swap3A_504 = vector.shape_cast %swap3A_503 : vector<16xi32> to vector<16xi32>
      %swap3A_505 = vector.shape_cast %or3A_499 : vector<16xi32> to vector<16xi32>
      tpu.vector_store %arg6[%swap3A_502], %swap3A_505 {strides = array<i32>} : memref<1600xi32, #tpu.memory_space<vmem>>, vector<16xi32>,
      %scan3A_506 = arith.constant 3 : i32
      %scan3A_507 = arith.addi %scan3A_432, %scan3A_506 : i32
      %mul3A_508 = arith.constant 1 : i32
      %mul3A_509 = arith.muli %scan3A_507, %mul3A_508 : i32
      %add3A_510 = arith.constant 0 : i32
      %add3A_511 = arith.addi %add3A_510, %mul3A_509 : i32
      %mul3A_512 = arith.constant 16 : i32
      %mul3A_513 = arith.muli %add3A_511, %mul3A_512 : i32
      %get3A_514 = arith.index_cast %mul3A_513 : i32 to index
      %get3A_515 = tpu.vector_load %arg6[%get3A_514] {strides = array<i32>} : memref<1600xi32, #tpu.memory_space<vmem>>, vector<16xi32>,
      %get3A_516 = vector.shape_cast %get3A_515 : vector<16xi32> to vector<16xi32>
      %and3A_517 = arith.constant 262143 : i32
      %and3A_518 = vector.broadcast %and3A_517 : i32 to vector<16xi32>
      %and3A_519 = arith.andi %get3A_516, %and3A_518 : vector<16xi32>
      %shift_left3A_520 = arith.constant 2 : i32
      %shift_left3A_521 = vector.broadcast %shift_left3A_520 : i32 to vector<16xi32>
      %shift_left3A_522 = arith.shli %and3A_519, %shift_left3A_521 : vector<16xi32>
      %shift_right_arithmetic3A_523 = arith.constant 18 : i32
      %shift_right_arithmetic3A_524 = vector.broadcast %shift_right_arithmetic3A_523 : i32 to vector<16xi32>
      %shift_right_arithmetic3A_525 = arith.shrsi %get3A_516, %shift_right_arithmetic3A_524 : vector<16xi32>
      %or3A_526 = arith.ori %shift_left3A_522, %shift_right_arithmetic3A_525 : vector<16xi32>
      %mul3A_527 = arith.constant 16 : i32
      %mul3A_528 = arith.muli %add3A_511, %mul3A_527 : i32
      %swap3A_529 = arith.index_cast %mul3A_528 : i32 to index
      %swap3A_530 = tpu.vector_load %arg6[%swap3A_529] {strides = array<i32>} : memref<1600xi32, #tpu.memory_space<vmem>>, vector<16xi32>,
      %swap3A_531 = vector.shape_cast %swap3A_530 : vector<16xi32> to vector<16xi32>
      %swap3A_532 = vector.shape_cast %or3A_526 : vector<16xi32> to vector<16xi32>
      tpu.vector_store %arg6[%swap3A_529], %swap3A_532 {strides = array<i32>} : memref<1600xi32, #tpu.memory_space<vmem>>, vector<16xi32>,
    }
    %scan3A_182 = arith.constant 100 : i32
    %dma_wait3A_183 = arith.constant 0 : i32
    %dma_wait3A_184 = tpu.memref_slice %arg4[%add3A_171, %dma_wait3A_183] : memref<819200x32xf32, #tpu.memory_space<hbm>> -> memref<1600x32xf32, #tpu.memory_space<hbm>>
    %dma_wait3A_185 = arith.constant 0 : i32
    %dma_wait3A_186 = tpu.memref_slice %arg4[%add3A_171, %dma_wait3A_185] : memref<819200x32xf32, #tpu.memory_space<hbm>> -> memref<1600x32xf32, #tpu.memory_space<hbm>>
    tpu.wait_dma2 semaphore(%arg14 : memref<!tpu.dma_semaphore, #tpu.memory_space<semaphore_mem>>) src(%arg8 : memref<1600x32xf32, #tpu.memory_space<vmem>>) dst(%dma_wait3A_186 : memref<1600x32xf32, #tpu.memory_space<hbm>>)
    %dma_start3A_187 = arith.constant 0 : i32
    %dma_start3A_188 = arith.constant 0 : i32
    %dma_start3A_189 = tpu.memref_slice %arg3[%dma_start3A_187, %dma_start3A_188] : memref<1048576x32xf32, #tpu.memory_space<hbm>> -> memref<1048576x32xf32, #tpu.memory_space<hbm>>
    tpu.enqueue_indirect_dma source(%dma_start3A_189 : memref<1048576x32xf32, #tpu.memory_space<hbm>>) target(%arg8 : memref<1600x32xf32, #tpu.memory_space<vmem>>) offsets(%arg6 : memref<1600xi32, #tpu.memory_space<vmem>>) semaphore(%arg12 : memref<!tpu.dma_semaphore, #tpu.memory_space<semaphore_mem>>)
    %dma_wait3A_190 = arith.constant 0 : i32
    %dma_wait3A_191 = arith.constant 0 : i32
    %dma_wait3A_192 = tpu.memref_slice %arg3[%dma_wait3A_190, %dma_wait3A_191] : memref<1048576x32xf32, #tpu.memory_space<hbm>> -> memref<1048576x32xf32, #tpu.memory_space<hbm>>
    tpu.wait_indirect_dma semaphore(%arg11 : memref<!tpu.dma_semaphore, #tpu.memory_space<semaphore_mem>>) src(%dma_wait3A_192 : memref<1048576x32xf32, #tpu.memory_space<hbm>>) dst(%arg7 : memref<1600x32xf32, #tpu.memory_space<vmem>>)
    %add3A_193 = arith.constant 12800 : i32
    %add3A_194 = arith.addi %mul3A_2, %add3A_193 : i32
    %dma_start3A_195 = tpu.memref_slice %arg2[%add3A_194] : memref<819200xi32, #tpu.memory_space<hbm>> -> memref<1600xi32, #tpu.memory_space<hbm>>
    %dma_start3A_196 = tpu.memref_slice %arg2[%add3A_194] : memref<819200xi32, #tpu.memory_space<hbm>> -> memref<1600xi32, #tpu.memory_space<hbm>>
    tpu.enqueue_dma source(%dma_start3A_196 : memref<1600xi32, #tpu.memory_space<hbm>>) target(%arg5 : memref<1600xi32, #tpu.memory_space<vmem>>) target_semaphore(%arg9 : memref<!tpu.dma_semaphore, #tpu.memory_space<semaphore_mem>>)
    %add3A_197 = arith.constant 9600 : i32
    %add3A_198 = arith.addi %mul3A_2, %add3A_197 : i32
    %dma_start3A_199 = arith.constant 0 : i32
    %dma_start3A_200 = tpu.memref_slice %arg4[%add3A_198, %dma_start3A_199] : memref<819200x32xf32, #tpu.memory_space<hbm>> -> memref<1600x32xf32, #tpu.memory_space<hbm>>
    %dma_start3A_201 = arith.constant 0 : i32
    %dma_start3A_202 = tpu.memref_slice %arg4[%add3A_198, %dma_start3A_201] : memref<819200x32xf32, #tpu.memory_space<hbm>> -> memref<1600x32xf32, #tpu.memory_space<hbm>>
    tpu.enqueue_dma source(%arg7 : memref<1600x32xf32, #tpu.memory_space<vmem>>) target(%dma_start3A_202 : memref<1600x32xf32, #tpu.memory_space<hbm>>) target_semaphore(%arg13 : memref<!tpu.dma_semaphore, #tpu.memory_space<semaphore_mem>>)
    %dma_wait3A_203 = tpu.memref_slice %arg2[%add3A_194] : memref<819200xi32, #tpu.memory_space<hbm>> -> memref<1600xi32, #tpu.memory_space<hbm>>
    %dma_wait3A_204 = tpu.memref_slice %arg2[%add3A_194] : memref<819200xi32, #tpu.memory_space<hbm>> -> memref<1600xi32, #tpu.memory_space<hbm>>
    tpu.wait_dma2 semaphore(%arg9 : memref<!tpu.dma_semaphore, #tpu.memory_space<semaphore_mem>>) src(%dma_wait3A_204 : memref<1600xi32, #tpu.memory_space<hbm>>) dst(%arg5 : memref<1600xi32, #tpu.memory_space<vmem>>)
    %scan3A_205 = arith.constant 0 : i32
    %scan3A_206 = arith.constant 100 : i32
    %scan3A_207 = arith.addi %scan3A_205, %scan3A_206 : i32
    %scan3A_208 = arith.constant 4 : i32
    scf.for %scan3A_432 = %scan3A_205 to %scan3A_207 step %scan3A_208  : i32 {
      %mul3A_433 = arith.constant 1 : i32
      %mul3A_434 = arith.muli %scan3A_432, %mul3A_433 : i32
      %add3A_435 = arith.constant 0 : i32
      %add3A_436 = arith.addi %add3A_435, %mul3A_434 : i32
      %mul3A_437 = arith.constant 16 : i32
      %mul3A_438 = arith.muli %add3A_436, %mul3A_437 : i32
      %get3A = arith.index_cast %mul3A_438 : i32 to index
      %get3A_439 = tpu.vector_load %arg5[%get3A] {strides = array<i32>} : memref<1600xi32, #tpu.memory_space<vmem>>, vector<16xi32>,
      %get3A_440 = vector.shape_cast %get3A_439 : vector<16xi32> to vector<16xi32>
      %and3A = arith.constant 262143 : i32
      %and3A_441 = vector.broadcast %and3A : i32 to vector<16xi32>
      %and3A_442 = arith.andi %get3A_440, %and3A_441 : vector<16xi32>
      %shift_left3A = arith.constant 2 : i32
      %shift_left3A_443 = vector.broadcast %shift_left3A : i32 to vector<16xi32>
      %shift_left3A_444 = arith.shli %and3A_442, %shift_left3A_443 : vector<16xi32>
      %shift_right_arithmetic3A = arith.constant 18 : i32
      %shift_right_arithmetic3A_445 = vector.broadcast %shift_right_arithmetic3A : i32 to vector<16xi32>
      %shift_right_arithmetic3A_446 = arith.shrsi %get3A_440, %shift_right_arithmetic3A_445 : vector<16xi32>
      %or3A = arith.ori %shift_left3A_444, %shift_right_arithmetic3A_446 : vector<16xi32>
      %mul3A_447 = arith.constant 16 : i32
      %mul3A_448 = arith.muli %add3A_436, %mul3A_447 : i32
      %swap3A = arith.index_cast %mul3A_448 : i32 to index
      %swap3A_449 = tpu.vector_load %arg5[%swap3A] {strides = array<i32>} : memref<1600xi32, #tpu.memory_space<vmem>>, vector<16xi32>,
      %swap3A_450 = vector.shape_cast %swap3A_449 : vector<16xi32> to vector<16xi32>
      %swap3A_451 = vector.shape_cast %or3A : vector<16xi32> to vector<16xi32>
      tpu.vector_store %arg5[%swap3A], %swap3A_451 {strides = array<i32>} : memref<1600xi32, #tpu.memory_space<vmem>>, vector<16xi32>,
      %scan3A_452 = arith.constant 1 : i32
      %scan3A_453 = arith.addi %scan3A_432, %scan3A_452 : i32
      %mul3A_454 = arith.constant 1 : i32
      %mul3A_455 = arith.muli %scan3A_453, %mul3A_454 : i32
      %add3A_456 = arith.constant 0 : i32
      %add3A_457 = arith.addi %add3A_456, %mul3A_455 : i32
      %mul3A_458 = arith.constant 16 : i32
      %mul3A_459 = arith.muli %add3A_457, %mul3A_458 : i32
      %get3A_460 = arith.index_cast %mul3A_459 : i32 to index
      %get3A_461 = tpu.vector_load %arg5[%get3A_460] {strides = array<i32>} : memref<1600xi32, #tpu.memory_space<vmem>>, vector<16xi32>,
      %get3A_462 = vector.shape_cast %get3A_461 : vector<16xi32> to vector<16xi32>
      %and3A_463 = arith.constant 262143 : i32
      %and3A_464 = vector.broadcast %and3A_463 : i32 to vector<16xi32>
      %and3A_465 = arith.andi %get3A_462, %and3A_464 : vector<16xi32>
      %shift_left3A_466 = arith.constant 2 : i32
      %shift_left3A_467 = vector.broadcast %shift_left3A_466 : i32 to vector<16xi32>
      %shift_left3A_468 = arith.shli %and3A_465, %shift_left3A_467 : vector<16xi32>
      %shift_right_arithmetic3A_469 = arith.constant 18 : i32
      %shift_right_arithmetic3A_470 = vector.broadcast %shift_right_arithmetic3A_469 : i32 to vector<16xi32>
      %shift_right_arithmetic3A_471 = arith.shrsi %get3A_462, %shift_right_arithmetic3A_470 : vector<16xi32>
      %or3A_472 = arith.ori %shift_left3A_468, %shift_right_arithmetic3A_471 : vector<16xi32>
      %mul3A_473 = arith.constant 16 : i32
      %mul3A_474 = arith.muli %add3A_457, %mul3A_473 : i32
      %swap3A_475 = arith.index_cast %mul3A_474 : i32 to index
      %swap3A_476 = tpu.vector_load %arg5[%swap3A_475] {strides = array<i32>} : memref<1600xi32, #tpu.memory_space<vmem>>, vector<16xi32>,
      %swap3A_477 = vector.shape_cast %swap3A_476 : vector<16xi32> to vector<16xi32>
      %swap3A_478 = vector.shape_cast %or3A_472 : vector<16xi32> to vector<16xi32>
      tpu.vector_store %arg5[%swap3A_475], %swap3A_478 {strides = array<i32>} : memref<1600xi32, #tpu.memory_space<vmem>>, vector<16xi32>,
      %scan3A_479 = arith.constant 2 : i32
      %scan3A_480 = arith.addi %scan3A_432, %scan3A_479 : i32
      %mul3A_481 = arith.constant 1 : i32
      %mul3A_482 = arith.muli %scan3A_480, %mul3A_481 : i32
      %add3A_483 = arith.constant 0 : i32
      %add3A_484 = arith.addi %add3A_483, %mul3A_482 : i32
      %mul3A_485 = arith.constant 16 : i32
      %mul3A_486 = arith.muli %add3A_484, %mul3A_485 : i32
      %get3A_487 = arith.index_cast %mul3A_486 : i32 to index
      %get3A_488 = tpu.vector_load %arg5[%get3A_487] {strides = array<i32>} : memref<1600xi32, #tpu.memory_space<vmem>>, vector<16xi32>,
      %get3A_489 = vector.shape_cast %get3A_488 : vector<16xi32> to vector<16xi32>
      %and3A_490 = arith.constant 262143 : i32
      %and3A_491 = vector.broadcast %and3A_490 : i32 to vector<16xi32>
      %and3A_492 = arith.andi %get3A_489, %and3A_491 : vector<16xi32>
      %shift_left3A_493 = arith.constant 2 : i32
      %shift_left3A_494 = vector.broadcast %shift_left3A_493 : i32 to vector<16xi32>
      %shift_left3A_495 = arith.shli %and3A_492, %shift_left3A_494 : vector<16xi32>
      %shift_right_arithmetic3A_496 = arith.constant 18 : i32
      %shift_right_arithmetic3A_497 = vector.broadcast %shift_right_arithmetic3A_496 : i32 to vector<16xi32>
      %shift_right_arithmetic3A_498 = arith.shrsi %get3A_489, %shift_right_arithmetic3A_497 : vector<16xi32>
      %or3A_499 = arith.ori %shift_left3A_495, %shift_right_arithmetic3A_498 : vector<16xi32>
      %mul3A_500 = arith.constant 16 : i32
      %mul3A_501 = arith.muli %add3A_484, %mul3A_500 : i32
      %swap3A_502 = arith.index_cast %mul3A_501 : i32 to index
      %swap3A_503 = tpu.vector_load %arg5[%swap3A_502] {strides = array<i32>} : memref<1600xi32, #tpu.memory_space<vmem>>, vector<16xi32>,
      %swap3A_504 = vector.shape_cast %swap3A_503 : vector<16xi32> to vector<16xi32>
      %swap3A_505 = vector.shape_cast %or3A_499 : vector<16xi32> to vector<16xi32>
      tpu.vector_store %arg5[%swap3A_502], %swap3A_505 {strides = array<i32>} : memref<1600xi32, #tpu.memory_space<vmem>>, vector<16xi32>,
      %scan3A_506 = arith.constant 3 : i32
      %scan3A_507 = arith.addi %scan3A_432, %scan3A_506 : i32
      %mul3A_508 = arith.constant 1 : i32
      %mul3A_509 = arith.muli %scan3A_507, %mul3A_508 : i32
      %add3A_510 = arith.constant 0 : i32
      %add3A_511 = arith.addi %add3A_510, %mul3A_509 : i32
      %mul3A_512 = arith.constant 16 : i32
      %mul3A_513 = arith.muli %add3A_511, %mul3A_512 : i32
      %get3A_514 = arith.index_cast %mul3A_513 : i32 to index
      %get3A_515 = tpu.vector_load %arg5[%get3A_514] {strides = array<i32>} : memref<1600xi32, #tpu.memory_space<vmem>>, vector<16xi32>,
      %get3A_516 = vector.shape_cast %get3A_515 : vector<16xi32> to vector<16xi32>
      %and3A_517 = arith.constant 262143 : i32
      %and3A_518 = vector.broadcast %and3A_517 : i32 to vector<16xi32>
      %and3A_519 = arith.andi %get3A_516, %and3A_518 : vector<16xi32>
      %shift_left3A_520 = arith.constant 2 : i32
      %shift_left3A_521 = vector.broadcast %shift_left3A_520 : i32 to vector<16xi32>
      %shift_left3A_522 = arith.shli %and3A_519, %shift_left3A_521 : vector<16xi32>
      %shift_right_arithmetic3A_523 = arith.constant 18 : i32
      %shift_right_arithmetic3A_524 = vector.broadcast %shift_right_arithmetic3A_523 : i32 to vector<16xi32>
      %shift_right_arithmetic3A_525 = arith.shrsi %get3A_516, %shift_right_arithmetic3A_524 : vector<16xi32>
      %or3A_526 = arith.ori %shift_left3A_522, %shift_right_arithmetic3A_525 : vector<16xi32>
      %mul3A_527 = arith.constant 16 : i32
      %mul3A_528 = arith.muli %add3A_511, %mul3A_527 : i32
      %swap3A_529 = arith.index_cast %mul3A_528 : i32 to index
      %swap3A_530 = tpu.vector_load %arg5[%swap3A_529] {strides = array<i32>} : memref<1600xi32, #tpu.memory_space<vmem>>, vector<16xi32>,
      %swap3A_531 = vector.shape_cast %swap3A_530 : vector<16xi32> to vector<16xi32>
      %swap3A_532 = vector.shape_cast %or3A_526 : vector<16xi32> to vector<16xi32>
      tpu.vector_store %arg5[%swap3A_529], %swap3A_532 {strides = array<i32>} : memref<1600xi32, #tpu.memory_space<vmem>>, vector<16xi32>,
    }
    %scan3A_209 = arith.constant 100 : i32
    %dma_wait3A_210 = arith.constant 0 : i32
    %dma_wait3A_211 = tpu.memref_slice %arg4[%add3A_198, %dma_wait3A_210] : memref<819200x32xf32, #tpu.memory_space<hbm>> -> memref<1600x32xf32, #tpu.memory_space<hbm>>
    %dma_wait3A_212 = arith.constant 0 : i32
    %dma_wait3A_213 = tpu.memref_slice %arg4[%add3A_198, %dma_wait3A_212] : memref<819200x32xf32, #tpu.memory_space<hbm>> -> memref<1600x32xf32, #tpu.memory_space<hbm>>
    tpu.wait_dma2 semaphore(%arg13 : memref<!tpu.dma_semaphore, #tpu.memory_space<semaphore_mem>>) src(%arg7 : memref<1600x32xf32, #tpu.memory_space<vmem>>) dst(%dma_wait3A_213 : memref<1600x32xf32, #tpu.memory_space<hbm>>)
    %dma_start3A_214 = arith.constant 0 : i32
    %dma_start3A_215 = arith.constant 0 : i32
    %dma_start3A_216 = tpu.memref_slice %arg3[%dma_start3A_214, %dma_start3A_215] : memref<1048576x32xf32, #tpu.memory_space<hbm>> -> memref<1048576x32xf32, #tpu.memory_space<hbm>>
    tpu.enqueue_indirect_dma source(%dma_start3A_216 : memref<1048576x32xf32, #tpu.memory_space<hbm>>) target(%arg7 : memref<1600x32xf32, #tpu.memory_space<vmem>>) offsets(%arg5 : memref<1600xi32, #tpu.memory_space<vmem>>) semaphore(%arg11 : memref<!tpu.dma_semaphore, #tpu.memory_space<semaphore_mem>>)
    %dma_wait3A_217 = arith.constant 0 : i32
    %dma_wait3A_218 = arith.constant 0 : i32
    %dma_wait3A_219 = tpu.memref_slice %arg3[%dma_wait3A_217, %dma_wait3A_218] : memref<1048576x32xf32, #tpu.memory_space<hbm>> -> memref<1048576x32xf32, #tpu.memory_space<hbm>>
    tpu.wait_indirect_dma semaphore(%arg12 : memref<!tpu.dma_semaphore, #tpu.memory_space<semaphore_mem>>) src(%dma_wait3A_219 : memref<1048576x32xf32, #tpu.memory_space<hbm>>) dst(%arg8 : memref<1600x32xf32, #tpu.memory_space<vmem>>)
    %add3A_220 = arith.constant 14400 : i32
    %add3A_221 = arith.addi %mul3A_2, %add3A_220 : i32
    %dma_start3A_222 = tpu.memref_slice %arg2[%add3A_221] : memref<819200xi32, #tpu.memory_space<hbm>> -> memref<1600xi32, #tpu.memory_space<hbm>>
    %dma_start3A_223 = tpu.memref_slice %arg2[%add3A_221] : memref<819200xi32, #tpu.memory_space<hbm>> -> memref<1600xi32, #tpu.memory_space<hbm>>
    tpu.enqueue_dma source(%dma_start3A_223 : memref<1600xi32, #tpu.memory_space<hbm>>) target(%arg6 : memref<1600xi32, #tpu.memory_space<vmem>>) target_semaphore(%arg10 : memref<!tpu.dma_semaphore, #tpu.memory_space<semaphore_mem>>)
    %add3A_224 = arith.constant 11200 : i32
    %add3A_225 = arith.addi %mul3A_2, %add3A_224 : i32
    %dma_start3A_226 = arith.constant 0 : i32
    %dma_start3A_227 = tpu.memref_slice %arg4[%add3A_225, %dma_start3A_226] : memref<819200x32xf32, #tpu.memory_space<hbm>> -> memref<1600x32xf32, #tpu.memory_space<hbm>>
    %dma_start3A_228 = arith.constant 0 : i32
    %dma_start3A_229 = tpu.memref_slice %arg4[%add3A_225, %dma_start3A_228] : memref<819200x32xf32, #tpu.memory_space<hbm>> -> memref<1600x32xf32, #tpu.memory_space<hbm>>
    tpu.enqueue_dma source(%arg8 : memref<1600x32xf32, #tpu.memory_space<vmem>>) target(%dma_start3A_229 : memref<1600x32xf32, #tpu.memory_space<hbm>>) target_semaphore(%arg14 : memref<!tpu.dma_semaphore, #tpu.memory_space<semaphore_mem>>)
    %dma_wait3A_230 = tpu.memref_slice %arg2[%add3A_221] : memref<819200xi32, #tpu.memory_space<hbm>> -> memref<1600xi32, #tpu.memory_space<hbm>>
    %dma_wait3A_231 = tpu.memref_slice %arg2[%add3A_221] : memref<819200xi32, #tpu.memory_space<hbm>> -> memref<1600xi32, #tpu.memory_space<hbm>>
    tpu.wait_dma2 semaphore(%arg10 : memref<!tpu.dma_semaphore, #tpu.memory_space<semaphore_mem>>) src(%dma_wait3A_231 : memref<1600xi32, #tpu.memory_space<hbm>>) dst(%arg6 : memref<1600xi32, #tpu.memory_space<vmem>>)
    %scan3A_232 = arith.constant 0 : i32
    %scan3A_233 = arith.constant 100 : i32
    %scan3A_234 = arith.addi %scan3A_232, %scan3A_233 : i32
    %scan3A_235 = arith.constant 4 : i32
    scf.for %scan3A_432 = %scan3A_232 to %scan3A_234 step %scan3A_235  : i32 {
      %mul3A_433 = arith.constant 1 : i32
      %mul3A_434 = arith.muli %scan3A_432, %mul3A_433 : i32
      %add3A_435 = arith.constant 0 : i32
      %add3A_436 = arith.addi %add3A_435, %mul3A_434 : i32
      %mul3A_437 = arith.constant 16 : i32
      %mul3A_438 = arith.muli %add3A_436, %mul3A_437 : i32
      %get3A = arith.index_cast %mul3A_438 : i32 to index
      %get3A_439 = tpu.vector_load %arg6[%get3A] {strides = array<i32>} : memref<1600xi32, #tpu.memory_space<vmem>>, vector<16xi32>,
      %get3A_440 = vector.shape_cast %get3A_439 : vector<16xi32> to vector<16xi32>
      %and3A = arith.constant 262143 : i32
      %and3A_441 = vector.broadcast %and3A : i32 to vector<16xi32>
      %and3A_442 = arith.andi %get3A_440, %and3A_441 : vector<16xi32>
      %shift_left3A = arith.constant 2 : i32
      %shift_left3A_443 = vector.broadcast %shift_left3A : i32 to vector<16xi32>
      %shift_left3A_444 = arith.shli %and3A_442, %shift_left3A_443 : vector<16xi32>
      %shift_right_arithmetic3A = arith.constant 18 : i32
      %shift_right_arithmetic3A_445 = vector.broadcast %shift_right_arithmetic3A : i32 to vector<16xi32>
      %shift_right_arithmetic3A_446 = arith.shrsi %get3A_440, %shift_right_arithmetic3A_445 : vector<16xi32>
      %or3A = arith.ori %shift_left3A_444, %shift_right_arithmetic3A_446 : vector<16xi32>
      %mul3A_447 = arith.constant 16 : i32
      %mul3A_448 = arith.muli %add3A_436, %mul3A_447 : i32
      %swap3A = arith.index_cast %mul3A_448 : i32 to index
      %swap3A_449 = tpu.vector_load %arg6[%swap3A] {strides = array<i32>} : memref<1600xi32, #tpu.memory_space<vmem>>, vector<16xi32>,
      %swap3A_450 = vector.shape_cast %swap3A_449 : vector<16xi32> to vector<16xi32>
      %swap3A_451 = vector.shape_cast %or3A : vector<16xi32> to vector<16xi32>
      tpu.vector_store %arg6[%swap3A], %swap3A_451 {strides = array<i32>} : memref<1600xi32, #tpu.memory_space<vmem>>, vector<16xi32>,
      %scan3A_452 = arith.constant 1 : i32
      %scan3A_453 = arith.addi %scan3A_432, %scan3A_452 : i32
      %mul3A_454 = arith.constant 1 : i32
      %mul3A_455 = arith.muli %scan3A_453, %mul3A_454 : i32
      %add3A_456 = arith.constant 0 : i32
      %add3A_457 = arith.addi %add3A_456, %mul3A_455 : i32
      %mul3A_458 = arith.constant 16 : i32
      %mul3A_459 = arith.muli %add3A_457, %mul3A_458 : i32
      %get3A_460 = arith.index_cast %mul3A_459 : i32 to index
      %get3A_461 = tpu.vector_load %arg6[%get3A_460] {strides = array<i32>} : memref<1600xi32, #tpu.memory_space<vmem>>, vector<16xi32>,
      %get3A_462 = vector.shape_cast %get3A_461 : vector<16xi32> to vector<16xi32>
      %and3A_463 = arith.constant 262143 : i32
      %and3A_464 = vector.broadcast %and3A_463 : i32 to vector<16xi32>
      %and3A_465 = arith.andi %get3A_462, %and3A_464 : vector<16xi32>
      %shift_left3A_466 = arith.constant 2 : i32
      %shift_left3A_467 = vector.broadcast %shift_left3A_466 : i32 to vector<16xi32>
      %shift_left3A_468 = arith.shli %and3A_465, %shift_left3A_467 : vector<16xi32>
      %shift_right_arithmetic3A_469 = arith.constant 18 : i32
      %shift_right_arithmetic3A_470 = vector.broadcast %shift_right_arithmetic3A_469 : i32 to vector<16xi32>
      %shift_right_arithmetic3A_471 = arith.shrsi %get3A_462, %shift_right_arithmetic3A_470 : vector<16xi32>
      %or3A_472 = arith.ori %shift_left3A_468, %shift_right_arithmetic3A_471 : vector<16xi32>
      %mul3A_473 = arith.constant 16 : i32
      %mul3A_474 = arith.muli %add3A_457, %mul3A_473 : i32
      %swap3A_475 = arith.index_cast %mul3A_474 : i32 to index
      %swap3A_476 = tpu.vector_load %arg6[%swap3A_475] {strides = array<i32>} : memref<1600xi32, #tpu.memory_space<vmem>>, vector<16xi32>,
      %swap3A_477 = vector.shape_cast %swap3A_476 : vector<16xi32> to vector<16xi32>
      %swap3A_478 = vector.shape_cast %or3A_472 : vector<16xi32> to vector<16xi32>
      tpu.vector_store %arg6[%swap3A_475], %swap3A_478 {strides = array<i32>} : memref<1600xi32, #tpu.memory_space<vmem>>, vector<16xi32>,
      %scan3A_479 = arith.constant 2 : i32
      %scan3A_480 = arith.addi %scan3A_432, %scan3A_479 : i32
      %mul3A_481 = arith.constant 1 : i32
      %mul3A_482 = arith.muli %scan3A_480, %mul3A_481 : i32
      %add3A_483 = arith.constant 0 : i32
      %add3A_484 = arith.addi %add3A_483, %mul3A_482 : i32
      %mul3A_485 = arith.constant 16 : i32
      %mul3A_486 = arith.muli %add3A_484, %mul3A_485 : i32
      %get3A_487 = arith.index_cast %mul3A_486 : i32 to index
      %get3A_488 = tpu.vector_load %arg6[%get3A_487] {strides = array<i32>} : memref<1600xi32, #tpu.memory_space<vmem>>, vector<16xi32>,
      %get3A_489 = vector.shape_cast %get3A_488 : vector<16xi32> to vector<16xi32>
      %and3A_490 = arith.constant 262143 : i32
      %and3A_491 = vector.broadcast %and3A_490 : i32 to vector<16xi32>
      %and3A_492 = arith.andi %get3A_489, %and3A_491 : vector<16xi32>
      %shift_left3A_493 = arith.constant 2 : i32
      %shift_left3A_494 = vector.broadcast %shift_left3A_493 : i32 to vector<16xi32>
      %shift_left3A_495 = arith.shli %and3A_492, %shift_left3A_494 : vector<16xi32>
      %shift_right_arithmetic3A_496 = arith.constant 18 : i32
      %shift_right_arithmetic3A_497 = vector.broadcast %shift_right_arithmetic3A_496 : i32 to vector<16xi32>
      %shift_right_arithmetic3A_498 = arith.shrsi %get3A_489, %shift_right_arithmetic3A_497 : vector<16xi32>
      %or3A_499 = arith.ori %shift_left3A_495, %shift_right_arithmetic3A_498 : vector<16xi32>
      %mul3A_500 = arith.constant 16 : i32
      %mul3A_501 = arith.muli %add3A_484, %mul3A_500 : i32
      %swap3A_502 = arith.index_cast %mul3A_501 : i32 to index
      %swap3A_503 = tpu.vector_load %arg6[%swap3A_502] {strides = array<i32>} : memref<1600xi32, #tpu.memory_space<vmem>>, vector<16xi32>,
      %swap3A_504 = vector.shape_cast %swap3A_503 : vector<16xi32> to vector<16xi32>
      %swap3A_505 = vector.shape_cast %or3A_499 : vector<16xi32> to vector<16xi32>
      tpu.vector_store %arg6[%swap3A_502], %swap3A_505 {strides = array<i32>} : memref<1600xi32, #tpu.memory_space<vmem>>, vector<16xi32>,
      %scan3A_506 = arith.constant 3 : i32
      %scan3A_507 = arith.addi %scan3A_432, %scan3A_506 : i32
      %mul3A_508 = arith.constant 1 : i32
      %mul3A_509 = arith.muli %scan3A_507, %mul3A_508 : i32
      %add3A_510 = arith.constant 0 : i32
      %add3A_511 = arith.addi %add3A_510, %mul3A_509 : i32
      %mul3A_512 = arith.constant 16 : i32
      %mul3A_513 = arith.muli %add3A_511, %mul3A_512 : i32
      %get3A_514 = arith.index_cast %mul3A_513 : i32 to index
      %get3A_515 = tpu.vector_load %arg6[%get3A_514] {strides = array<i32>} : memref<1600xi32, #tpu.memory_space<vmem>>, vector<16xi32>,
      %get3A_516 = vector.shape_cast %get3A_515 : vector<16xi32> to vector<16xi32>
      %and3A_517 = arith.constant 262143 : i32
      %and3A_518 = vector.broadcast %and3A_517 : i32 to vector<16xi32>
      %and3A_519 = arith.andi %get3A_516, %and3A_518 : vector<16xi32>
      %shift_left3A_520 = arith.constant 2 : i32
      %shift_left3A_521 = vector.broadcast %shift_left3A_520 : i32 to vector<16xi32>
      %shift_left3A_522 = arith.shli %and3A_519, %shift_left3A_521 : vector<16xi32>
      %shift_right_arithmetic3A_523 = arith.constant 18 : i32
      %shift_right_arithmetic3A_524 = vector.broadcast %shift_right_arithmetic3A_523 : i32 to vector<16xi32>
      %shift_right_arithmetic3A_525 = arith.shrsi %get3A_516, %shift_right_arithmetic3A_524 : vector<16xi32>
      %or3A_526 = arith.ori %shift_left3A_522, %shift_right_arithmetic3A_525 : vector<16xi32>
      %mul3A_527 = arith.constant 16 : i32
      %mul3A_528 = arith.muli %add3A_511, %mul3A_527 : i32
      %swap3A_529 = arith.index_cast %mul3A_528 : i32 to index
      %swap3A_530 = tpu.vector_load %arg6[%swap3A_529] {strides = array<i32>} : memref<1600xi32, #tpu.memory_space<vmem>>, vector<16xi32>,
      %swap3A_531 = vector.shape_cast %swap3A_530 : vector<16xi32> to vector<16xi32>
      %swap3A_532 = vector.shape_cast %or3A_526 : vector<16xi32> to vector<16xi32>
      tpu.vector_store %arg6[%swap3A_529], %swap3A_532 {strides = array<i32>} : memref<1600xi32, #tpu.memory_space<vmem>>, vector<16xi32>,
    }
    %scan3A_236 = arith.constant 100 : i32
    %dma_wait3A_237 = arith.constant 0 : i32
    %dma_wait3A_238 = tpu.memref_slice %arg4[%add3A_225, %dma_wait3A_237] : memref<819200x32xf32, #tpu.memory_space<hbm>> -> memref<1600x32xf32, #tpu.memory_space<hbm>>
    %dma_wait3A_239 = arith.constant 0 : i32
    %dma_wait3A_240 = tpu.memref_slice %arg4[%add3A_225, %dma_wait3A_239] : memref<819200x32xf32, #tpu.memory_space<hbm>> -> memref<1600x32xf32, #tpu.memory_space<hbm>>
    tpu.wait_dma2 semaphore(%arg14 : memref<!tpu.dma_semaphore, #tpu.memory_space<semaphore_mem>>) src(%arg8 : memref<1600x32xf32, #tpu.memory_space<vmem>>) dst(%dma_wait3A_240 : memref<1600x32xf32, #tpu.memory_space<hbm>>)
    %dma_start3A_241 = arith.constant 0 : i32
    %dma_start3A_242 = arith.constant 0 : i32
    %dma_start3A_243 = tpu.memref_slice %arg3[%dma_start3A_241, %dma_start3A_242] : memref<1048576x32xf32, #tpu.memory_space<hbm>> -> memref<1048576x32xf32, #tpu.memory_space<hbm>>
    tpu.enqueue_indirect_dma source(%dma_start3A_243 : memref<1048576x32xf32, #tpu.memory_space<hbm>>) target(%arg8 : memref<1600x32xf32, #tpu.memory_space<vmem>>) offsets(%arg6 : memref<1600xi32, #tpu.memory_space<vmem>>) semaphore(%arg12 : memref<!tpu.dma_semaphore, #tpu.memory_space<semaphore_mem>>)
    %dma_wait3A_244 = arith.constant 0 : i32
    %dma_wait3A_245 = arith.constant 0 : i32
    %dma_wait3A_246 = tpu.memref_slice %arg3[%dma_wait3A_244, %dma_wait3A_245] : memref<1048576x32xf32, #tpu.memory_space<hbm>> -> memref<1048576x32xf32, #tpu.memory_space<hbm>>
    tpu.wait_indirect_dma semaphore(%arg11 : memref<!tpu.dma_semaphore, #tpu.memory_space<semaphore_mem>>) src(%dma_wait3A_246 : memref<1048576x32xf32, #tpu.memory_space<hbm>>) dst(%arg7 : memref<1600x32xf32, #tpu.memory_space<vmem>>)
    %add3A_247 = arith.constant 16000 : i32
    %add3A_248 = arith.addi %mul3A_2, %add3A_247 : i32
    %dma_start3A_249 = tpu.memref_slice %arg2[%add3A_248] : memref<819200xi32, #tpu.memory_space<hbm>> -> memref<1600xi32, #tpu.memory_space<hbm>>
    %dma_start3A_250 = tpu.memref_slice %arg2[%add3A_248] : memref<819200xi32, #tpu.memory_space<hbm>> -> memref<1600xi32, #tpu.memory_space<hbm>>
    tpu.enqueue_dma source(%dma_start3A_250 : memref<1600xi32, #tpu.memory_space<hbm>>) target(%arg5 : memref<1600xi32, #tpu.memory_space<vmem>>) target_semaphore(%arg9 : memref<!tpu.dma_semaphore, #tpu.memory_space<semaphore_mem>>)
    %add3A_251 = arith.constant 12800 : i32
    %add3A_252 = arith.addi %mul3A_2, %add3A_251 : i32
    %dma_start3A_253 = arith.constant 0 : i32
    %dma_start3A_254 = tpu.memref_slice %arg4[%add3A_252, %dma_start3A_253] : memref<819200x32xf32, #tpu.memory_space<hbm>> -> memref<1600x32xf32, #tpu.memory_space<hbm>>
    %dma_start3A_255 = arith.constant 0 : i32
    %dma_start3A_256 = tpu.memref_slice %arg4[%add3A_252, %dma_start3A_255] : memref<819200x32xf32, #tpu.memory_space<hbm>> -> memref<1600x32xf32, #tpu.memory_space<hbm>>
    tpu.enqueue_dma source(%arg7 : memref<1600x32xf32, #tpu.memory_space<vmem>>) target(%dma_start3A_256 : memref<1600x32xf32, #tpu.memory_space<hbm>>) target_semaphore(%arg13 : memref<!tpu.dma_semaphore, #tpu.memory_space<semaphore_mem>>)
    %dma_wait3A_257 = tpu.memref_slice %arg2[%add3A_248] : memref<819200xi32, #tpu.memory_space<hbm>> -> memref<1600xi32, #tpu.memory_space<hbm>>
    %dma_wait3A_258 = tpu.memref_slice %arg2[%add3A_248] : memref<819200xi32, #tpu.memory_space<hbm>> -> memref<1600xi32, #tpu.memory_space<hbm>>
    tpu.wait_dma2 semaphore(%arg9 : memref<!tpu.dma_semaphore, #tpu.memory_space<semaphore_mem>>) src(%dma_wait3A_258 : memref<1600xi32, #tpu.memory_space<hbm>>) dst(%arg5 : memref<1600xi32, #tpu.memory_space<vmem>>)
    %scan3A_259 = arith.constant 0 : i32
    %scan3A_260 = arith.constant 100 : i32
    %scan3A_261 = arith.addi %scan3A_259, %scan3A_260 : i32
    %scan3A_262 = arith.constant 4 : i32
    scf.for %scan3A_432 = %scan3A_259 to %scan3A_261 step %scan3A_262  : i32 {
      %mul3A_433 = arith.constant 1 : i32
      %mul3A_434 = arith.muli %scan3A_432, %mul3A_433 : i32
      %add3A_435 = arith.constant 0 : i32
      %add3A_436 = arith.addi %add3A_435, %mul3A_434 : i32
      %mul3A_437 = arith.constant 16 : i32
      %mul3A_438 = arith.muli %add3A_436, %mul3A_437 : i32
      %get3A = arith.index_cast %mul3A_438 : i32 to index
      %get3A_439 = tpu.vector_load %arg5[%get3A] {strides = array<i32>} : memref<1600xi32, #tpu.memory_space<vmem>>, vector<16xi32>,
      %get3A_440 = vector.shape_cast %get3A_439 : vector<16xi32> to vector<16xi32>
      %and3A = arith.constant 262143 : i32
      %and3A_441 = vector.broadcast %and3A : i32 to vector<16xi32>
      %and3A_442 = arith.andi %get3A_440, %and3A_441 : vector<16xi32>
      %shift_left3A = arith.constant 2 : i32
      %shift_left3A_443 = vector.broadcast %shift_left3A : i32 to vector<16xi32>
      %shift_left3A_444 = arith.shli %and3A_442, %shift_left3A_443 : vector<16xi32>
      %shift_right_arithmetic3A = arith.constant 18 : i32
      %shift_right_arithmetic3A_445 = vector.broadcast %shift_right_arithmetic3A : i32 to vector<16xi32>
      %shift_right_arithmetic3A_446 = arith.shrsi %get3A_440, %shift_right_arithmetic3A_445 : vector<16xi32>
      %or3A = arith.ori %shift_left3A_444, %shift_right_arithmetic3A_446 : vector<16xi32>
      %mul3A_447 = arith.constant 16 : i32
      %mul3A_448 = arith.muli %add3A_436, %mul3A_447 : i32
      %swap3A = arith.index_cast %mul3A_448 : i32 to index
      %swap3A_449 = tpu.vector_load %arg5[%swap3A] {strides = array<i32>} : memref<1600xi32, #tpu.memory_space<vmem>>, vector<16xi32>,
      %swap3A_450 = vector.shape_cast %swap3A_449 : vector<16xi32> to vector<16xi32>
      %swap3A_451 = vector.shape_cast %or3A : vector<16xi32> to vector<16xi32>
      tpu.vector_store %arg5[%swap3A], %swap3A_451 {strides = array<i32>} : memref<1600xi32, #tpu.memory_space<vmem>>, vector<16xi32>,
      %scan3A_452 = arith.constant 1 : i32
      %scan3A_453 = arith.addi %scan3A_432, %scan3A_452 : i32
      %mul3A_454 = arith.constant 1 : i32
      %mul3A_455 = arith.muli %scan3A_453, %mul3A_454 : i32
      %add3A_456 = arith.constant 0 : i32
      %add3A_457 = arith.addi %add3A_456, %mul3A_455 : i32
      %mul3A_458 = arith.constant 16 : i32
      %mul3A_459 = arith.muli %add3A_457, %mul3A_458 : i32
      %get3A_460 = arith.index_cast %mul3A_459 : i32 to index
      %get3A_461 = tpu.vector_load %arg5[%get3A_460] {strides = array<i32>} : memref<1600xi32, #tpu.memory_space<vmem>>, vector<16xi32>,
      %get3A_462 = vector.shape_cast %get3A_461 : vector<16xi32> to vector<16xi32>
      %and3A_463 = arith.constant 262143 : i32
      %and3A_464 = vector.broadcast %and3A_463 : i32 to vector<16xi32>
      %and3A_465 = arith.andi %get3A_462, %and3A_464 : vector<16xi32>
      %shift_left3A_466 = arith.constant 2 : i32
      %shift_left3A_467 = vector.broadcast %shift_left3A_466 : i32 to vector<16xi32>
      %shift_left3A_468 = arith.shli %and3A_465, %shift_left3A_467 : vector<16xi32>
      %shift_right_arithmetic3A_469 = arith.constant 18 : i32
      %shift_right_arithmetic3A_470 = vector.broadcast %shift_right_arithmetic3A_469 : i32 to vector<16xi32>
      %shift_right_arithmetic3A_471 = arith.shrsi %get3A_462, %shift_right_arithmetic3A_470 : vector<16xi32>
      %or3A_472 = arith.ori %shift_left3A_468, %shift_right_arithmetic3A_471 : vector<16xi32>
      %mul3A_473 = arith.constant 16 : i32
      %mul3A_474 = arith.muli %add3A_457, %mul3A_473 : i32
      %swap3A_475 = arith.index_cast %mul3A_474 : i32 to index
      %swap3A_476 = tpu.vector_load %arg5[%swap3A_475] {strides = array<i32>} : memref<1600xi32, #tpu.memory_space<vmem>>, vector<16xi32>,
      %swap3A_477 = vector.shape_cast %swap3A_476 : vector<16xi32> to vector<16xi32>
      %swap3A_478 = vector.shape_cast %or3A_472 : vector<16xi32> to vector<16xi32>
      tpu.vector_store %arg5[%swap3A_475], %swap3A_478 {strides = array<i32>} : memref<1600xi32, #tpu.memory_space<vmem>>, vector<16xi32>,
      %scan3A_479 = arith.constant 2 : i32
      %scan3A_480 = arith.addi %scan3A_432, %scan3A_479 : i32
      %mul3A_481 = arith.constant 1 : i32
      %mul3A_482 = arith.muli %scan3A_480, %mul3A_481 : i32
      %add3A_483 = arith.constant 0 : i32
      %add3A_484 = arith.addi %add3A_483, %mul3A_482 : i32
      %mul3A_485 = arith.constant 16 : i32
      %mul3A_486 = arith.muli %add3A_484, %mul3A_485 : i32
      %get3A_487 = arith.index_cast %mul3A_486 : i32 to index
      %get3A_488 = tpu.vector_load %arg5[%get3A_487] {strides = array<i32>} : memref<1600xi32, #tpu.memory_space<vmem>>, vector<16xi32>,
      %get3A_489 = vector.shape_cast %get3A_488 : vector<16xi32> to vector<16xi32>
      %and3A_490 = arith.constant 262143 : i32
      %and3A_491 = vector.broadcast %and3A_490 : i32 to vector<16xi32>
      %and3A_492 = arith.andi %get3A_489, %and3A_491 : vector<16xi32>
      %shift_left3A_493 = arith.constant 2 : i32
      %shift_left3A_494 = vector.broadcast %shift_left3A_493 : i32 to vector<16xi32>
      %shift_left3A_495 = arith.shli %and3A_492, %shift_left3A_494 : vector<16xi32>
      %shift_right_arithmetic3A_496 = arith.constant 18 : i32
      %shift_right_arithmetic3A_497 = vector.broadcast %shift_right_arithmetic3A_496 : i32 to vector<16xi32>
      %shift_right_arithmetic3A_498 = arith.shrsi %get3A_489, %shift_right_arithmetic3A_497 : vector<16xi32>
      %or3A_499 = arith.ori %shift_left3A_495, %shift_right_arithmetic3A_498 : vector<16xi32>
      %mul3A_500 = arith.constant 16 : i32
      %mul3A_501 = arith.muli %add3A_484, %mul3A_500 : i32
      %swap3A_502 = arith.index_cast %mul3A_501 : i32 to index
      %swap3A_503 = tpu.vector_load %arg5[%swap3A_502] {strides = array<i32>} : memref<1600xi32, #tpu.memory_space<vmem>>, vector<16xi32>,
      %swap3A_504 = vector.shape_cast %swap3A_503 : vector<16xi32> to vector<16xi32>
      %swap3A_505 = vector.shape_cast %or3A_499 : vector<16xi32> to vector<16xi32>
      tpu.vector_store %arg5[%swap3A_502], %swap3A_505 {strides = array<i32>} : memref<1600xi32, #tpu.memory_space<vmem>>, vector<16xi32>,
      %scan3A_506 = arith.constant 3 : i32
      %scan3A_507 = arith.addi %scan3A_432, %scan3A_506 : i32
      %mul3A_508 = arith.constant 1 : i32
      %mul3A_509 = arith.muli %scan3A_507, %mul3A_508 : i32
      %add3A_510 = arith.constant 0 : i32
      %add3A_511 = arith.addi %add3A_510, %mul3A_509 : i32
      %mul3A_512 = arith.constant 16 : i32
      %mul3A_513 = arith.muli %add3A_511, %mul3A_512 : i32
      %get3A_514 = arith.index_cast %mul3A_513 : i32 to index
      %get3A_515 = tpu.vector_load %arg5[%get3A_514] {strides = array<i32>} : memref<1600xi32, #tpu.memory_space<vmem>>, vector<16xi32>,
      %get3A_516 = vector.shape_cast %get3A_515 : vector<16xi32> to vector<16xi32>
      %and3A_517 = arith.constant 262143 : i32
      %and3A_518 = vector.broadcast %and3A_517 : i32 to vector<16xi32>
      %and3A_519 = arith.andi %get3A_516, %and3A_518 : vector<16xi32>
      %shift_left3A_520 = arith.constant 2 : i32
      %shift_left3A_521 = vector.broadcast %shift_left3A_520 : i32 to vector<16xi32>
      %shift_left3A_522 = arith.shli %and3A_519, %shift_left3A_521 : vector<16xi32>
      %shift_right_arithmetic3A_523 = arith.constant 18 : i32
      %shift_right_arithmetic3A_524 = vector.broadcast %shift_right_arithmetic3A_523 : i32 to vector<16xi32>
      %shift_right_arithmetic3A_525 = arith.shrsi %get3A_516, %shift_right_arithmetic3A_524 : vector<16xi32>
      %or3A_526 = arith.ori %shift_left3A_522, %shift_right_arithmetic3A_525 : vector<16xi32>
      %mul3A_527 = arith.constant 16 : i32
      %mul3A_528 = arith.muli %add3A_511, %mul3A_527 : i32
      %swap3A_529 = arith.index_cast %mul3A_528 : i32 to index
      %swap3A_530 = tpu.vector_load %arg5[%swap3A_529] {strides = array<i32>} : memref<1600xi32, #tpu.memory_space<vmem>>, vector<16xi32>,
      %swap3A_531 = vector.shape_cast %swap3A_530 : vector<16xi32> to vector<16xi32>
      %swap3A_532 = vector.shape_cast %or3A_526 : vector<16xi32> to vector<16xi32>
      tpu.vector_store %arg5[%swap3A_529], %swap3A_532 {strides = array<i32>} : memref<1600xi32, #tpu.memory_space<vmem>>, vector<16xi32>,
    }
    %scan3A_263 = arith.constant 100 : i32
    %dma_wait3A_264 = arith.constant 0 : i32
    %dma_wait3A_265 = tpu.memref_slice %arg4[%add3A_252, %dma_wait3A_264] : memref<819200x32xf32, #tpu.memory_space<hbm>> -> memref<1600x32xf32, #tpu.memory_space<hbm>>
    %dma_wait3A_266 = arith.constant 0 : i32
    %dma_wait3A_267 = tpu.memref_slice %arg4[%add3A_252, %dma_wait3A_266] : memref<819200x32xf32, #tpu.memory_space<hbm>> -> memref<1600x32xf32, #tpu.memory_space<hbm>>
    tpu.wait_dma2 semaphore(%arg13 : memref<!tpu.dma_semaphore, #tpu.memory_space<semaphore_mem>>) src(%arg7 : memref<1600x32xf32, #tpu.memory_space<vmem>>) dst(%dma_wait3A_267 : memref<1600x32xf32, #tpu.memory_space<hbm>>)
    %dma_start3A_268 = arith.constant 0 : i32
    %dma_start3A_269 = arith.constant 0 : i32
    %dma_start3A_270 = tpu.memref_slice %arg3[%dma_start3A_268, %dma_start3A_269] : memref<1048576x32xf32, #tpu.memory_space<hbm>> -> memref<1048576x32xf32, #tpu.memory_space<hbm>>
    tpu.enqueue_indirect_dma source(%dma_start3A_270 : memref<1048576x32xf32, #tpu.memory_space<hbm>>) target(%arg7 : memref<1600x32xf32, #tpu.memory_space<vmem>>) offsets(%arg5 : memref<1600xi32, #tpu.memory_space<vmem>>) semaphore(%arg11 : memref<!tpu.dma_semaphore, #tpu.memory_space<semaphore_mem>>)
    %dma_wait3A_271 = arith.constant 0 : i32
    %dma_wait3A_272 = arith.constant 0 : i32
    %dma_wait3A_273 = tpu.memref_slice %arg3[%dma_wait3A_271, %dma_wait3A_272] : memref<1048576x32xf32, #tpu.memory_space<hbm>> -> memref<1048576x32xf32, #tpu.memory_space<hbm>>
    tpu.wait_indirect_dma semaphore(%arg12 : memref<!tpu.dma_semaphore, #tpu.memory_space<semaphore_mem>>) src(%dma_wait3A_273 : memref<1048576x32xf32, #tpu.memory_space<hbm>>) dst(%arg8 : memref<1600x32xf32, #tpu.memory_space<vmem>>)
    %add3A_274 = arith.constant 17600 : i32
    %add3A_275 = arith.addi %mul3A_2, %add3A_274 : i32
    %dma_start3A_276 = tpu.memref_slice %arg2[%add3A_275] : memref<819200xi32, #tpu.memory_space<hbm>> -> memref<1600xi32, #tpu.memory_space<hbm>>
    %dma_start3A_277 = tpu.memref_slice %arg2[%add3A_275] : memref<819200xi32, #tpu.memory_space<hbm>> -> memref<1600xi32, #tpu.memory_space<hbm>>
    tpu.enqueue_dma source(%dma_start3A_277 : memref<1600xi32, #tpu.memory_space<hbm>>) target(%arg6 : memref<1600xi32, #tpu.memory_space<vmem>>) target_semaphore(%arg10 : memref<!tpu.dma_semaphore, #tpu.memory_space<semaphore_mem>>)
    %add3A_278 = arith.constant 14400 : i32
    %add3A_279 = arith.addi %mul3A_2, %add3A_278 : i32
    %dma_start3A_280 = arith.constant 0 : i32
    %dma_start3A_281 = tpu.memref_slice %arg4[%add3A_279, %dma_start3A_280] : memref<819200x32xf32, #tpu.memory_space<hbm>> -> memref<1600x32xf32, #tpu.memory_space<hbm>>
    %dma_start3A_282 = arith.constant 0 : i32
    %dma_start3A_283 = tpu.memref_slice %arg4[%add3A_279, %dma_start3A_282] : memref<819200x32xf32, #tpu.memory_space<hbm>> -> memref<1600x32xf32, #tpu.memory_space<hbm>>
    tpu.enqueue_dma source(%arg8 : memref<1600x32xf32, #tpu.memory_space<vmem>>) target(%dma_start3A_283 : memref<1600x32xf32, #tpu.memory_space<hbm>>) target_semaphore(%arg14 : memref<!tpu.dma_semaphore, #tpu.memory_space<semaphore_mem>>)
    %dma_wait3A_284 = tpu.memref_slice %arg2[%add3A_275] : memref<819200xi32, #tpu.memory_space<hbm>> -> memref<1600xi32, #tpu.memory_space<hbm>>
    %dma_wait3A_285 = tpu.memref_slice %arg2[%add3A_275] : memref<819200xi32, #tpu.memory_space<hbm>> -> memref<1600xi32, #tpu.memory_space<hbm>>
    tpu.wait_dma2 semaphore(%arg10 : memref<!tpu.dma_semaphore, #tpu.memory_space<semaphore_mem>>) src(%dma_wait3A_285 : memref<1600xi32, #tpu.memory_space<hbm>>) dst(%arg6 : memref<1600xi32, #tpu.memory_space<vmem>>)
    %scan3A_286 = arith.constant 0 : i32
    %scan3A_287 = arith.constant 100 : i32
    %scan3A_288 = arith.addi %scan3A_286, %scan3A_287 : i32
    %scan3A_289 = arith.constant 4 : i32
    scf.for %scan3A_432 = %scan3A_286 to %scan3A_288 step %scan3A_289  : i32 {
      %mul3A_433 = arith.constant 1 : i32
      %mul3A_434 = arith.muli %scan3A_432, %mul3A_433 : i32
      %add3A_435 = arith.constant 0 : i32
      %add3A_436 = arith.addi %add3A_435, %mul3A_434 : i32
      %mul3A_437 = arith.constant 16 : i32
      %mul3A_438 = arith.muli %add3A_436, %mul3A_437 : i32
      %get3A = arith.index_cast %mul3A_438 : i32 to index
      %get3A_439 = tpu.vector_load %arg6[%get3A] {strides = array<i32>} : memref<1600xi32, #tpu.memory_space<vmem>>, vector<16xi32>,
      %get3A_440 = vector.shape_cast %get3A_439 : vector<16xi32> to vector<16xi32>
      %and3A = arith.constant 262143 : i32
      %and3A_441 = vector.broadcast %and3A : i32 to vector<16xi32>
      %and3A_442 = arith.andi %get3A_440, %and3A_441 : vector<16xi32>
      %shift_left3A = arith.constant 2 : i32
      %shift_left3A_443 = vector.broadcast %shift_left3A : i32 to vector<16xi32>
      %shift_left3A_444 = arith.shli %and3A_442, %shift_left3A_443 : vector<16xi32>
      %shift_right_arithmetic3A = arith.constant 18 : i32
      %shift_right_arithmetic3A_445 = vector.broadcast %shift_right_arithmetic3A : i32 to vector<16xi32>
      %shift_right_arithmetic3A_446 = arith.shrsi %get3A_440, %shift_right_arithmetic3A_445 : vector<16xi32>
      %or3A = arith.ori %shift_left3A_444, %shift_right_arithmetic3A_446 : vector<16xi32>
      %mul3A_447 = arith.constant 16 : i32
      %mul3A_448 = arith.muli %add3A_436, %mul3A_447 : i32
      %swap3A = arith.index_cast %mul3A_448 : i32 to index
      %swap3A_449 = tpu.vector_load %arg6[%swap3A] {strides = array<i32>} : memref<1600xi32, #tpu.memory_space<vmem>>, vector<16xi32>,
      %swap3A_450 = vector.shape_cast %swap3A_449 : vector<16xi32> to vector<16xi32>
      %swap3A_451 = vector.shape_cast %or3A : vector<16xi32> to vector<16xi32>
      tpu.vector_store %arg6[%swap3A], %swap3A_451 {strides = array<i32>} : memref<1600xi32, #tpu.memory_space<vmem>>, vector<16xi32>,
      %scan3A_452 = arith.constant 1 : i32
      %scan3A_453 = arith.addi %scan3A_432, %scan3A_452 : i32
      %mul3A_454 = arith.constant 1 : i32
      %mul3A_455 = arith.muli %scan3A_453, %mul3A_454 : i32
      %add3A_456 = arith.constant 0 : i32
      %add3A_457 = arith.addi %add3A_456, %mul3A_455 : i32
      %mul3A_458 = arith.constant 16 : i32
      %mul3A_459 = arith.muli %add3A_457, %mul3A_458 : i32
      %get3A_460 = arith.index_cast %mul3A_459 : i32 to index
      %get3A_461 = tpu.vector_load %arg6[%get3A_460] {strides = array<i32>} : memref<1600xi32, #tpu.memory_space<vmem>>, vector<16xi32>,
      %get3A_462 = vector.shape_cast %get3A_461 : vector<16xi32> to vector<16xi32>
      %and3A_463 = arith.constant 262143 : i32
      %and3A_464 = vector.broadcast %and3A_463 : i32 to vector<16xi32>
      %and3A_465 = arith.andi %get3A_462, %and3A_464 : vector<16xi32>
      %shift_left3A_466 = arith.constant 2 : i32
      %shift_left3A_467 = vector.broadcast %shift_left3A_466 : i32 to vector<16xi32>
      %shift_left3A_468 = arith.shli %and3A_465, %shift_left3A_467 : vector<16xi32>
      %shift_right_arithmetic3A_469 = arith.constant 18 : i32
      %shift_right_arithmetic3A_470 = vector.broadcast %shift_right_arithmetic3A_469 : i32 to vector<16xi32>
      %shift_right_arithmetic3A_471 = arith.shrsi %get3A_462, %shift_right_arithmetic3A_470 : vector<16xi32>
      %or3A_472 = arith.ori %shift_left3A_468, %shift_right_arithmetic3A_471 : vector<16xi32>
      %mul3A_473 = arith.constant 16 : i32
      %mul3A_474 = arith.muli %add3A_457, %mul3A_473 : i32
      %swap3A_475 = arith.index_cast %mul3A_474 : i32 to index
      %swap3A_476 = tpu.vector_load %arg6[%swap3A_475] {strides = array<i32>} : memref<1600xi32, #tpu.memory_space<vmem>>, vector<16xi32>,
      %swap3A_477 = vector.shape_cast %swap3A_476 : vector<16xi32> to vector<16xi32>
      %swap3A_478 = vector.shape_cast %or3A_472 : vector<16xi32> to vector<16xi32>
      tpu.vector_store %arg6[%swap3A_475], %swap3A_478 {strides = array<i32>} : memref<1600xi32, #tpu.memory_space<vmem>>, vector<16xi32>,
      %scan3A_479 = arith.constant 2 : i32
      %scan3A_480 = arith.addi %scan3A_432, %scan3A_479 : i32
      %mul3A_481 = arith.constant 1 : i32
      %mul3A_482 = arith.muli %scan3A_480, %mul3A_481 : i32
      %add3A_483 = arith.constant 0 : i32
      %add3A_484 = arith.addi %add3A_483, %mul3A_482 : i32
      %mul3A_485 = arith.constant 16 : i32
      %mul3A_486 = arith.muli %add3A_484, %mul3A_485 : i32
      %get3A_487 = arith.index_cast %mul3A_486 : i32 to index
      %get3A_488 = tpu.vector_load %arg6[%get3A_487] {strides = array<i32>} : memref<1600xi32, #tpu.memory_space<vmem>>, vector<16xi32>,
      %get3A_489 = vector.shape_cast %get3A_488 : vector<16xi32> to vector<16xi32>
      %and3A_490 = arith.constant 262143 : i32
      %and3A_491 = vector.broadcast %and3A_490 : i32 to vector<16xi32>
      %and3A_492 = arith.andi %get3A_489, %and3A_491 : vector<16xi32>
      %shift_left3A_493 = arith.constant 2 : i32
      %shift_left3A_494 = vector.broadcast %shift_left3A_493 : i32 to vector<16xi32>
      %shift_left3A_495 = arith.shli %and3A_492, %shift_left3A_494 : vector<16xi32>
      %shift_right_arithmetic3A_496 = arith.constant 18 : i32
      %shift_right_arithmetic3A_497 = vector.broadcast %shift_right_arithmetic3A_496 : i32 to vector<16xi32>
      %shift_right_arithmetic3A_498 = arith.shrsi %get3A_489, %shift_right_arithmetic3A_497 : vector<16xi32>
      %or3A_499 = arith.ori %shift_left3A_495, %shift_right_arithmetic3A_498 : vector<16xi32>
      %mul3A_500 = arith.constant 16 : i32
      %mul3A_501 = arith.muli %add3A_484, %mul3A_500 : i32
      %swap3A_502 = arith.index_cast %mul3A_501 : i32 to index
      %swap3A_503 = tpu.vector_load %arg6[%swap3A_502] {strides = array<i32>} : memref<1600xi32, #tpu.memory_space<vmem>>, vector<16xi32>,
      %swap3A_504 = vector.shape_cast %swap3A_503 : vector<16xi32> to vector<16xi32>
      %swap3A_505 = vector.shape_cast %or3A_499 : vector<16xi32> to vector<16xi32>
      tpu.vector_store %arg6[%swap3A_502], %swap3A_505 {strides = array<i32>} : memref<1600xi32, #tpu.memory_space<vmem>>, vector<16xi32>,
      %scan3A_506 = arith.constant 3 : i32
      %scan3A_507 = arith.addi %scan3A_432, %scan3A_506 : i32
      %mul3A_508 = arith.constant 1 : i32
      %mul3A_509 = arith.muli %scan3A_507, %mul3A_508 : i32
      %add3A_510 = arith.constant 0 : i32
      %add3A_511 = arith.addi %add3A_510, %mul3A_509 : i32
      %mul3A_512 = arith.constant 16 : i32
      %mul3A_513 = arith.muli %add3A_511, %mul3A_512 : i32
      %get3A_514 = arith.index_cast %mul3A_513 : i32 to index
      %get3A_515 = tpu.vector_load %arg6[%get3A_514] {strides = array<i32>} : memref<1600xi32, #tpu.memory_space<vmem>>, vector<16xi32>,
      %get3A_516 = vector.shape_cast %get3A_515 : vector<16xi32> to vector<16xi32>
      %and3A_517 = arith.constant 262143 : i32
      %and3A_518 = vector.broadcast %and3A_517 : i32 to vector<16xi32>
      %and3A_519 = arith.andi %get3A_516, %and3A_518 : vector<16xi32>
      %shift_left3A_520 = arith.constant 2 : i32
      %shift_left3A_521 = vector.broadcast %shift_left3A_520 : i32 to vector<16xi32>
      %shift_left3A_522 = arith.shli %and3A_519, %shift_left3A_521 : vector<16xi32>
      %shift_right_arithmetic3A_523 = arith.constant 18 : i32
      %shift_right_arithmetic3A_524 = vector.broadcast %shift_right_arithmetic3A_523 : i32 to vector<16xi32>
      %shift_right_arithmetic3A_525 = arith.shrsi %get3A_516, %shift_right_arithmetic3A_524 : vector<16xi32>
      %or3A_526 = arith.ori %shift_left3A_522, %shift_right_arithmetic3A_525 : vector<16xi32>
      %mul3A_527 = arith.constant 16 : i32
      %mul3A_528 = arith.muli %add3A_511, %mul3A_527 : i32
      %swap3A_529 = arith.index_cast %mul3A_528 : i32 to index
      %swap3A_530 = tpu.vector_load %arg6[%swap3A_529] {strides = array<i32>} : memref<1600xi32, #tpu.memory_space<vmem>>, vector<16xi32>,
      %swap3A_531 = vector.shape_cast %swap3A_530 : vector<16xi32> to vector<16xi32>
      %swap3A_532 = vector.shape_cast %or3A_526 : vector<16xi32> to vector<16xi32>
      tpu.vector_store %arg6[%swap3A_529], %swap3A_532 {strides = array<i32>} : memref<1600xi32, #tpu.memory_space<vmem>>, vector<16xi32>,
    }
    %scan3A_290 = arith.constant 100 : i32
    %dma_wait3A_291 = arith.constant 0 : i32
    %dma_wait3A_292 = tpu.memref_slice %arg4[%add3A_279, %dma_wait3A_291] : memref<819200x32xf32, #tpu.memory_space<hbm>> -> memref<1600x32xf32, #tpu.memory_space<hbm>>
    %dma_wait3A_293 = arith.constant 0 : i32
    %dma_wait3A_294 = tpu.memref_slice %arg4[%add3A_279, %dma_wait3A_293] : memref<819200x32xf32, #tpu.memory_space<hbm>> -> memref<1600x32xf32, #tpu.memory_space<hbm>>
    tpu.wait_dma2 semaphore(%arg14 : memref<!tpu.dma_semaphore, #tpu.memory_space<semaphore_mem>>) src(%arg8 : memref<1600x32xf32, #tpu.memory_space<vmem>>) dst(%dma_wait3A_294 : memref<1600x32xf32, #tpu.memory_space<hbm>>)
    %dma_start3A_295 = arith.constant 0 : i32
    %dma_start3A_296 = arith.constant 0 : i32
    %dma_start3A_297 = tpu.memref_slice %arg3[%dma_start3A_295, %dma_start3A_296] : memref<1048576x32xf32, #tpu.memory_space<hbm>> -> memref<1048576x32xf32, #tpu.memory_space<hbm>>
    tpu.enqueue_indirect_dma source(%dma_start3A_297 : memref<1048576x32xf32, #tpu.memory_space<hbm>>) target(%arg8 : memref<1600x32xf32, #tpu.memory_space<vmem>>) offsets(%arg6 : memref<1600xi32, #tpu.memory_space<vmem>>) semaphore(%arg12 : memref<!tpu.dma_semaphore, #tpu.memory_space<semaphore_mem>>)
    %dma_wait3A_298 = arith.constant 0 : i32
    %dma_wait3A_299 = arith.constant 0 : i32
    %dma_wait3A_300 = tpu.memref_slice %arg3[%dma_wait3A_298, %dma_wait3A_299] : memref<1048576x32xf32, #tpu.memory_space<hbm>> -> memref<1048576x32xf32, #tpu.memory_space<hbm>>
    tpu.wait_indirect_dma semaphore(%arg11 : memref<!tpu.dma_semaphore, #tpu.memory_space<semaphore_mem>>) src(%dma_wait3A_300 : memref<1048576x32xf32, #tpu.memory_space<hbm>>) dst(%arg7 : memref<1600x32xf32, #tpu.memory_space<vmem>>)
    %add3A_301 = arith.constant 19200 : i32
    %add3A_302 = arith.addi %mul3A_2, %add3A_301 : i32
    %dma_start3A_303 = tpu.memref_slice %arg2[%add3A_302] : memref<819200xi32, #tpu.memory_space<hbm>> -> memref<1600xi32, #tpu.memory_space<hbm>>
    %dma_start3A_304 = tpu.memref_slice %arg2[%add3A_302] : memref<819200xi32, #tpu.memory_space<hbm>> -> memref<1600xi32, #tpu.memory_space<hbm>>
    tpu.enqueue_dma source(%dma_start3A_304 : memref<1600xi32, #tpu.memory_space<hbm>>) target(%arg5 : memref<1600xi32, #tpu.memory_space<vmem>>) target_semaphore(%arg9 : memref<!tpu.dma_semaphore, #tpu.memory_space<semaphore_mem>>)
    %add3A_305 = arith.constant 16000 : i32
    %add3A_306 = arith.addi %mul3A_2, %add3A_305 : i32
    %dma_start3A_307 = arith.constant 0 : i32
    %dma_start3A_308 = tpu.memref_slice %arg4[%add3A_306, %dma_start3A_307] : memref<819200x32xf32, #tpu.memory_space<hbm>> -> memref<1600x32xf32, #tpu.memory_space<hbm>>
    %dma_start3A_309 = arith.constant 0 : i32
    %dma_start3A_310 = tpu.memref_slice %arg4[%add3A_306, %dma_start3A_309] : memref<819200x32xf32, #tpu.memory_space<hbm>> -> memref<1600x32xf32, #tpu.memory_space<hbm>>
    tpu.enqueue_dma source(%arg7 : memref<1600x32xf32, #tpu.memory_space<vmem>>) target(%dma_start3A_310 : memref<1600x32xf32, #tpu.memory_space<hbm>>) target_semaphore(%arg13 : memref<!tpu.dma_semaphore, #tpu.memory_space<semaphore_mem>>)
    %dma_wait3A_311 = tpu.memref_slice %arg2[%add3A_302] : memref<819200xi32, #tpu.memory_space<hbm>> -> memref<1600xi32, #tpu.memory_space<hbm>>
    %dma_wait3A_312 = tpu.memref_slice %arg2[%add3A_302] : memref<819200xi32, #tpu.memory_space<hbm>> -> memref<1600xi32, #tpu.memory_space<hbm>>
    tpu.wait_dma2 semaphore(%arg9 : memref<!tpu.dma_semaphore, #tpu.memory_space<semaphore_mem>>) src(%dma_wait3A_312 : memref<1600xi32, #tpu.memory_space<hbm>>) dst(%arg5 : memref<1600xi32, #tpu.memory_space<vmem>>)
    %scan3A_313 = arith.constant 0 : i32
    %scan3A_314 = arith.constant 100 : i32
    %scan3A_315 = arith.addi %scan3A_313, %scan3A_314 : i32
    %scan3A_316 = arith.constant 4 : i32
    scf.for %scan3A_432 = %scan3A_313 to %scan3A_315 step %scan3A_316  : i32 {
      %mul3A_433 = arith.constant 1 : i32
      %mul3A_434 = arith.muli %scan3A_432, %mul3A_433 : i32
      %add3A_435 = arith.constant 0 : i32
      %add3A_436 = arith.addi %add3A_435, %mul3A_434 : i32
      %mul3A_437 = arith.constant 16 : i32
      %mul3A_438 = arith.muli %add3A_436, %mul3A_437 : i32
      %get3A = arith.index_cast %mul3A_438 : i32 to index
      %get3A_439 = tpu.vector_load %arg5[%get3A] {strides = array<i32>} : memref<1600xi32, #tpu.memory_space<vmem>>, vector<16xi32>,
      %get3A_440 = vector.shape_cast %get3A_439 : vector<16xi32> to vector<16xi32>
      %and3A = arith.constant 262143 : i32
      %and3A_441 = vector.broadcast %and3A : i32 to vector<16xi32>
      %and3A_442 = arith.andi %get3A_440, %and3A_441 : vector<16xi32>
      %shift_left3A = arith.constant 2 : i32
      %shift_left3A_443 = vector.broadcast %shift_left3A : i32 to vector<16xi32>
      %shift_left3A_444 = arith.shli %and3A_442, %shift_left3A_443 : vector<16xi32>
      %shift_right_arithmetic3A = arith.constant 18 : i32
      %shift_right_arithmetic3A_445 = vector.broadcast %shift_right_arithmetic3A : i32 to vector<16xi32>
      %shift_right_arithmetic3A_446 = arith.shrsi %get3A_440, %shift_right_arithmetic3A_445 : vector<16xi32>
      %or3A = arith.ori %shift_left3A_444, %shift_right_arithmetic3A_446 : vector<16xi32>
      %mul3A_447 = arith.constant 16 : i32
      %mul3A_448 = arith.muli %add3A_436, %mul3A_447 : i32
      %swap3A = arith.index_cast %mul3A_448 : i32 to index
      %swap3A_449 = tpu.vector_load %arg5[%swap3A] {strides = array<i32>} : memref<1600xi32, #tpu.memory_space<vmem>>, vector<16xi32>,
      %swap3A_450 = vector.shape_cast %swap3A_449 : vector<16xi32> to vector<16xi32>
      %swap3A_451 = vector.shape_cast %or3A : vector<16xi32> to vector<16xi32>
      tpu.vector_store %arg5[%swap3A], %swap3A_451 {strides = array<i32>} : memref<1600xi32, #tpu.memory_space<vmem>>, vector<16xi32>,
      %scan3A_452 = arith.constant 1 : i32
      %scan3A_453 = arith.addi %scan3A_432, %scan3A_452 : i32
      %mul3A_454 = arith.constant 1 : i32
      %mul3A_455 = arith.muli %scan3A_453, %mul3A_454 : i32
      %add3A_456 = arith.constant 0 : i32
      %add3A_457 = arith.addi %add3A_456, %mul3A_455 : i32
      %mul3A_458 = arith.constant 16 : i32
      %mul3A_459 = arith.muli %add3A_457, %mul3A_458 : i32
      %get3A_460 = arith.index_cast %mul3A_459 : i32 to index
      %get3A_461 = tpu.vector_load %arg5[%get3A_460] {strides = array<i32>} : memref<1600xi32, #tpu.memory_space<vmem>>, vector<16xi32>,
      %get3A_462 = vector.shape_cast %get3A_461 : vector<16xi32> to vector<16xi32>
      %and3A_463 = arith.constant 262143 : i32
      %and3A_464 = vector.broadcast %and3A_463 : i32 to vector<16xi32>
      %and3A_465 = arith.andi %get3A_462, %and3A_464 : vector<16xi32>
      %shift_left3A_466 = arith.constant 2 : i32
      %shift_left3A_467 = vector.broadcast %shift_left3A_466 : i32 to vector<16xi32>
      %shift_left3A_468 = arith.shli %and3A_465, %shift_left3A_467 : vector<16xi32>
      %shift_right_arithmetic3A_469 = arith.constant 18 : i32
      %shift_right_arithmetic3A_470 = vector.broadcast %shift_right_arithmetic3A_469 : i32 to vector<16xi32>
      %shift_right_arithmetic3A_471 = arith.shrsi %get3A_462, %shift_right_arithmetic3A_470 : vector<16xi32>
      %or3A_472 = arith.ori %shift_left3A_468, %shift_right_arithmetic3A_471 : vector<16xi32>
      %mul3A_473 = arith.constant 16 : i32
      %mul3A_474 = arith.muli %add3A_457, %mul3A_473 : i32
      %swap3A_475 = arith.index_cast %mul3A_474 : i32 to index
      %swap3A_476 = tpu.vector_load %arg5[%swap3A_475] {strides = array<i32>} : memref<1600xi32, #tpu.memory_space<vmem>>, vector<16xi32>,
      %swap3A_477 = vector.shape_cast %swap3A_476 : vector<16xi32> to vector<16xi32>
      %swap3A_478 = vector.shape_cast %or3A_472 : vector<16xi32> to vector<16xi32>
      tpu.vector_store %arg5[%swap3A_475], %swap3A_478 {strides = array<i32>} : memref<1600xi32, #tpu.memory_space<vmem>>, vector<16xi32>,
      %scan3A_479 = arith.constant 2 : i32
      %scan3A_480 = arith.addi %scan3A_432, %scan3A_479 : i32
      %mul3A_481 = arith.constant 1 : i32
      %mul3A_482 = arith.muli %scan3A_480, %mul3A_481 : i32
      %add3A_483 = arith.constant 0 : i32
      %add3A_484 = arith.addi %add3A_483, %mul3A_482 : i32
      %mul3A_485 = arith.constant 16 : i32
      %mul3A_486 = arith.muli %add3A_484, %mul3A_485 : i32
      %get3A_487 = arith.index_cast %mul3A_486 : i32 to index
      %get3A_488 = tpu.vector_load %arg5[%get3A_487] {strides = array<i32>} : memref<1600xi32, #tpu.memory_space<vmem>>, vector<16xi32>,
      %get3A_489 = vector.shape_cast %get3A_488 : vector<16xi32> to vector<16xi32>
      %and3A_490 = arith.constant 262143 : i32
      %and3A_491 = vector.broadcast %and3A_490 : i32 to vector<16xi32>
      %and3A_492 = arith.andi %get3A_489, %and3A_491 : vector<16xi32>
      %shift_left3A_493 = arith.constant 2 : i32
      %shift_left3A_494 = vector.broadcast %shift_left3A_493 : i32 to vector<16xi32>
      %shift_left3A_495 = arith.shli %and3A_492, %shift_left3A_494 : vector<16xi32>
      %shift_right_arithmetic3A_496 = arith.constant 18 : i32
      %shift_right_arithmetic3A_497 = vector.broadcast %shift_right_arithmetic3A_496 : i32 to vector<16xi32>
      %shift_right_arithmetic3A_498 = arith.shrsi %get3A_489, %shift_right_arithmetic3A_497 : vector<16xi32>
      %or3A_499 = arith.ori %shift_left3A_495, %shift_right_arithmetic3A_498 : vector<16xi32>
      %mul3A_500 = arith.constant 16 : i32
      %mul3A_501 = arith.muli %add3A_484, %mul3A_500 : i32
      %swap3A_502 = arith.index_cast %mul3A_501 : i32 to index
      %swap3A_503 = tpu.vector_load %arg5[%swap3A_502] {strides = array<i32>} : memref<1600xi32, #tpu.memory_space<vmem>>, vector<16xi32>,
      %swap3A_504 = vector.shape_cast %swap3A_503 : vector<16xi32> to vector<16xi32>
      %swap3A_505 = vector.shape_cast %or3A_499 : vector<16xi32> to vector<16xi32>
      tpu.vector_store %arg5[%swap3A_502], %swap3A_505 {strides = array<i32>} : memref<1600xi32, #tpu.memory_space<vmem>>, vector<16xi32>,
      %scan3A_506 = arith.constant 3 : i32
      %scan3A_507 = arith.addi %scan3A_432, %scan3A_506 : i32
      %mul3A_508 = arith.constant 1 : i32
      %mul3A_509 = arith.muli %scan3A_507, %mul3A_508 : i32
      %add3A_510 = arith.constant 0 : i32
      %add3A_511 = arith.addi %add3A_510, %mul3A_509 : i32
      %mul3A_512 = arith.constant 16 : i32
      %mul3A_513 = arith.muli %add3A_511, %mul3A_512 : i32
      %get3A_514 = arith.index_cast %mul3A_513 : i32 to index
      %get3A_515 = tpu.vector_load %arg5[%get3A_514] {strides = array<i32>} : memref<1600xi32, #tpu.memory_space<vmem>>, vector<16xi32>,
      %get3A_516 = vector.shape_cast %get3A_515 : vector<16xi32> to vector<16xi32>
      %and3A_517 = arith.constant 262143 : i32
      %and3A_518 = vector.broadcast %and3A_517 : i32 to vector<16xi32>
      %and3A_519 = arith.andi %get3A_516, %and3A_518 : vector<16xi32>
      %shift_left3A_520 = arith.constant 2 : i32
      %shift_left3A_521 = vector.broadcast %shift_left3A_520 : i32 to vector<16xi32>
      %shift_left3A_522 = arith.shli %and3A_519, %shift_left3A_521 : vector<16xi32>
      %shift_right_arithmetic3A_523 = arith.constant 18 : i32
      %shift_right_arithmetic3A_524 = vector.broadcast %shift_right_arithmetic3A_523 : i32 to vector<16xi32>
      %shift_right_arithmetic3A_525 = arith.shrsi %get3A_516, %shift_right_arithmetic3A_524 : vector<16xi32>
      %or3A_526 = arith.ori %shift_left3A_522, %shift_right_arithmetic3A_525 : vector<16xi32>
      %mul3A_527 = arith.constant 16 : i32
      %mul3A_528 = arith.muli %add3A_511, %mul3A_527 : i32
      %swap3A_529 = arith.index_cast %mul3A_528 : i32 to index
      %swap3A_530 = tpu.vector_load %arg5[%swap3A_529] {strides = array<i32>} : memref<1600xi32, #tpu.memory_space<vmem>>, vector<16xi32>,
      %swap3A_531 = vector.shape_cast %swap3A_530 : vector<16xi32> to vector<16xi32>
      %swap3A_532 = vector.shape_cast %or3A_526 : vector<16xi32> to vector<16xi32>
      tpu.vector_store %arg5[%swap3A_529], %swap3A_532 {strides = array<i32>} : memref<1600xi32, #tpu.memory_space<vmem>>, vector<16xi32>,
    }
    %scan3A_317 = arith.constant 100 : i32
    %dma_wait3A_318 = arith.constant 0 : i32
    %dma_wait3A_319 = tpu.memref_slice %arg4[%add3A_306, %dma_wait3A_318] : memref<819200x32xf32, #tpu.memory_space<hbm>> -> memref<1600x32xf32, #tpu.memory_space<hbm>>
    %dma_wait3A_320 = arith.constant 0 : i32
    %dma_wait3A_321 = tpu.memref_slice %arg4[%add3A_306, %dma_wait3A_320] : memref<819200x32xf32, #tpu.memory_space<hbm>> -> memref<1600x32xf32, #tpu.memory_space<hbm>>
    tpu.wait_dma2 semaphore(%arg13 : memref<!tpu.dma_semaphore, #tpu.memory_space<semaphore_mem>>) src(%arg7 : memref<1600x32xf32, #tpu.memory_space<vmem>>) dst(%dma_wait3A_321 : memref<1600x32xf32, #tpu.memory_space<hbm>>)
    %dma_start3A_322 = arith.constant 0 : i32
    %dma_start3A_323 = arith.constant 0 : i32
    %dma_start3A_324 = tpu.memref_slice %arg3[%dma_start3A_322, %dma_start3A_323] : memref<1048576x32xf32, #tpu.memory_space<hbm>> -> memref<1048576x32xf32, #tpu.memory_space<hbm>>
    tpu.enqueue_indirect_dma source(%dma_start3A_324 : memref<1048576x32xf32, #tpu.memory_space<hbm>>) target(%arg7 : memref<1600x32xf32, #tpu.memory_space<vmem>>) offsets(%arg5 : memref<1600xi32, #tpu.memory_space<vmem>>) semaphore(%arg11 : memref<!tpu.dma_semaphore, #tpu.memory_space<semaphore_mem>>)
    %dma_wait3A_325 = arith.constant 0 : i32
    %dma_wait3A_326 = arith.constant 0 : i32
    %dma_wait3A_327 = tpu.memref_slice %arg3[%dma_wait3A_325, %dma_wait3A_326] : memref<1048576x32xf32, #tpu.memory_space<hbm>> -> memref<1048576x32xf32, #tpu.memory_space<hbm>>
    tpu.wait_indirect_dma semaphore(%arg12 : memref<!tpu.dma_semaphore, #tpu.memory_space<semaphore_mem>>) src(%dma_wait3A_327 : memref<1048576x32xf32, #tpu.memory_space<hbm>>) dst(%arg8 : memref<1600x32xf32, #tpu.memory_space<vmem>>)
    %add3A_328 = arith.constant 20800 : i32
    %add3A_329 = arith.addi %mul3A_2, %add3A_328 : i32
    %dma_start3A_330 = tpu.memref_slice %arg2[%add3A_329] : memref<819200xi32, #tpu.memory_space<hbm>> -> memref<1600xi32, #tpu.memory_space<hbm>>
    %dma_start3A_331 = tpu.memref_slice %arg2[%add3A_329] : memref<819200xi32, #tpu.memory_space<hbm>> -> memref<1600xi32, #tpu.memory_space<hbm>>
    tpu.enqueue_dma source(%dma_start3A_331 : memref<1600xi32, #tpu.memory_space<hbm>>) target(%arg6 : memref<1600xi32, #tpu.memory_space<vmem>>) target_semaphore(%arg10 : memref<!tpu.dma_semaphore, #tpu.memory_space<semaphore_mem>>)
    %add3A_332 = arith.constant 17600 : i32
    %add3A_333 = arith.addi %mul3A_2, %add3A_332 : i32
    %dma_start3A_334 = arith.constant 0 : i32
    %dma_start3A_335 = tpu.memref_slice %arg4[%add3A_333, %dma_start3A_334] : memref<819200x32xf32, #tpu.memory_space<hbm>> -> memref<1600x32xf32, #tpu.memory_space<hbm>>
    %dma_start3A_336 = arith.constant 0 : i32
    %dma_start3A_337 = tpu.memref_slice %arg4[%add3A_333, %dma_start3A_336] : memref<819200x32xf32, #tpu.memory_space<hbm>> -> memref<1600x32xf32, #tpu.memory_space<hbm>>
    tpu.enqueue_dma source(%arg8 : memref<1600x32xf32, #tpu.memory_space<vmem>>) target(%dma_start3A_337 : memref<1600x32xf32, #tpu.memory_space<hbm>>) target_semaphore(%arg14 : memref<!tpu.dma_semaphore, #tpu.memory_space<semaphore_mem>>)
    %dma_wait3A_338 = tpu.memref_slice %arg2[%add3A_329] : memref<819200xi32, #tpu.memory_space<hbm>> -> memref<1600xi32, #tpu.memory_space<hbm>>
    %dma_wait3A_339 = tpu.memref_slice %arg2[%add3A_329] : memref<819200xi32, #tpu.memory_space<hbm>> -> memref<1600xi32, #tpu.memory_space<hbm>>
    tpu.wait_dma2 semaphore(%arg10 : memref<!tpu.dma_semaphore, #tpu.memory_space<semaphore_mem>>) src(%dma_wait3A_339 : memref<1600xi32, #tpu.memory_space<hbm>>) dst(%arg6 : memref<1600xi32, #tpu.memory_space<vmem>>)
    %scan3A_340 = arith.constant 0 : i32
    %scan3A_341 = arith.constant 100 : i32
    %scan3A_342 = arith.addi %scan3A_340, %scan3A_341 : i32
    %scan3A_343 = arith.constant 4 : i32
    scf.for %scan3A_432 = %scan3A_340 to %scan3A_342 step %scan3A_343  : i32 {
      %mul3A_433 = arith.constant 1 : i32
      %mul3A_434 = arith.muli %scan3A_432, %mul3A_433 : i32
      %add3A_435 = arith.constant 0 : i32
      %add3A_436 = arith.addi %add3A_435, %mul3A_434 : i32
      %mul3A_437 = arith.constant 16 : i32
      %mul3A_438 = arith.muli %add3A_436, %mul3A_437 : i32
      %get3A = arith.index_cast %mul3A_438 : i32 to index
      %get3A_439 = tpu.vector_load %arg6[%get3A] {strides = array<i32>} : memref<1600xi32, #tpu.memory_space<vmem>>, vector<16xi32>,
      %get3A_440 = vector.shape_cast %get3A_439 : vector<16xi32> to vector<16xi32>
      %and3A = arith.constant 262143 : i32
      %and3A_441 = vector.broadcast %and3A : i32 to vector<16xi32>
      %and3A_442 = arith.andi %get3A_440, %and3A_441 : vector<16xi32>
      %shift_left3A = arith.constant 2 : i32
      %shift_left3A_443 = vector.broadcast %shift_left3A : i32 to vector<16xi32>
      %shift_left3A_444 = arith.shli %and3A_442, %shift_left3A_443 : vector<16xi32>
      %shift_right_arithmetic3A = arith.constant 18 : i32
      %shift_right_arithmetic3A_445 = vector.broadcast %shift_right_arithmetic3A : i32 to vector<16xi32>
      %shift_right_arithmetic3A_446 = arith.shrsi %get3A_440, %shift_right_arithmetic3A_445 : vector<16xi32>
      %or3A = arith.ori %shift_left3A_444, %shift_right_arithmetic3A_446 : vector<16xi32>
      %mul3A_447 = arith.constant 16 : i32
      %mul3A_448 = arith.muli %add3A_436, %mul3A_447 : i32
      %swap3A = arith.index_cast %mul3A_448 : i32 to index
      %swap3A_449 = tpu.vector_load %arg6[%swap3A] {strides = array<i32>} : memref<1600xi32, #tpu.memory_space<vmem>>, vector<16xi32>,
      %swap3A_450 = vector.shape_cast %swap3A_449 : vector<16xi32> to vector<16xi32>
      %swap3A_451 = vector.shape_cast %or3A : vector<16xi32> to vector<16xi32>
      tpu.vector_store %arg6[%swap3A], %swap3A_451 {strides = array<i32>} : memref<1600xi32, #tpu.memory_space<vmem>>, vector<16xi32>,
      %scan3A_452 = arith.constant 1 : i32
      %scan3A_453 = arith.addi %scan3A_432, %scan3A_452 : i32
      %mul3A_454 = arith.constant 1 : i32
      %mul3A_455 = arith.muli %scan3A_453, %mul3A_454 : i32
      %add3A_456 = arith.constant 0 : i32
      %add3A_457 = arith.addi %add3A_456, %mul3A_455 : i32
      %mul3A_458 = arith.constant 16 : i32
      %mul3A_459 = arith.muli %add3A_457, %mul3A_458 : i32
      %get3A_460 = arith.index_cast %mul3A_459 : i32 to index
      %get3A_461 = tpu.vector_load %arg6[%get3A_460] {strides = array<i32>} : memref<1600xi32, #tpu.memory_space<vmem>>, vector<16xi32>,
      %get3A_462 = vector.shape_cast %get3A_461 : vector<16xi32> to vector<16xi32>
      %and3A_463 = arith.constant 262143 : i32
      %and3A_464 = vector.broadcast %and3A_463 : i32 to vector<16xi32>
      %and3A_465 = arith.andi %get3A_462, %and3A_464 : vector<16xi32>
      %shift_left3A_466 = arith.constant 2 : i32
      %shift_left3A_467 = vector.broadcast %shift_left3A_466 : i32 to vector<16xi32>
      %shift_left3A_468 = arith.shli %and3A_465, %shift_left3A_467 : vector<16xi32>
      %shift_right_arithmetic3A_469 = arith.constant 18 : i32
      %shift_right_arithmetic3A_470 = vector.broadcast %shift_right_arithmetic3A_469 : i32 to vector<16xi32>
      %shift_right_arithmetic3A_471 = arith.shrsi %get3A_462, %shift_right_arithmetic3A_470 : vector<16xi32>
      %or3A_472 = arith.ori %shift_left3A_468, %shift_right_arithmetic3A_471 : vector<16xi32>
      %mul3A_473 = arith.constant 16 : i32
      %mul3A_474 = arith.muli %add3A_457, %mul3A_473 : i32
      %swap3A_475 = arith.index_cast %mul3A_474 : i32 to index
      %swap3A_476 = tpu.vector_load %arg6[%swap3A_475] {strides = array<i32>} : memref<1600xi32, #tpu.memory_space<vmem>>, vector<16xi32>,
      %swap3A_477 = vector.shape_cast %swap3A_476 : vector<16xi32> to vector<16xi32>
      %swap3A_478 = vector.shape_cast %or3A_472 : vector<16xi32> to vector<16xi32>
      tpu.vector_store %arg6[%swap3A_475], %swap3A_478 {strides = array<i32>} : memref<1600xi32, #tpu.memory_space<vmem>>, vector<16xi32>,
      %scan3A_479 = arith.constant 2 : i32
      %scan3A_480 = arith.addi %scan3A_432, %scan3A_479 : i32
      %mul3A_481 = arith.constant 1 : i32
      %mul3A_482 = arith.muli %scan3A_480, %mul3A_481 : i32
      %add3A_483 = arith.constant 0 : i32
      %add3A_484 = arith.addi %add3A_483, %mul3A_482 : i32
      %mul3A_485 = arith.constant 16 : i32
      %mul3A_486 = arith.muli %add3A_484, %mul3A_485 : i32
      %get3A_487 = arith.index_cast %mul3A_486 : i32 to index
      %get3A_488 = tpu.vector_load %arg6[%get3A_487] {strides = array<i32>} : memref<1600xi32, #tpu.memory_space<vmem>>, vector<16xi32>,
      %get3A_489 = vector.shape_cast %get3A_488 : vector<16xi32> to vector<16xi32>
      %and3A_490 = arith.constant 262143 : i32
      %and3A_491 = vector.broadcast %and3A_490 : i32 to vector<16xi32>
      %and3A_492 = arith.andi %get3A_489, %and3A_491 : vector<16xi32>
      %shift_left3A_493 = arith.constant 2 : i32
      %shift_left3A_494 = vector.broadcast %shift_left3A_493 : i32 to vector<16xi32>
      %shift_left3A_495 = arith.shli %and3A_492, %shift_left3A_494 : vector<16xi32>
      %shift_right_arithmetic3A_496 = arith.constant 18 : i32
      %shift_right_arithmetic3A_497 = vector.broadcast %shift_right_arithmetic3A_496 : i32 to vector<16xi32>
      %shift_right_arithmetic3A_498 = arith.shrsi %get3A_489, %shift_right_arithmetic3A_497 : vector<16xi32>
      %or3A_499 = arith.ori %shift_left3A_495, %shift_right_arithmetic3A_498 : vector<16xi32>
      %mul3A_500 = arith.constant 16 : i32
      %mul3A_501 = arith.muli %add3A_484, %mul3A_500 : i32
      %swap3A_502 = arith.index_cast %mul3A_501 : i32 to index
      %swap3A_503 = tpu.vector_load %arg6[%swap3A_502] {strides = array<i32>} : memref<1600xi32, #tpu.memory_space<vmem>>, vector<16xi32>,
      %swap3A_504 = vector.shape_cast %swap3A_503 : vector<16xi32> to vector<16xi32>
      %swap3A_505 = vector.shape_cast %or3A_499 : vector<16xi32> to vector<16xi32>
      tpu.vector_store %arg6[%swap3A_502], %swap3A_505 {strides = array<i32>} : memref<1600xi32, #tpu.memory_space<vmem>>, vector<16xi32>,
      %scan3A_506 = arith.constant 3 : i32
      %scan3A_507 = arith.addi %scan3A_432, %scan3A_506 : i32
      %mul3A_508 = arith.constant 1 : i32
      %mul3A_509 = arith.muli %scan3A_507, %mul3A_508 : i32
      %add3A_510 = arith.constant 0 : i32
      %add3A_511 = arith.addi %add3A_510, %mul3A_509 : i32
      %mul3A_512 = arith.constant 16 : i32
      %mul3A_513 = arith.muli %add3A_511, %mul3A_512 : i32
      %get3A_514 = arith.index_cast %mul3A_513 : i32 to index
      %get3A_515 = tpu.vector_load %arg6[%get3A_514] {strides = array<i32>} : memref<1600xi32, #tpu.memory_space<vmem>>, vector<16xi32>,
      %get3A_516 = vector.shape_cast %get3A_515 : vector<16xi32> to vector<16xi32>
      %and3A_517 = arith.constant 262143 : i32
      %and3A_518 = vector.broadcast %and3A_517 : i32 to vector<16xi32>
      %and3A_519 = arith.andi %get3A_516, %and3A_518 : vector<16xi32>
      %shift_left3A_520 = arith.constant 2 : i32
      %shift_left3A_521 = vector.broadcast %shift_left3A_520 : i32 to vector<16xi32>
      %shift_left3A_522 = arith.shli %and3A_519, %shift_left3A_521 : vector<16xi32>
      %shift_right_arithmetic3A_523 = arith.constant 18 : i32
      %shift_right_arithmetic3A_524 = vector.broadcast %shift_right_arithmetic3A_523 : i32 to vector<16xi32>
      %shift_right_arithmetic3A_525 = arith.shrsi %get3A_516, %shift_right_arithmetic3A_524 : vector<16xi32>
      %or3A_526 = arith.ori %shift_left3A_522, %shift_right_arithmetic3A_525 : vector<16xi32>
      %mul3A_527 = arith.constant 16 : i32
      %mul3A_528 = arith.muli %add3A_511, %mul3A_527 : i32
      %swap3A_529 = arith.index_cast %mul3A_528 : i32 to index
      %swap3A_530 = tpu.vector_load %arg6[%swap3A_529] {strides = array<i32>} : memref<1600xi32, #tpu.memory_space<vmem>>, vector<16xi32>,
      %swap3A_531 = vector.shape_cast %swap3A_530 : vector<16xi32> to vector<16xi32>
      %swap3A_532 = vector.shape_cast %or3A_526 : vector<16xi32> to vector<16xi32>
      tpu.vector_store %arg6[%swap3A_529], %swap3A_532 {strides = array<i32>} : memref<1600xi32, #tpu.memory_space<vmem>>, vector<16xi32>,
    }
    %scan3A_344 = arith.constant 100 : i32
    %dma_wait3A_345 = arith.constant 0 : i32
    %dma_wait3A_346 = tpu.memref_slice %arg4[%add3A_333, %dma_wait3A_345] : memref<819200x32xf32, #tpu.memory_space<hbm>> -> memref<1600x32xf32, #tpu.memory_space<hbm>>
    %dma_wait3A_347 = arith.constant 0 : i32
    %dma_wait3A_348 = tpu.memref_slice %arg4[%add3A_333, %dma_wait3A_347] : memref<819200x32xf32, #tpu.memory_space<hbm>> -> memref<1600x32xf32, #tpu.memory_space<hbm>>
    tpu.wait_dma2 semaphore(%arg14 : memref<!tpu.dma_semaphore, #tpu.memory_space<semaphore_mem>>) src(%arg8 : memref<1600x32xf32, #tpu.memory_space<vmem>>) dst(%dma_wait3A_348 : memref<1600x32xf32, #tpu.memory_space<hbm>>)
    %dma_start3A_349 = arith.constant 0 : i32
    %dma_start3A_350 = arith.constant 0 : i32
    %dma_start3A_351 = tpu.memref_slice %arg3[%dma_start3A_349, %dma_start3A_350] : memref<1048576x32xf32, #tpu.memory_space<hbm>> -> memref<1048576x32xf32, #tpu.memory_space<hbm>>
    tpu.enqueue_indirect_dma source(%dma_start3A_351 : memref<1048576x32xf32, #tpu.memory_space<hbm>>) target(%arg8 : memref<1600x32xf32, #tpu.memory_space<vmem>>) offsets(%arg6 : memref<1600xi32, #tpu.memory_space<vmem>>) semaphore(%arg12 : memref<!tpu.dma_semaphore, #tpu.memory_space<semaphore_mem>>)
    %dma_wait3A_352 = arith.constant 0 : i32
    %dma_wait3A_353 = arith.constant 0 : i32
    %dma_wait3A_354 = tpu.memref_slice %arg3[%dma_wait3A_352, %dma_wait3A_353] : memref<1048576x32xf32, #tpu.memory_space<hbm>> -> memref<1048576x32xf32, #tpu.memory_space<hbm>>
    tpu.wait_indirect_dma semaphore(%arg11 : memref<!tpu.dma_semaphore, #tpu.memory_space<semaphore_mem>>) src(%dma_wait3A_354 : memref<1048576x32xf32, #tpu.memory_space<hbm>>) dst(%arg7 : memref<1600x32xf32, #tpu.memory_space<vmem>>)
    %add3A_355 = arith.constant 22400 : i32
    %add3A_356 = arith.addi %mul3A_2, %add3A_355 : i32
    %dma_start3A_357 = tpu.memref_slice %arg2[%add3A_356] : memref<819200xi32, #tpu.memory_space<hbm>> -> memref<1600xi32, #tpu.memory_space<hbm>>
    %dma_start3A_358 = tpu.memref_slice %arg2[%add3A_356] : memref<819200xi32, #tpu.memory_space<hbm>> -> memref<1600xi32, #tpu.memory_space<hbm>>
    tpu.enqueue_dma source(%dma_start3A_358 : memref<1600xi32, #tpu.memory_space<hbm>>) target(%arg5 : memref<1600xi32, #tpu.memory_space<vmem>>) target_semaphore(%arg9 : memref<!tpu.dma_semaphore, #tpu.memory_space<semaphore_mem>>)
    %add3A_359 = arith.constant 19200 : i32
    %add3A_360 = arith.addi %mul3A_2, %add3A_359 : i32
    %dma_start3A_361 = arith.constant 0 : i32
    %dma_start3A_362 = tpu.memref_slice %arg4[%add3A_360, %dma_start3A_361] : memref<819200x32xf32, #tpu.memory_space<hbm>> -> memref<1600x32xf32, #tpu.memory_space<hbm>>
    %dma_start3A_363 = arith.constant 0 : i32
    %dma_start3A_364 = tpu.memref_slice %arg4[%add3A_360, %dma_start3A_363] : memref<819200x32xf32, #tpu.memory_space<hbm>> -> memref<1600x32xf32, #tpu.memory_space<hbm>>
    tpu.enqueue_dma source(%arg7 : memref<1600x32xf32, #tpu.memory_space<vmem>>) target(%dma_start3A_364 : memref<1600x32xf32, #tpu.memory_space<hbm>>) target_semaphore(%arg13 : memref<!tpu.dma_semaphore, #tpu.memory_space<semaphore_mem>>)
    %dma_wait3A_365 = tpu.memref_slice %arg2[%add3A_356] : memref<819200xi32, #tpu.memory_space<hbm>> -> memref<1600xi32, #tpu.memory_space<hbm>>
    %dma_wait3A_366 = tpu.memref_slice %arg2[%add3A_356] : memref<819200xi32, #tpu.memory_space<hbm>> -> memref<1600xi32, #tpu.memory_space<hbm>>
    tpu.wait_dma2 semaphore(%arg9 : memref<!tpu.dma_semaphore, #tpu.memory_space<semaphore_mem>>) src(%dma_wait3A_366 : memref<1600xi32, #tpu.memory_space<hbm>>) dst(%arg5 : memref<1600xi32, #tpu.memory_space<vmem>>)
    %scan3A_367 = arith.constant 0 : i32
    %scan3A_368 = arith.constant 100 : i32
    %scan3A_369 = arith.addi %scan3A_367, %scan3A_368 : i32
    %scan3A_370 = arith.constant 4 : i32
    scf.for %scan3A_432 = %scan3A_367 to %scan3A_369 step %scan3A_370  : i32 {
      %mul3A_433 = arith.constant 1 : i32
      %mul3A_434 = arith.muli %scan3A_432, %mul3A_433 : i32
      %add3A_435 = arith.constant 0 : i32
      %add3A_436 = arith.addi %add3A_435, %mul3A_434 : i32
      %mul3A_437 = arith.constant 16 : i32
      %mul3A_438 = arith.muli %add3A_436, %mul3A_437 : i32
      %get3A = arith.index_cast %mul3A_438 : i32 to index
      %get3A_439 = tpu.vector_load %arg5[%get3A] {strides = array<i32>} : memref<1600xi32, #tpu.memory_space<vmem>>, vector<16xi32>,
      %get3A_440 = vector.shape_cast %get3A_439 : vector<16xi32> to vector<16xi32>
      %and3A = arith.constant 262143 : i32
      %and3A_441 = vector.broadcast %and3A : i32 to vector<16xi32>
      %and3A_442 = arith.andi %get3A_440, %and3A_441 : vector<16xi32>
      %shift_left3A = arith.constant 2 : i32
      %shift_left3A_443 = vector.broadcast %shift_left3A : i32 to vector<16xi32>
      %shift_left3A_444 = arith.shli %and3A_442, %shift_left3A_443 : vector<16xi32>
      %shift_right_arithmetic3A = arith.constant 18 : i32
      %shift_right_arithmetic3A_445 = vector.broadcast %shift_right_arithmetic3A : i32 to vector<16xi32>
      %shift_right_arithmetic3A_446 = arith.shrsi %get3A_440, %shift_right_arithmetic3A_445 : vector<16xi32>
      %or3A = arith.ori %shift_left3A_444, %shift_right_arithmetic3A_446 : vector<16xi32>
      %mul3A_447 = arith.constant 16 : i32
      %mul3A_448 = arith.muli %add3A_436, %mul3A_447 : i32
      %swap3A = arith.index_cast %mul3A_448 : i32 to index
      %swap3A_449 = tpu.vector_load %arg5[%swap3A] {strides = array<i32>} : memref<1600xi32, #tpu.memory_space<vmem>>, vector<16xi32>,
      %swap3A_450 = vector.shape_cast %swap3A_449 : vector<16xi32> to vector<16xi32>
      %swap3A_451 = vector.shape_cast %or3A : vector<16xi32> to vector<16xi32>
      tpu.vector_store %arg5[%swap3A], %swap3A_451 {strides = array<i32>} : memref<1600xi32, #tpu.memory_space<vmem>>, vector<16xi32>,
      %scan3A_452 = arith.constant 1 : i32
      %scan3A_453 = arith.addi %scan3A_432, %scan3A_452 : i32
      %mul3A_454 = arith.constant 1 : i32
      %mul3A_455 = arith.muli %scan3A_453, %mul3A_454 : i32
      %add3A_456 = arith.constant 0 : i32
      %add3A_457 = arith.addi %add3A_456, %mul3A_455 : i32
      %mul3A_458 = arith.constant 16 : i32
      %mul3A_459 = arith.muli %add3A_457, %mul3A_458 : i32
      %get3A_460 = arith.index_cast %mul3A_459 : i32 to index
      %get3A_461 = tpu.vector_load %arg5[%get3A_460] {strides = array<i32>} : memref<1600xi32, #tpu.memory_space<vmem>>, vector<16xi32>,
      %get3A_462 = vector.shape_cast %get3A_461 : vector<16xi32> to vector<16xi32>
      %and3A_463 = arith.constant 262143 : i32
      %and3A_464 = vector.broadcast %and3A_463 : i32 to vector<16xi32>
      %and3A_465 = arith.andi %get3A_462, %and3A_464 : vector<16xi32>
      %shift_left3A_466 = arith.constant 2 : i32
      %shift_left3A_467 = vector.broadcast %shift_left3A_466 : i32 to vector<16xi32>
      %shift_left3A_468 = arith.shli %and3A_465, %shift_left3A_467 : vector<16xi32>
      %shift_right_arithmetic3A_469 = arith.constant 18 : i32
      %shift_right_arithmetic3A_470 = vector.broadcast %shift_right_arithmetic3A_469 : i32 to vector<16xi32>
      %shift_right_arithmetic3A_471 = arith.shrsi %get3A_462, %shift_right_arithmetic3A_470 : vector<16xi32>
      %or3A_472 = arith.ori %shift_left3A_468, %shift_right_arithmetic3A_471 : vector<16xi32>
      %mul3A_473 = arith.constant 16 : i32
      %mul3A_474 = arith.muli %add3A_457, %mul3A_473 : i32
      %swap3A_475 = arith.index_cast %mul3A_474 : i32 to index
      %swap3A_476 = tpu.vector_load %arg5[%swap3A_475] {strides = array<i32>} : memref<1600xi32, #tpu.memory_space<vmem>>, vector<16xi32>,
      %swap3A_477 = vector.shape_cast %swap3A_476 : vector<16xi32> to vector<16xi32>
      %swap3A_478 = vector.shape_cast %or3A_472 : vector<16xi32> to vector<16xi32>
      tpu.vector_store %arg5[%swap3A_475], %swap3A_478 {strides = array<i32>} : memref<1600xi32, #tpu.memory_space<vmem>>, vector<16xi32>,
      %scan3A_479 = arith.constant 2 : i32
      %scan3A_480 = arith.addi %scan3A_432, %scan3A_479 : i32
      %mul3A_481 = arith.constant 1 : i32
      %mul3A_482 = arith.muli %scan3A_480, %mul3A_481 : i32
      %add3A_483 = arith.constant 0 : i32
      %add3A_484 = arith.addi %add3A_483, %mul3A_482 : i32
      %mul3A_485 = arith.constant 16 : i32
      %mul3A_486 = arith.muli %add3A_484, %mul3A_485 : i32
      %get3A_487 = arith.index_cast %mul3A_486 : i32 to index
      %get3A_488 = tpu.vector_load %arg5[%get3A_487] {strides = array<i32>} : memref<1600xi32, #tpu.memory_space<vmem>>, vector<16xi32>,
      %get3A_489 = vector.shape_cast %get3A_488 : vector<16xi32> to vector<16xi32>
      %and3A_490 = arith.constant 262143 : i32
      %and3A_491 = vector.broadcast %and3A_490 : i32 to vector<16xi32>
      %and3A_492 = arith.andi %get3A_489, %and3A_491 : vector<16xi32>
      %shift_left3A_493 = arith.constant 2 : i32
      %shift_left3A_494 = vector.broadcast %shift_left3A_493 : i32 to vector<16xi32>
      %shift_left3A_495 = arith.shli %and3A_492, %shift_left3A_494 : vector<16xi32>
      %shift_right_arithmetic3A_496 = arith.constant 18 : i32
      %shift_right_arithmetic3A_497 = vector.broadcast %shift_right_arithmetic3A_496 : i32 to vector<16xi32>
      %shift_right_arithmetic3A_498 = arith.shrsi %get3A_489, %shift_right_arithmetic3A_497 : vector<16xi32>
      %or3A_499 = arith.ori %shift_left3A_495, %shift_right_arithmetic3A_498 : vector<16xi32>
      %mul3A_500 = arith.constant 16 : i32
      %mul3A_501 = arith.muli %add3A_484, %mul3A_500 : i32
      %swap3A_502 = arith.index_cast %mul3A_501 : i32 to index
      %swap3A_503 = tpu.vector_load %arg5[%swap3A_502] {strides = array<i32>} : memref<1600xi32, #tpu.memory_space<vmem>>, vector<16xi32>,
      %swap3A_504 = vector.shape_cast %swap3A_503 : vector<16xi32> to vector<16xi32>
      %swap3A_505 = vector.shape_cast %or3A_499 : vector<16xi32> to vector<16xi32>
      tpu.vector_store %arg5[%swap3A_502], %swap3A_505 {strides = array<i32>} : memref<1600xi32, #tpu.memory_space<vmem>>, vector<16xi32>,
      %scan3A_506 = arith.constant 3 : i32
      %scan3A_507 = arith.addi %scan3A_432, %scan3A_506 : i32
      %mul3A_508 = arith.constant 1 : i32
      %mul3A_509 = arith.muli %scan3A_507, %mul3A_508 : i32
      %add3A_510 = arith.constant 0 : i32
      %add3A_511 = arith.addi %add3A_510, %mul3A_509 : i32
      %mul3A_512 = arith.constant 16 : i32
      %mul3A_513 = arith.muli %add3A_511, %mul3A_512 : i32
      %get3A_514 = arith.index_cast %mul3A_513 : i32 to index
      %get3A_515 = tpu.vector_load %arg5[%get3A_514] {strides = array<i32>} : memref<1600xi32, #tpu.memory_space<vmem>>, vector<16xi32>,
      %get3A_516 = vector.shape_cast %get3A_515 : vector<16xi32> to vector<16xi32>
      %and3A_517 = arith.constant 262143 : i32
      %and3A_518 = vector.broadcast %and3A_517 : i32 to vector<16xi32>
      %and3A_519 = arith.andi %get3A_516, %and3A_518 : vector<16xi32>
      %shift_left3A_520 = arith.constant 2 : i32
      %shift_left3A_521 = vector.broadcast %shift_left3A_520 : i32 to vector<16xi32>
      %shift_left3A_522 = arith.shli %and3A_519, %shift_left3A_521 : vector<16xi32>
      %shift_right_arithmetic3A_523 = arith.constant 18 : i32
      %shift_right_arithmetic3A_524 = vector.broadcast %shift_right_arithmetic3A_523 : i32 to vector<16xi32>
      %shift_right_arithmetic3A_525 = arith.shrsi %get3A_516, %shift_right_arithmetic3A_524 : vector<16xi32>
      %or3A_526 = arith.ori %shift_left3A_522, %shift_right_arithmetic3A_525 : vector<16xi32>
      %mul3A_527 = arith.constant 16 : i32
      %mul3A_528 = arith.muli %add3A_511, %mul3A_527 : i32
      %swap3A_529 = arith.index_cast %mul3A_528 : i32 to index
      %swap3A_530 = tpu.vector_load %arg5[%swap3A_529] {strides = array<i32>} : memref<1600xi32, #tpu.memory_space<vmem>>, vector<16xi32>,
      %swap3A_531 = vector.shape_cast %swap3A_530 : vector<16xi32> to vector<16xi32>
      %swap3A_532 = vector.shape_cast %or3A_526 : vector<16xi32> to vector<16xi32>
      tpu.vector_store %arg5[%swap3A_529], %swap3A_532 {strides = array<i32>} : memref<1600xi32, #tpu.memory_space<vmem>>, vector<16xi32>,
    }
    %scan3A_371 = arith.constant 100 : i32
    %dma_wait3A_372 = arith.constant 0 : i32
    %dma_wait3A_373 = tpu.memref_slice %arg4[%add3A_360, %dma_wait3A_372] : memref<819200x32xf32, #tpu.memory_space<hbm>> -> memref<1600x32xf32, #tpu.memory_space<hbm>>
    %dma_wait3A_374 = arith.constant 0 : i32
    %dma_wait3A_375 = tpu.memref_slice %arg4[%add3A_360, %dma_wait3A_374] : memref<819200x32xf32, #tpu.memory_space<hbm>> -> memref<1600x32xf32, #tpu.memory_space<hbm>>
    tpu.wait_dma2 semaphore(%arg13 : memref<!tpu.dma_semaphore, #tpu.memory_space<semaphore_mem>>) src(%arg7 : memref<1600x32xf32, #tpu.memory_space<vmem>>) dst(%dma_wait3A_375 : memref<1600x32xf32, #tpu.memory_space<hbm>>)
    %dma_start3A_376 = arith.constant 0 : i32
    %dma_start3A_377 = arith.constant 0 : i32
    %dma_start3A_378 = tpu.memref_slice %arg3[%dma_start3A_376, %dma_start3A_377] : memref<1048576x32xf32, #tpu.memory_space<hbm>> -> memref<1048576x32xf32, #tpu.memory_space<hbm>>
    tpu.enqueue_indirect_dma source(%dma_start3A_378 : memref<1048576x32xf32, #tpu.memory_space<hbm>>) target(%arg7 : memref<1600x32xf32, #tpu.memory_space<vmem>>) offsets(%arg5 : memref<1600xi32, #tpu.memory_space<vmem>>) semaphore(%arg11 : memref<!tpu.dma_semaphore, #tpu.memory_space<semaphore_mem>>)
    %dma_wait3A_379 = arith.constant 0 : i32
    %dma_wait3A_380 = arith.constant 0 : i32
    %dma_wait3A_381 = tpu.memref_slice %arg3[%dma_wait3A_379, %dma_wait3A_380] : memref<1048576x32xf32, #tpu.memory_space<hbm>> -> memref<1048576x32xf32, #tpu.memory_space<hbm>>
    tpu.wait_indirect_dma semaphore(%arg12 : memref<!tpu.dma_semaphore, #tpu.memory_space<semaphore_mem>>) src(%dma_wait3A_381 : memref<1048576x32xf32, #tpu.memory_space<hbm>>) dst(%arg8 : memref<1600x32xf32, #tpu.memory_space<vmem>>)
    %add3A_382 = arith.constant 24000 : i32
    %add3A_383 = arith.addi %mul3A_2, %add3A_382 : i32
    %dma_start3A_384 = tpu.memref_slice %arg2[%add3A_383] : memref<819200xi32, #tpu.memory_space<hbm>> -> memref<1600xi32, #tpu.memory_space<hbm>>
    %dma_start3A_385 = tpu.memref_slice %arg2[%add3A_383] : memref<819200xi32, #tpu.memory_space<hbm>> -> memref<1600xi32, #tpu.memory_space<hbm>>
    tpu.enqueue_dma source(%dma_start3A_385 : memref<1600xi32, #tpu.memory_space<hbm>>) target(%arg6 : memref<1600xi32, #tpu.memory_space<vmem>>) target_semaphore(%arg10 : memref<!tpu.dma_semaphore, #tpu.memory_space<semaphore_mem>>)
    %add3A_386 = arith.constant 20800 : i32
    %add3A_387 = arith.addi %mul3A_2, %add3A_386 : i32
    %dma_start3A_388 = arith.constant 0 : i32
    %dma_start3A_389 = tpu.memref_slice %arg4[%add3A_387, %dma_start3A_388] : memref<819200x32xf32, #tpu.memory_space<hbm>> -> memref<1600x32xf32, #tpu.memory_space<hbm>>
    %dma_start3A_390 = arith.constant 0 : i32
    %dma_start3A_391 = tpu.memref_slice %arg4[%add3A_387, %dma_start3A_390] : memref<819200x32xf32, #tpu.memory_space<hbm>> -> memref<1600x32xf32, #tpu.memory_space<hbm>>
    tpu.enqueue_dma source(%arg8 : memref<1600x32xf32, #tpu.memory_space<vmem>>) target(%dma_start3A_391 : memref<1600x32xf32, #tpu.memory_space<hbm>>) target_semaphore(%arg14 : memref<!tpu.dma_semaphore, #tpu.memory_space<semaphore_mem>>)
    %dma_wait3A_392 = tpu.memref_slice %arg2[%add3A_383] : memref<819200xi32, #tpu.memory_space<hbm>> -> memref<1600xi32, #tpu.memory_space<hbm>>
    %dma_wait3A_393 = tpu.memref_slice %arg2[%add3A_383] : memref<819200xi32, #tpu.memory_space<hbm>> -> memref<1600xi32, #tpu.memory_space<hbm>>
    tpu.wait_dma2 semaphore(%arg10 : memref<!tpu.dma_semaphore, #tpu.memory_space<semaphore_mem>>) src(%dma_wait3A_393 : memref<1600xi32, #tpu.memory_space<hbm>>) dst(%arg6 : memref<1600xi32, #tpu.memory_space<vmem>>)
    %scan3A_394 = arith.constant 0 : i32
    %scan3A_395 = arith.constant 100 : i32
    %scan3A_396 = arith.addi %scan3A_394, %scan3A_395 : i32
    %scan3A_397 = arith.constant 4 : i32
    scf.for %scan3A_432 = %scan3A_394 to %scan3A_396 step %scan3A_397  : i32 {
      %mul3A_433 = arith.constant 1 : i32
      %mul3A_434 = arith.muli %scan3A_432, %mul3A_433 : i32
      %add3A_435 = arith.constant 0 : i32
      %add3A_436 = arith.addi %add3A_435, %mul3A_434 : i32
      %mul3A_437 = arith.constant 16 : i32
      %mul3A_438 = arith.muli %add3A_436, %mul3A_437 : i32
      %get3A = arith.index_cast %mul3A_438 : i32 to index
      %get3A_439 = tpu.vector_load %arg6[%get3A] {strides = array<i32>} : memref<1600xi32, #tpu.memory_space<vmem>>, vector<16xi32>,
      %get3A_440 = vector.shape_cast %get3A_439 : vector<16xi32> to vector<16xi32>
      %and3A = arith.constant 262143 : i32
      %and3A_441 = vector.broadcast %and3A : i32 to vector<16xi32>
      %and3A_442 = arith.andi %get3A_440, %and3A_441 : vector<16xi32>
      %shift_left3A = arith.constant 2 : i32
      %shift_left3A_443 = vector.broadcast %shift_left3A : i32 to vector<16xi32>
      %shift_left3A_444 = arith.shli %and3A_442, %shift_left3A_443 : vector<16xi32>
      %shift_right_arithmetic3A = arith.constant 18 : i32
      %shift_right_arithmetic3A_445 = vector.broadcast %shift_right_arithmetic3A : i32 to vector<16xi32>
      %shift_right_arithmetic3A_446 = arith.shrsi %get3A_440, %shift_right_arithmetic3A_445 : vector<16xi32>
      %or3A = arith.ori %shift_left3A_444, %shift_right_arithmetic3A_446 : vector<16xi32>
      %mul3A_447 = arith.constant 16 : i32
      %mul3A_448 = arith.muli %add3A_436, %mul3A_447 : i32
      %swap3A = arith.index_cast %mul3A_448 : i32 to index
      %swap3A_449 = tpu.vector_load %arg6[%swap3A] {strides = array<i32>} : memref<1600xi32, #tpu.memory_space<vmem>>, vector<16xi32>,
      %swap3A_450 = vector.shape_cast %swap3A_449 : vector<16xi32> to vector<16xi32>
      %swap3A_451 = vector.shape_cast %or3A : vector<16xi32> to vector<16xi32>
      tpu.vector_store %arg6[%swap3A], %swap3A_451 {strides = array<i32>} : memref<1600xi32, #tpu.memory_space<vmem>>, vector<16xi32>,
      %scan3A_452 = arith.constant 1 : i32
      %scan3A_453 = arith.addi %scan3A_432, %scan3A_452 : i32
      %mul3A_454 = arith.constant 1 : i32
      %mul3A_455 = arith.muli %scan3A_453, %mul3A_454 : i32
      %add3A_456 = arith.constant 0 : i32
      %add3A_457 = arith.addi %add3A_456, %mul3A_455 : i32
      %mul3A_458 = arith.constant 16 : i32
      %mul3A_459 = arith.muli %add3A_457, %mul3A_458 : i32
      %get3A_460 = arith.index_cast %mul3A_459 : i32 to index
      %get3A_461 = tpu.vector_load %arg6[%get3A_460] {strides = array<i32>} : memref<1600xi32, #tpu.memory_space<vmem>>, vector<16xi32>,
      %get3A_462 = vector.shape_cast %get3A_461 : vector<16xi32> to vector<16xi32>
      %and3A_463 = arith.constant 262143 : i32
      %and3A_464 = vector.broadcast %and3A_463 : i32 to vector<16xi32>
      %and3A_465 = arith.andi %get3A_462, %and3A_464 : vector<16xi32>
      %shift_left3A_466 = arith.constant 2 : i32
      %shift_left3A_467 = vector.broadcast %shift_left3A_466 : i32 to vector<16xi32>
      %shift_left3A_468 = arith.shli %and3A_465, %shift_left3A_467 : vector<16xi32>
      %shift_right_arithmetic3A_469 = arith.constant 18 : i32
      %shift_right_arithmetic3A_470 = vector.broadcast %shift_right_arithmetic3A_469 : i32 to vector<16xi32>
      %shift_right_arithmetic3A_471 = arith.shrsi %get3A_462, %shift_right_arithmetic3A_470 : vector<16xi32>
      %or3A_472 = arith.ori %shift_left3A_468, %shift_right_arithmetic3A_471 : vector<16xi32>
      %mul3A_473 = arith.constant 16 : i32
      %mul3A_474 = arith.muli %add3A_457, %mul3A_473 : i32
      %swap3A_475 = arith.index_cast %mul3A_474 : i32 to index
      %swap3A_476 = tpu.vector_load %arg6[%swap3A_475] {strides = array<i32>} : memref<1600xi32, #tpu.memory_space<vmem>>, vector<16xi32>,
      %swap3A_477 = vector.shape_cast %swap3A_476 : vector<16xi32> to vector<16xi32>
      %swap3A_478 = vector.shape_cast %or3A_472 : vector<16xi32> to vector<16xi32>
      tpu.vector_store %arg6[%swap3A_475], %swap3A_478 {strides = array<i32>} : memref<1600xi32, #tpu.memory_space<vmem>>, vector<16xi32>,
      %scan3A_479 = arith.constant 2 : i32
      %scan3A_480 = arith.addi %scan3A_432, %scan3A_479 : i32
      %mul3A_481 = arith.constant 1 : i32
      %mul3A_482 = arith.muli %scan3A_480, %mul3A_481 : i32
      %add3A_483 = arith.constant 0 : i32
      %add3A_484 = arith.addi %add3A_483, %mul3A_482 : i32
      %mul3A_485 = arith.constant 16 : i32
      %mul3A_486 = arith.muli %add3A_484, %mul3A_485 : i32
      %get3A_487 = arith.index_cast %mul3A_486 : i32 to index
      %get3A_488 = tpu.vector_load %arg6[%get3A_487] {strides = array<i32>} : memref<1600xi32, #tpu.memory_space<vmem>>, vector<16xi32>,
      %get3A_489 = vector.shape_cast %get3A_488 : vector<16xi32> to vector<16xi32>
      %and3A_490 = arith.constant 262143 : i32
      %and3A_491 = vector.broadcast %and3A_490 : i32 to vector<16xi32>
      %and3A_492 = arith.andi %get3A_489, %and3A_491 : vector<16xi32>
      %shift_left3A_493 = arith.constant 2 : i32
      %shift_left3A_494 = vector.broadcast %shift_left3A_493 : i32 to vector<16xi32>
      %shift_left3A_495 = arith.shli %and3A_492, %shift_left3A_494 : vector<16xi32>
      %shift_right_arithmetic3A_496 = arith.constant 18 : i32
      %shift_right_arithmetic3A_497 = vector.broadcast %shift_right_arithmetic3A_496 : i32 to vector<16xi32>
      %shift_right_arithmetic3A_498 = arith.shrsi %get3A_489, %shift_right_arithmetic3A_497 : vector<16xi32>
      %or3A_499 = arith.ori %shift_left3A_495, %shift_right_arithmetic3A_498 : vector<16xi32>
      %mul3A_500 = arith.constant 16 : i32
      %mul3A_501 = arith.muli %add3A_484, %mul3A_500 : i32
      %swap3A_502 = arith.index_cast %mul3A_501 : i32 to index
      %swap3A_503 = tpu.vector_load %arg6[%swap3A_502] {strides = array<i32>} : memref<1600xi32, #tpu.memory_space<vmem>>, vector<16xi32>,
      %swap3A_504 = vector.shape_cast %swap3A_503 : vector<16xi32> to vector<16xi32>
      %swap3A_505 = vector.shape_cast %or3A_499 : vector<16xi32> to vector<16xi32>
      tpu.vector_store %arg6[%swap3A_502], %swap3A_505 {strides = array<i32>} : memref<1600xi32, #tpu.memory_space<vmem>>, vector<16xi32>,
      %scan3A_506 = arith.constant 3 : i32
      %scan3A_507 = arith.addi %scan3A_432, %scan3A_506 : i32
      %mul3A_508 = arith.constant 1 : i32
      %mul3A_509 = arith.muli %scan3A_507, %mul3A_508 : i32
      %add3A_510 = arith.constant 0 : i32
      %add3A_511 = arith.addi %add3A_510, %mul3A_509 : i32
      %mul3A_512 = arith.constant 16 : i32
      %mul3A_513 = arith.muli %add3A_511, %mul3A_512 : i32
      %get3A_514 = arith.index_cast %mul3A_513 : i32 to index
      %get3A_515 = tpu.vector_load %arg6[%get3A_514] {strides = array<i32>} : memref<1600xi32, #tpu.memory_space<vmem>>, vector<16xi32>,
      %get3A_516 = vector.shape_cast %get3A_515 : vector<16xi32> to vector<16xi32>
      %and3A_517 = arith.constant 262143 : i32
      %and3A_518 = vector.broadcast %and3A_517 : i32 to vector<16xi32>
      %and3A_519 = arith.andi %get3A_516, %and3A_518 : vector<16xi32>
      %shift_left3A_520 = arith.constant 2 : i32
      %shift_left3A_521 = vector.broadcast %shift_left3A_520 : i32 to vector<16xi32>
      %shift_left3A_522 = arith.shli %and3A_519, %shift_left3A_521 : vector<16xi32>
      %shift_right_arithmetic3A_523 = arith.constant 18 : i32
      %shift_right_arithmetic3A_524 = vector.broadcast %shift_right_arithmetic3A_523 : i32 to vector<16xi32>
      %shift_right_arithmetic3A_525 = arith.shrsi %get3A_516, %shift_right_arithmetic3A_524 : vector<16xi32>
      %or3A_526 = arith.ori %shift_left3A_522, %shift_right_arithmetic3A_525 : vector<16xi32>
      %mul3A_527 = arith.constant 16 : i32
      %mul3A_528 = arith.muli %add3A_511, %mul3A_527 : i32
      %swap3A_529 = arith.index_cast %mul3A_528 : i32 to index
      %swap3A_530 = tpu.vector_load %arg6[%swap3A_529] {strides = array<i32>} : memref<1600xi32, #tpu.memory_space<vmem>>, vector<16xi32>,
      %swap3A_531 = vector.shape_cast %swap3A_530 : vector<16xi32> to vector<16xi32>
      %swap3A_532 = vector.shape_cast %or3A_526 : vector<16xi32> to vector<16xi32>
      tpu.vector_store %arg6[%swap3A_529], %swap3A_532 {strides = array<i32>} : memref<1600xi32, #tpu.memory_space<vmem>>, vector<16xi32>,
    }
    %scan3A_398 = arith.constant 100 : i32
    %dma_wait3A_399 = arith.constant 0 : i32
    %dma_wait3A_400 = tpu.memref_slice %arg4[%add3A_387, %dma_wait3A_399] : memref<819200x32xf32, #tpu.memory_space<hbm>> -> memref<1600x32xf32, #tpu.memory_space<hbm>>
    %dma_wait3A_401 = arith.constant 0 : i32
    %dma_wait3A_402 = tpu.memref_slice %arg4[%add3A_387, %dma_wait3A_401] : memref<819200x32xf32, #tpu.memory_space<hbm>> -> memref<1600x32xf32, #tpu.memory_space<hbm>>
    tpu.wait_dma2 semaphore(%arg14 : memref<!tpu.dma_semaphore, #tpu.memory_space<semaphore_mem>>) src(%arg8 : memref<1600x32xf32, #tpu.memory_space<vmem>>) dst(%dma_wait3A_402 : memref<1600x32xf32, #tpu.memory_space<hbm>>)
    %dma_start3A_403 = arith.constant 0 : i32
    %dma_start3A_404 = arith.constant 0 : i32
    %dma_start3A_405 = tpu.memref_slice %arg3[%dma_start3A_403, %dma_start3A_404] : memref<1048576x32xf32, #tpu.memory_space<hbm>> -> memref<1048576x32xf32, #tpu.memory_space<hbm>>
    tpu.enqueue_indirect_dma source(%dma_start3A_405 : memref<1048576x32xf32, #tpu.memory_space<hbm>>) target(%arg8 : memref<1600x32xf32, #tpu.memory_space<vmem>>) offsets(%arg6 : memref<1600xi32, #tpu.memory_space<vmem>>) semaphore(%arg12 : memref<!tpu.dma_semaphore, #tpu.memory_space<semaphore_mem>>)
    %dma_wait3A_406 = arith.constant 0 : i32
    %dma_wait3A_407 = arith.constant 0 : i32
    %dma_wait3A_408 = tpu.memref_slice %arg3[%dma_wait3A_406, %dma_wait3A_407] : memref<1048576x32xf32, #tpu.memory_space<hbm>> -> memref<1048576x32xf32, #tpu.memory_space<hbm>>
    tpu.wait_indirect_dma semaphore(%arg11 : memref<!tpu.dma_semaphore, #tpu.memory_space<semaphore_mem>>) src(%dma_wait3A_408 : memref<1048576x32xf32, #tpu.memory_space<hbm>>) dst(%arg7 : memref<1600x32xf32, #tpu.memory_space<vmem>>)
    %add3A_409 = arith.constant 22400 : i32
    %add3A_410 = arith.addi %mul3A_2, %add3A_409 : i32
    %dma_start3A_411 = arith.constant 0 : i32
    %dma_start3A_412 = tpu.memref_slice %arg4[%add3A_410, %dma_start3A_411] : memref<819200x32xf32, #tpu.memory_space<hbm>> -> memref<1600x32xf32, #tpu.memory_space<hbm>>
    %dma_start3A_413 = arith.constant 0 : i32
    %dma_start3A_414 = tpu.memref_slice %arg4[%add3A_410, %dma_start3A_413] : memref<819200x32xf32, #tpu.memory_space<hbm>> -> memref<1600x32xf32, #tpu.memory_space<hbm>>
    tpu.enqueue_dma source(%arg7 : memref<1600x32xf32, #tpu.memory_space<vmem>>) target(%dma_start3A_414 : memref<1600x32xf32, #tpu.memory_space<hbm>>) target_semaphore(%arg13 : memref<!tpu.dma_semaphore, #tpu.memory_space<semaphore_mem>>)
    %dma_wait3A_415 = arith.constant 0 : i32
    %dma_wait3A_416 = arith.constant 0 : i32
    %dma_wait3A_417 = tpu.memref_slice %arg3[%dma_wait3A_415, %dma_wait3A_416] : memref<1048576x32xf32, #tpu.memory_space<hbm>> -> memref<1048576x32xf32, #tpu.memory_space<hbm>>
    tpu.wait_indirect_dma semaphore(%arg12 : memref<!tpu.dma_semaphore, #tpu.memory_space<semaphore_mem>>) src(%dma_wait3A_417 : memref<1048576x32xf32, #tpu.memory_space<hbm>>) dst(%arg8 : memref<1600x32xf32, #tpu.memory_space<vmem>>)
    %add3A_418 = arith.constant 24000 : i32
    %add3A_419 = arith.addi %mul3A_2, %add3A_418 : i32
    %dma_start3A_420 = arith.constant 0 : i32
    %dma_start3A_421 = tpu.memref_slice %arg4[%add3A_419, %dma_start3A_420] : memref<819200x32xf32, #tpu.memory_space<hbm>> -> memref<1600x32xf32, #tpu.memory_space<hbm>>
    %dma_start3A_422 = arith.constant 0 : i32
    %dma_start3A_423 = tpu.memref_slice %arg4[%add3A_419, %dma_start3A_422] : memref<819200x32xf32, #tpu.memory_space<hbm>> -> memref<1600x32xf32, #tpu.memory_space<hbm>>
    tpu.enqueue_dma source(%arg8 : memref<1600x32xf32, #tpu.memory_space<vmem>>) target(%dma_start3A_423 : memref<1600x32xf32, #tpu.memory_space<hbm>>) target_semaphore(%arg14 : memref<!tpu.dma_semaphore, #tpu.memory_space<semaphore_mem>>)
    %dma_wait3A_424 = arith.constant 0 : i32
    %dma_wait3A_425 = tpu.memref_slice %arg4[%add3A_410, %dma_wait3A_424] : memref<819200x32xf32, #tpu.memory_space<hbm>> -> memref<1600x32xf32, #tpu.memory_space<hbm>>
    %dma_wait3A_426 = arith.constant 0 : i32
    %dma_wait3A_427 = tpu.memref_slice %arg4[%add3A_410, %dma_wait3A_426] : memref<819200x32xf32, #tpu.memory_space<hbm>> -> memref<1600x32xf32, #tpu.memory_space<hbm>>
    tpu.wait_dma2 semaphore(%arg13 : memref<!tpu.dma_semaphore, #tpu.memory_space<semaphore_mem>>) src(%arg7 : memref<1600x32xf32, #tpu.memory_space<vmem>>) dst(%dma_wait3A_427 : memref<1600x32xf32, #tpu.memory_space<hbm>>)
    %dma_wait3A_428 = arith.constant 0 : i32
    %dma_wait3A_429 = tpu.memref_slice %arg4[%add3A_419, %dma_wait3A_428] : memref<819200x32xf32, #tpu.memory_space<hbm>> -> memref<1600x32xf32, #tpu.memory_space<hbm>>
    %dma_wait3A_430 = arith.constant 0 : i32
    %dma_wait3A_431 = tpu.memref_slice %arg4[%add3A_419, %dma_wait3A_430] : memref<819200x32xf32, #tpu.memory_space<hbm>> -> memref<1600x32xf32, #tpu.memory_space<hbm>>
    tpu.wait_dma2 semaphore(%arg14 : memref<!tpu.dma_semaphore, #tpu.memory_space<semaphore_mem>>) src(%arg8 : memref<1600x32xf32, #tpu.memory_space<vmem>>) dst(%dma_wait3A_431 : memref<1600x32xf32, #tpu.memory_space<hbm>>)
    return
  }
}

module attributes {stable_mosaic.version = 14 : i64} {
  func.func @_tc_transpose_body(%arg0: i32, %arg1: memref<32x4096xf32, #tpu.memory_space<vmem>>, %arg2: memref<32x4096xf32, #tpu.memory_space<vmem>>, %arg3: memref<32x4096xf32, #tpu.memory_space<vmem>>, %arg4: memref<32x4096xf32, #tpu.memory_space<vmem>>, %arg5: memref<4096x128xf32, #tpu.memory_space<vmem>>) attributes {dimension_semantics = [#tpu.dimension_semantics<arbitrary>], iteration_bounds = array<i64: 64>, scalar_prefetch = 0 : i64, scratch_operands = 0 : i64, tpu.core_type = #tpu.core_type<tc>, window_params = [{transform_indices = @transform_0, window_bounds = array<i64: 32, 4096>}, {transform_indices = @transform_1, window_bounds = array<i64: 32, 4096>}, {transform_indices = @transform_2, window_bounds = array<i64: 32, 4096>}, {transform_indices = @transform_3, window_bounds = array<i64: 32, 4096>}, {transform_indices = @transform_4, window_bounds = array<i64: 4096, 128>}]} {
    %get3A = arith.constant 0 : index
    %get3A_0 = arith.constant 0 : index
    %get3A_1 = vector.load %arg1[%get3A, %get3A_0] : memref<32x4096xf32, #tpu.memory_space<vmem>>, vector<32x4096xf32>
    %transpose3A = tpu.transpose %get3A_1, [1, 0] : vector<32x4096xf32> -> vector<4096x32xf32>
    %swap3A = arith.constant 0 : index
    %swap3A_2 = arith.constant 0 : index
    %swap3A_3 = vector.load %arg5[%swap3A, %swap3A_2] : memref<4096x128xf32, #tpu.memory_space<vmem>>, vector<4096x32xf32>
    tpu.vector_store %arg5[%swap3A, %swap3A_2], %transpose3A {strides = array<i32>} : memref<4096x128xf32, #tpu.memory_space<vmem>>, vector<4096x32xf32>,
    %get3A_4 = arith.constant 0 : index
    %get3A_5 = arith.constant 0 : index
    %get3A_6 = vector.load %arg2[%get3A_4, %get3A_5] : memref<32x4096xf32, #tpu.memory_space<vmem>>, vector<32x4096xf32>
    %transpose3A_7 = tpu.transpose %get3A_6, [1, 0] : vector<32x4096xf32> -> vector<4096x32xf32>
    %swap3A_8 = arith.constant 0 : index
    %swap3A_9 = arith.constant 32 : index
    %swap3A_10 = vector.load %arg5[%swap3A_8, %swap3A_9] : memref<4096x128xf32, #tpu.memory_space<vmem>>, vector<4096x32xf32>
    tpu.vector_store %arg5[%swap3A_8, %swap3A_9], %transpose3A_7 {strides = array<i32>} : memref<4096x128xf32, #tpu.memory_space<vmem>>, vector<4096x32xf32>,
    %get3A_11 = arith.constant 0 : index
    %get3A_12 = arith.constant 0 : index
    %get3A_13 = vector.load %arg3[%get3A_11, %get3A_12] : memref<32x4096xf32, #tpu.memory_space<vmem>>, vector<32x4096xf32>
    %transpose3A_14 = tpu.transpose %get3A_13, [1, 0] : vector<32x4096xf32> -> vector<4096x32xf32>
    %swap3A_15 = arith.constant 0 : index
    %swap3A_16 = arith.constant 64 : index
    %swap3A_17 = vector.load %arg5[%swap3A_15, %swap3A_16] : memref<4096x128xf32, #tpu.memory_space<vmem>>, vector<4096x32xf32>
    tpu.vector_store %arg5[%swap3A_15, %swap3A_16], %transpose3A_14 {strides = array<i32>} : memref<4096x128xf32, #tpu.memory_space<vmem>>, vector<4096x32xf32>,
    %get3A_18 = arith.constant 0 : index
    %get3A_19 = arith.constant 0 : index
    %get3A_20 = vector.load %arg4[%get3A_18, %get3A_19] : memref<32x4096xf32, #tpu.memory_space<vmem>>, vector<32x4096xf32>
    %transpose3A_21 = tpu.transpose %get3A_20, [1, 0] : vector<32x4096xf32> -> vector<4096x32xf32>
    %swap3A_22 = arith.constant 0 : index
    %swap3A_23 = arith.constant 96 : index
    %swap3A_24 = vector.load %arg5[%swap3A_22, %swap3A_23] : memref<4096x128xf32, #tpu.memory_space<vmem>>, vector<4096x32xf32>
    tpu.vector_store %arg5[%swap3A_22, %swap3A_23], %transpose3A_21 {strides = array<i32>} : memref<4096x128xf32, #tpu.memory_space<vmem>>, vector<4096x32xf32>,
    return
  }
  func.func @transform_0(%arg0: i32) -> (i32, i32) {
    %add3A = arith.constant 0 : i32
    %add3A_0 = arith.addi %add3A, %arg0 : i32
    %min3A = arith.constant 244 : i32
    %min3A_1 = arith.minsi %add3A_0, %min3A : i32
    %c0_i32 = arith.constant 0 : i32
    %c0_i32_2 = arith.constant 0 : i32
    return %c0_i32, %min3A_1 : i32, i32
  }
  func.func @transform_1(%arg0: i32) -> (i32, i32) {
    %add3A = arith.constant 64 : i32
    %add3A_0 = arith.addi %add3A, %arg0 : i32
    %min3A = arith.constant 244 : i32
    %min3A_1 = arith.minsi %add3A_0, %min3A : i32
    %c0_i32 = arith.constant 0 : i32
    %c0_i32_2 = arith.constant 0 : i32
    return %c0_i32, %min3A_1 : i32, i32
  }
  func.func @transform_2(%arg0: i32) -> (i32, i32) {
    %add3A = arith.constant 128 : i32
    %add3A_0 = arith.addi %add3A, %arg0 : i32
    %min3A = arith.constant 244 : i32
    %min3A_1 = arith.minsi %add3A_0, %min3A : i32
    %c0_i32 = arith.constant 0 : i32
    %c0_i32_2 = arith.constant 0 : i32
    return %c0_i32, %min3A_1 : i32, i32
  }
  func.func @transform_3(%arg0: i32) -> (i32, i32) {
    %add3A = arith.constant 192 : i32
    %add3A_0 = arith.addi %add3A, %arg0 : i32
    %min3A = arith.constant 244 : i32
    %min3A_1 = arith.minsi %add3A_0, %min3A : i32
    %c0_i32 = arith.constant 0 : i32
    %c0_i32_2 = arith.constant 0 : i32
    return %c0_i32, %min3A_1 : i32, i32
  }
  func.func @transform_4(%arg0: i32) -> (i32, i32) {
    %c0_i32 = arith.constant 0 : i32
    %c0_i32_0 = arith.constant 0 : i32
    return %arg0, %c0_i32 : i32, i32
  }
}

</mosaic_0001>

<sc_bundles>
// kernel: _embedding_lookup.4.cloned.1.call-start
scs
__scs_entry_jumppad:
0x0: {  	(pc) =	sbr.rel $0x88, $3  }
0x1: {  	(tag) =	ssettag $0x0;
	lr =	simm.s32 $0x1  }
0x2: {  	[smem:$0x3F9F] =	sst lr;
	_ =	strace $0xD0000000  }
0x3: {  	_ = 	snop  }
0x4: {  	_ = 	snop  }
0x5: {  	_ = 	snop  }
0x6: {  	_ = 	snop  }
0x7: {  	_ = 	snop  }
__scs_overlays_trampoline_lowered:
0x8: {  	[smem:$0x3FAE] =	sst s0  }
0x9: {  	[smem:$0x3FAF] =	sst s1  }
0xa: {  	[smem:$0x3FB0] =	sst s2  }
0xb: {  	[smem:$0x3FB1] =	sst s3  }
0xc: {  	[smem:$0x3FB2] =	sst s4  }
0xd: {  	[smem:$0x3FB3] =	sst s5  }
0xe: {  	[smem:$0x3FB4] =	sst s6  }
0xf: {  	[smem:$0x3FB5] =	sst s7  }
0x10: {  	[smem:$0x3FB6] =	sst s8  }
0x11: {  	[smem:$0x3FB7] =	sst s9;
	s0 =	simm.s32 @!p0 $0x0  }
0x12: {  	s1 =	sld [smem:$0x3F9D];
	s0 =	simm.s32 @p0 $0x1  }
0x13: {  	[smem:$0x3FB8] =	sst s0;
	s0 =	simm.s32 @!p1 $0x0  }
0x14: {  	s2 =	sld [smem:$0x3F9C];
	s0 =	simm.s32 @p1 $0x1  }
0x15: {  	[smem:$0x3FB9] =	sst s0;
	s0 =	simm.s32 @!p2 $0x0  }
0x16: {  	s3 =	sld [smem:$0x3FDB];
	s0 =	simm.s32 @p2 $0x1  }
0x17: {  	s4 =	simm.s32 $0x1BF5;
	[smem:$0x3FBB] =	sst s0  }
0x18: {  	s0 =	sld [smem:$0x3F9E];
	_ =	swait.ge [sflag:s4], $0x0  }
0x19: {  	s7 =	sld [smem:$0x3F9F]  }
0x1a: {  	s8 =	sadd.s32 $0xFFFFE003, lr  }
0x1b: {  	s9 =	sadd.s32 $0xFFFFFEF7, lr;
	s5 =	simm.s32 $0xFFFFFFFF;
	p2 =	slt.u32 s8, $0xFFFFF086  }
0x1c: {  	p1 =	slt.u32 s9, $0xF7A;
	s5 =	simm.s32 @!p2 $0x0  }
0x1d: {  	s5 =	simm.s32 @p1 $0x1;
	p0 =	seq.s32 s7, s2  }
0x1e: {  	s7 =	smul.u32 @!p0 $0xF7A, s2;
	p2 =	seq.s32 @!p0 s5, $0x0  }
0x1f: {  	s9 =	smul.u32 $0xF7A, s1;
	s8 =	simm.s32 @!p0 $0x1BF5;
	p2 =	por !p2, p0  }
0x20: {  	[sflag:s8] =	ssyncset.s32 @!p0 $0xFFFFF086;
	s6 =	sadd.s32 @!p0 s3, s7;
	s7 =	simm.s32 @!p0 $0x108  }
0x21: {  	s3 =	sadd.s32 s3, s9;
	s6 =	sadd.s32 @!p0 $0x88, s6;
	s7 =	simm.s32 @p2 $0x1082  }
0x22: {  	[simem:s7], [sflag:s8] =	dma.local @!p0 [hbm:s6], $0xF7A  }
0x23: {  	s9 =	sor.u32 $0xD0000000, s2;
	s6 =	simm.s32 $0x108;
	_ =	swait.ge @!p0 [sflag:s8], $0x0  }
0x24: {  	s3 =	sadd.s32 $0x88, s3;
	s6 =	simm.s32 @!p1 $0x1082;
	[sflag:s4] =	ssyncset.s32 $0xFFFFF086  }
0x25: {  	[simem:s6], [sflag:s4] =	dma.local [hbm:s3], $0xF7A  }
0x26: {  	[smem:$0x3F9F] =	sst s1;
	(tag) =	ssettag s2;
	_ =	strace s9  }
0x27: {  	s1 =	sld [smem:$0x3FAF]  }
0x28: {  	s2 =	sld [smem:$0x3FB0]  }
0x29: {  	s4 =	sld [smem:$0x3FB2]  }
0x2a: {  	p0 =	seq.s32 s5, $0x0;
	s5 =	sld [smem:$0x3FB3]  }
0x2b: {  	s6 =	sld [smem:$0x3FB4]  }
0x2c: {  	s7 =	sld [smem:$0x3FB5]  }
0x2d: {  	s3 =	simm.s32 $0x108;
	s8 =	sld [smem:$0x3FB6]  }
0x2e: {  	s3 =	simm.s32 @!p0 $0x1082;
	s9 =	sld [smem:$0x3FB7]  }
0x2f: {  	lr =	sadd.s32 s0, s3;
	s0 =	sld [smem:$0x3FAE]  }
0x30: {  	s3 =	sld [smem:$0x3FB1]  }
0x31: {  	[smem:$0x3FBA] =	sst s10  }
0x32: {  	s10 =	sld [smem:$0x3FB8];
	_ =	sdelay $0x3  }
0x33: {  	p0 =	seq.s32 s10, $0x1;
	s10 =	sld [smem:$0x3FBA];
	_ =	sdelay $0x3  }
0x34: {  	[smem:$0x3FBA] =	sst s10  }
0x35: {  	s10 =	sld [smem:$0x3FB9];
	_ =	sdelay $0x3  }
0x36: {  	p1 =	seq.s32 s10, $0x1;
	s10 =	sld [smem:$0x3FBA];
	_ =	sdelay $0x3  }
0x37: {  	[smem:$0x3FBA] =	sst s10  }
0x38: {  	s10 =	sld [smem:$0x3FBB]  }
0x39: {  	_ = 	snop;
	(pc) =	sbr.ind lr, $3  }
0x3a: {  	_ = 	snop  }
0x3b: {  	_ = 	snop  }
0x3c: {  	p2 =	seq.s32 s10, $0x1;
	s10 =	sld [smem:$0x3FBA]  }
0x3d: {  	_ =	shalt  }
0x3e: {  	_ =	shalt  }
0x3f: {  	_ =	shalt  }
0x40: {  	_ =	shalt  }
0x41: {  	_ =	shalt  }
0x42: {  	_ =	shalt  }
0x43: {  	_ =	shalt  }
0x44: {  	_ =	shalt  }
0x45: {  	_ =	shalt  }
0x46: {  	_ =	shalt  }
0x47: {  	_ =	shalt  }
0x48: {  	_ =	shalt  }
0x49: {  	_ =	shalt  }
0x4a: {  	_ =	shalt  }
0x4b: {  	_ =	shalt  }
0x4c: {  	_ =	shalt  }
0x4d: {  	_ =	shalt  }
0x4e: {  	_ =	shalt  }
0x4f: {  	_ =	shalt  }
0x50: {  	_ =	shalt  }
0x51: {  	_ =	shalt  }
0x52: {  	_ =	shalt  }
0x53: {  	_ =	shalt  }
0x54: {  	_ =	shalt  }
0x55: {  	_ =	shalt  }
0x56: {  	_ =	shalt  }
0x57: {  	_ =	shalt  }
0x58: {  	_ =	shalt  }
0x59: {  	_ =	shalt  }
0x5a: {  	_ =	shalt  }
0x5b: {  	_ =	shalt  }
0x5c: {  	_ =	shalt  }
0x5d: {  	_ =	shalt  }
0x5e: {  	_ =	shalt  }
0x5f: {  	_ =	shalt  }
0x60: {  	_ =	shalt  }
0x61: {  	_ =	shalt  }
0x62: {  	_ =	shalt  }
0x63: {  	_ =	shalt  }
0x64: {  	_ =	shalt  }
0x65: {  	_ =	shalt  }
0x66: {  	_ =	shalt  }
0x67: {  	_ =	shalt  }
0x68: {  	_ =	shalt  }
0x69: {  	_ =	shalt  }
0x6a: {  	_ =	shalt  }
0x6b: {  	_ =	shalt  }
0x6c: {  	_ =	shalt  }
0x6d: {  	_ =	shalt  }
0x6e: {  	_ =	shalt  }
0x6f: {  	_ =	shalt  }
0x70: {  	_ =	shalt  }
0x71: {  	_ =	shalt  }
0x72: {  	_ =	shalt  }
0x73: {  	_ =	shalt  }
0x74: {  	_ =	shalt  }
0x75: {  	_ =	shalt  }
0x76: {  	_ =	shalt  }
0x77: {  	_ =	shalt  }
0x78: {  	_ =	shalt  }
0x79: {  	_ =	shalt  }
0x7a: {  	_ =	shalt  }
0x7b: {  	_ =	shalt  }
0x7c: {  	_ =	shalt  }
0x7d: {  	_ =	shalt  }
0x7e: {  	_ =	shalt  }
0x7f: {  	_ =	shalt  }
0x80: {  	_ =	shalt  }
0x81: {  	_ =	shalt  }
0x82: {  	_ =	shalt  }
0x83: {  	_ =	shalt  }
0x84: {  	_ =	shalt  }
0x85: {  	_ =	shalt  }
0x86: {  	_ =	shalt  }
0x87: {  	_ =	shalt  }
.Lfunc_end0:
.L_simem_size_0:
called_computation.1_lowered:
.L_overlay_start_0:
0x88: {  	s2 =	sld [smem:$0x3FD9]  }
0x89: {  	s3 =	sld [smem:$0x3FFE];
	_ =	sdelay $0x1  }
0x8a: {  	s1 =	srdreg.scid  }
0x8b: {  	s0 =	sand.u32 $0x1, s1  }
0x8c: {  	s17 =	sshll.u32 s0, $0xA;
	s2 =	sadd.s32 s3, s2  }
0x8d: {  	s2 =	sadd.s32 s2, s17  }
0x8e: {  	[smem:$0x3FC6] =	sst s2  }
0x8f: {  	_ = 	snop  }
0x90: {  	s2 =	sld [smem:$0x3FC9]  }
0x91: {  	s18 =	sld [smem:$0x3FD0];
	(tm) =	ssettm $0x1  }
0x92: {  	s4 =	sld [smem:$0x3FFB];
	_ =	sdelay $0x3  }
0x93: {  	_ =	strace s4  }
0x94: {  	s4 =	sld [smem:$0x3FFC];
	_ =	sdelay $0x3  }
0x95: {  	_ =	strace s4  }
0x96: {  	s4 =	sld [smem:$0x3FFD];
	_ =	sdelay $0x3  }
0x97: {  	_ =	strace s4  }
0x98: {  	_ =	strace $0x8FFFFFFF  }
0x99: {  	s19 =	sld [smem:$0x3FDB];
	_ =	sdelay $0x1  }
0x9a: {  	s5 =	simm.s32 $_scs_section_size  }
0x9b: {  	s6 =	simm.s32 $_size__tile_overlayer_lowered;
	s7 =	simm.s32 $_tile_overlayer_lowered  }
0x9c: {  	s22 =	simm.s32 $0x1BFF;
	s21 =	sshll.u32 s7, $0x1;
	s4 =	sadd.s32 s5, s19  }
0x9d: {  	s8 =	simm.s32 $0x0;
	s20 =	sshll.u32 s6, $0x1;
	s6 =	sadd.s32 s21, s4  }
0x9e: {  	[timem:s8], [sflag:s22] =	dma.local [hbm:s6], s20  }
0x9f: {  	_ =	swait.ge [sflag:s22], s20  }
0xa0: {  	s5 =	ssub.s32 $0x0, s20;
	[sflag:s22] =	ssyncset.done $0x0  }
0xa1: {  	[sflag:s22] =	ssyncadd.s32 s5;
	_ =	sdelay $0x1  }
0xa2: {  	s23 =	simm.s32 $0x1B8B  }
0xa3: {  	_ =	swait.ge [sflag:s23], $0x1  }
0xa4: {  	[sflag:s23] =	ssyncset.done $0x0  }
0xa5: {  	s25 =	simm.s32 $0x1B8E;
	s24 =	sld [smem:$0x3FFE];
	[sflag:s23] =	ssyncadd.s32 $0xFFFFFFFF  }
0xa6: {  	s26 =	simm.s32 $execute0_lowered;
	[smem:$0x3FD2] =	sst s25  }
0xa7: {  	s6 =	sshll.u32 s26, $0x1;
	_ =	strace $0x80000046;
	[dreg:$0x1] =	wrdreg $0xFFFFFFFF  }
0xa8: {  	s28 =	simm.s32 $_size_execute0_lowered;
	s4 =	sadd.s32 s4, s6;
	[dreg:$0x0] =	wrdreg $0x0  }
0xa9: {  	s6 =	sshll.u32 s28, $0x1;
	[dreg:$0x2] =	wrdreg s4  }
0xaa: {  	[dreg:$0x3] =	wrdreg s6  }
0xab: {  	[dreg:$0x4] =	wrdreg $0xC0  }
0xac: {  	_ =	task [dreg:s8], $0x5FFFF  }
0xad: {  	[dreg:$0x1] =	wrdreg $0xFFFFFFFF  }
0xae: {  	[dreg:$0x0] =	wrdreg $0x60  }
0xaf: {  	[dreg:$0x2] =	wrdreg s2  }
0xb0: {  	[dreg:$0x3] =	wrdreg s24  }
0xb1: {  	[dreg:$0x4] =	wrdreg s18  }
0xb2: {  	[dreg:$0x5] =	wrdreg $0x9  }
0xb3: {  	_ =	task.clear_ibuf [dreg:s8], $0x6FFFF;
	_ =	strace $0x90000046  }
0xb4: {  	s29 =	simm.s32 $0x9;
	_ =	strace $0x80000048  }
0xb5: {  	_ =	swait.ge [sflag:s29], $0x1  }
0xb6: {  	[sflag:s29] =	ssyncadd.s32 $0xFFFFFFFF  }
0xb7: {  	_ =	strace $0x90000048  }
0xb8: {  	_ =	sfence  }
0xb9: {  	s30 =	sld [smem:$0x0];
	_ =	sdelay $0x2  }
0xba: {  	s31 =	sshll.u32 s1, $0xD;
	s1 =	sshrl.u32 s1, $0x2  }
0xbb: {  	s3 =	sand.u32 $0x4000, s31;
	s1 =	sadd.s32 s1, s30  }
0xbc: {  	s0 =	sor.u32 s3, s0;
	s1 =	sshll.u32 s1, $0x11  }
0xbd: {  	s0 =	sor.u32 s1, s0  }
0xbe: {  	s0 =	sadd.s32 $0x8F2B, s0  }
0xbf: {  	[sflag:s0] =	ssyncadd.remote.s32 $0x1  }
0xc0: {  	_ =	sfence.sel $0xFFFF  }
0xc1: {  	[dreg:$0x0] =	wrdreg $0xFFFFFFFF;
	(pc) =	sbr.abs _section_cstart, $3  }
0xc2: {  	[dreg:$0x1] =	wrdreg $0xFFFFFFFF  }
0xc3: {  	_ =	task.clear_ibuf [dreg:s8], $0x2FFFF;
	_ =	strace $0x9FFFFFFF  }
0xc4: {  	(tm) =	ssettm $0x7FFFFFFF  }
0xc5: {  	_ =	shalt  }
tec
execute0_lowered:
.L_overlay_start_1:
0x0: {  	(tag) =	ssettag $0x1  }
0x1: {  	s0 =	srdreg.scid;
	s1 =	stileid.u32  }
0x2: {  	s0 =	sand.u32 $0x1, s0;
	s1 =	sshll.u32 s1, $0x1  }
0x3: {  	s2 =	rddreg [dreg:$0x0];
	s3 =	sor.u32 s0, s1  }
0x4: {  	s1 =	simm.s32 $0x0;
	s0 =	ssub.s32 $0x2, s0;
	s4 =	smul.u32 $0x6400, s3  }
0x5: {  	[smem:$0x7FF] =	sst s1;
	s5 =	sshrl.u32 s0, $0x1;
	s26 =	smul.u32 $0x19000, s3  }
0x6: {  	s5 =	ssub.s32 s0, s5;
	s23 =	sshrl.u32 s4, $0x3;
	s6 =	sadd.s32 $0x640, s4  }
0x7: {  	s7 =	sadd.s32 $0xC80, s4;
	s8 =	sadd.s32 $0x12C0, s4;
	s9 =	sadd.s32 $0x1F40, s4  }
0x8: {  	s12 =	sadd.s32 $0x2580, s4;
	s15 =	sadd.s32 $0x3840, s4;
	s5 =	smax.u32 s5, $0x1  }
0x9: {  	s0 =	sadd.s32 s2, s23;
	s24 =	sshrl.u32 s6, $0x3;
	s25 =	sshrl.u32 s7, $0x3  }
0xa: {  	s16 =	sshrl.u32 s8, $0x3;
	[dreg:$0x4] =	wrdreg s0;
	s0 =	sadd.s32 s2, s24  }
0xb: {  	s11 =	sshrl.u32 s9, $0x3;
	s3 =	sadd.s32 s2, s16;
	[dreg:$0x5] =	wrdreg s0  }
0xc: {  	s18 =	sshrl.u32 s12, $0x3;
	s17 =	sadd.s32 s2, s11;
	[dreg:$0x7] =	wrdreg s3  }
0xd: {  	s20 =	sshrl.u32 s15, $0x3;
	s11 =	sadd.s32 $0x3200, s4;
	[dreg:$0x9] =	wrdreg s17  }
0xe: {  	s0 =	sadd.s32 s2, s25;
	s25 =	sshll.u32 s6, $0x2;
	s6 =	rddreg [dreg:$0x2]  }
0xf: {  	s3 =	sadd.s32 $0x1900, s4;
	s14 =	sshrl.u32 s11, $0x3;
	[dreg:$0x6] =	wrdreg s0  }
0x10: {  	s10 =	sshrl.u32 s3, $0x3;
	s19 =	sadd.s32 s2, s14;
	s14 =	sadd.s32 $0x44C0, s4  }
0x11: {  	s0 =	sadd.s32 s6, s26;
	s26 =	sshll.u32 s7, $0x2;
	[dreg:$0xc] =	wrdreg s19  }
0x12: {  	s3 =	sshll.u32 s3, $0x2;
	s10 =	sadd.s32 s2, s10;
	[dreg:$0x14] =	wrdreg s0  }
0x13: {  	s7 =	sshll.u32 s9, $0x2;
	s17 =	sshrl.u32 s14, $0x3;
	[dreg:$0x8] =	wrdreg s10  }
0x14: {  	s10 =	sadd.s32 s2, s18;
	s18 =	sadd.s32 $0x4B00, s4;
	s21 =	sadd.s32 s2, s17  }
0x15: {  	s17 =	sadd.s32 $0x5780, s4;
	[dreg:$0xa] =	wrdreg s10;
	s10 =	sadd.s32 $0x2BC0, s4  }
0x16: {  	[dreg:$0xf] =	wrdreg s21;
	s22 =	sshrl.u32 s18, $0x3;
	s13 =	sshrl.u32 s10, $0x3  }
0x17: {  	s9 =	sshll.u32 s10, $0x2;
	s10 =	sshll.u32 s11, $0x2;
	s11 =	sshll.u32 s15, $0x2  }
0x18: {  	s13 =	sadd.s32 s2, s13;
	s28 =	sadd.s32 s6, s11;
	s11 =	simm.s32 $0x3  }
0x19: {  	[dreg:$0xb] =	wrdreg s13;
	s13 =	sadd.s32 s2, s20;
	s20 =	sshrl.u32 s17, $0x3  }
0x1a: {  	s17 =	sshll.u32 s17, $0x2;
	[dreg:$0xd] =	wrdreg s13;
	s13 =	sadd.s32 $0x3E80, s4  }
0x1b: {  	s23 =	sadd.s32 s2, s20;
	s20 =	sadd.s32 s6, s26;
	s26 =	sadd.s32 s6, s10  }
0x1c: {  	s10 =	simm.s32 $0xD480;
	s16 =	sshrl.u32 s13, $0x3;
	[dreg:$0x12] =	wrdreg s23  }
0x1d: {  	s23 =	sadd.s32 s6, s7;
	s7 =	simm.s32 $0x1;
	s16 =	sadd.s32 s2, s16  }
0x1e: {  	[dreg:$0xe] =	wrdreg s16;
	s16 =	sadd.s32 s2, s22;
	s22 =	sadd.s32 s6, s3  }
0x1f: {  	[dreg:$0x10] =	wrdreg s16;
	s16 =	sadd.s32 $0x5140, s4;
	s4 =	sadd.s32 $0x5DC0, s4  }
0x20: {  	s19 =	sshrl.u32 s16, $0x3;
	s24 =	sshrl.u32 s4, $0x3;
	s15 =	sshll.u32 s16, $0x2  }
0x21: {  	s16 =	rddreg [dreg:$0x1];
	s19 =	sadd.s32 s2, s19;
	s2 =	sadd.s32 s2, s24  }
0x22: {  	s0 =	sadd.s32 s6, s15;
	s15 =	simm.s32 $0x0;
	[dreg:$0x11] =	wrdreg s19  }
0x23: {  	[dreg:$0x13] =	wrdreg s2;
	s19 =	sadd.s32 s6, s25;
	s2 =	sshll.u32 s8, $0x2  }
0x24: {  	s8 =	sshll.u32 s12, $0x2;
	s25 =	sadd.s32 s6, s9;
	s12 =	sshll.u32 s13, $0x2  }
0x25: {  	s13 =	sshll.u32 s14, $0x2;
	s14 =	sshll.u32 s18, $0x2;
	s18 =	sshll.u32 s4, $0x2  }
0x26: {  	s4 =	sadd.s32 $0x800, s16;
	s9 =	simm.s32 $0x2;
	s21 =	sadd.s32 s6, s2  }
0x27: {  	s24 =	sadd.s32 s6, s8;
	s29 =	sadd.s32 s6, s12;
	s30 =	sadd.s32 s6, s13  }
0x28: {  	s31 =	sadd.s32 s6, s14;
	s2 =	sadd.s32 s6, s17;
	s3 =	sadd.s32 s6, s18  }
0x29: {  	_ =	strace $0x80000047;
	s6 =	simm.s32 $0x640;
	s8 =	simm.s32 $0xC80  }
0x2a: {  	s12 =	simm.s32 $0x5;
	s13 =	simm.s32 $0x4;
	s14 =	simm.s32 $0x6  }
.LBB2_1:
0x2b: {  	s16 =	rddreg [dreg:$0x4]  }
0x2c: {  	[tilespmem:s1], [sflag:$0x1] =	stream.linear.gather [hbm4b:s16+s1], $0x640, $0x38;
	[tilespmem:$0x19C80] =	vst v63  }
0x2d: {  	s18 =	rddreg [dreg:$0x5]  }
0x2e: {  	[tilespmem:s6], [sflag:$0x2] =	stream.linear.gather [hbm4b:s18+s1], $0x640, $0x38;
	[tilespmem:$0x19C80] =	vst v63  }
0x2f: {  	_ =	swait.ge [sflag:s7], $0x640  }
0x30: {  	[sflag:s7] =	ssyncset.done $0x0  }
0x31: {  	s16 =	simm.s32 $0x20;
	[sflag:s7] =	ssyncadd.s32 $0xFFFFF9C0  }
0x32: {  	v1 =	vld [tilespmem:s16+$0x0]  }
0x33: {  	v2 =	vld [tilespmem:s16+$0xFFFFFFE0]  }
0x34: {  	v3 =	vld [tilespmem:s16+$0xFFFFFFF0]  }
0x35: {  	v0 =	vld [tilespmem:s16+$0x10];
	_ =	sdelay $0x1  }
0x36: {  	v4 =	vshll.u32 v1, $0x2;
	v5 =	vshra.s32 v1, $0x12  }
0x37: {  	v1 =	vshll.u32 v2, $0x2;
	v2 =	vshra.s32 v2, $0x12;
	v4 =	vand.u32 $0xFFFFC, v4  }
0x38: {  	v6 =	vand.u32 $0xFFFFC, v1;
	v1 =	vshra.s32 v3, $0x12;
	v4 =	vor.u32 v5, v4  }
0x39: {  	s17 =	simm.s32 $0x0;
	s18 =	simm.s32 $0x60;
	v3 =	vshll.u32 v3, $0x2;
	v2 =	vor.u32 v2, v6;
	[tilespmem:s16+$0x0] =	vst v4;
	v4 =	vshll.u32 v0, $0x2  }
.LBB2_2:
0x3a: {  	v5 =	vld [tilespmem:s18+$0x0];
	s17 =	sadd.s32 $0x4, s17;
	[tilespmem:s16+$0xFFFFFFE0] =	vst v2;
	v2 =	vand.u32 $0xFFFFC, v3;
	v3 =	vand.u32 $0xFFFFC, v4;
	v0 =	vshra.s32 v0, $0x12  }
0x3b: {  	v4 =	vld [tilespmem:s18+$0xFFFFFFE0];
	p0 =	slt.u32 s17, $0x60;
	v1 =	vor.u32 v1, v2;
	v0 =	vor.u32 v0, v3  }
0x3c: {  	v3 =	vld [tilespmem:s18+$0xFFFFFFF0];
	[tilespmem:s16+$0x10] =	vst v0  }
0x3d: {  	v0 =	vld [tilespmem:s18+$0x10];
	[tilespmem:s16+$0xFFFFFFF0] =	vst v1;
	s16 =	smov.u32 s18  }
.Ltmp0:
0x3e: {  	(pc) =	sbr.rel @p0 .LBB2_2-.Ltmp0, $4  }
0x3f: {  	v1 =	vshll.u32 v5, $0x2;
	v2 =	vshra.s32 v5, $0x12  }
0x40: {  	v5 =	vshll.u32 v4, $0x2;
	v4 =	vshra.s32 v4, $0x12;
	v6 =	vand.u32 $0xFFFFC, v1  }
0x41: {  	v5 =	vand.u32 $0xFFFFC, v5;
	v1 =	vshra.s32 v3, $0x12;
	v6 =	vor.u32 v2, v6  }
0x42: {  	s18 =	sadd.s32 $0x40, s18;
	v3 =	vshll.u32 v3, $0x2;
	v2 =	vor.u32 v4, v5;
	[tilespmem:s16+$0x0] =	vst v6;
	v4 =	vshll.u32 v0, $0x2  }
0x43: {  	v4 =	vand.u32 $0xFFFFC, v4;
	v0 =	vshra.s32 v0, $0x12  }
0x44: {  	[tilespmem:s16+$0xFFFFFFE0] =	vst v2;
	v2 =	vand.u32 $0xFFFFC, v3;
	v0 =	vor.u32 v0, v4  }
0x45: {  	v1 =	vor.u32 v1, v2;
	[tilespmem:s16+$0x10] =	vst v0  }
0x46: {  	[tilespmem:s16+$0xFFFFFFF0] =	vst v1  }
0x47: {  	[tilespmem:s8], [sflag:$0x3] =	stream.indirect.gather [hbm4b:s4+s6], $0x20, s1, s6, $0xb8;
	[tilespmem:$0x19C80] =	vst v63  }
0x48: {  	_ =	swait.ge [sflag:s9], $0x640  }
0x49: {  	[sflag:s9] =	ssyncset.done $0x0  }
0x4a: {  	s16 =	simm.s32 $0x660;
	[sflag:s9] =	ssyncadd.s32 $0xFFFFF9C0  }
0x4b: {  	v1 =	vld [tilespmem:s16+$0x0]  }
0x4c: {  	v2 =	vld [tilespmem:s16+$0xFFFFFFE0]  }
0x4d: {  	v3 =	vld [tilespmem:s16+$0xFFFFFFF0]  }
0x4e: {  	v0 =	vld [tilespmem:s16+$0x10];
	_ =	sdelay $0x1  }
0x4f: {  	v4 =	vshll.u32 v1, $0x2;
	v5 =	vshra.s32 v1, $0x12  }
0x50: {  	v1 =	vshll.u32 v2, $0x2;
	v2 =	vshra.s32 v2, $0x12;
	v4 =	vand.u32 $0xFFFFC, v4  }
0x51: {  	v6 =	vand.u32 $0xFFFFC, v1;
	v1 =	vshra.s32 v3, $0x12;
	v4 =	vor.u32 v5, v4  }
0x52: {  	s17 =	simm.s32 $0x0;
	s18 =	simm.s32 $0x6A0;
	v3 =	vshll.u32 v3, $0x2;
	v2 =	vor.u32 v2, v6;
	[tilespmem:s16+$0x0] =	vst v4;
	v4 =	vshll.u32 v0, $0x2  }
.LBB2_4:
0x53: {  	v5 =	vld [tilespmem:s18+$0x0];
	s17 =	sadd.s32 $0x4, s17;
	[tilespmem:s16+$0xFFFFFFE0] =	vst v2;
	v2 =	vand.u32 $0xFFFFC, v3;
	v3 =	vand.u32 $0xFFFFC, v4;
	v0 =	vshra.s32 v0, $0x12  }
0x54: {  	v4 =	vld [tilespmem:s18+$0xFFFFFFE0];
	p0 =	slt.u32 s17, $0x60;
	v1 =	vor.u32 v1, v2;
	v0 =	vor.u32 v0, v3  }
0x55: {  	v3 =	vld [tilespmem:s18+$0xFFFFFFF0];
	[tilespmem:s16+$0x10] =	vst v0  }
0x56: {  	v0 =	vld [tilespmem:s18+$0x10];
	[tilespmem:s16+$0xFFFFFFF0] =	vst v1;
	s16 =	smov.u32 s18  }
.Ltmp1:
0x57: {  	(pc) =	sbr.rel @p0 .LBB2_4-.Ltmp1, $4  }
0x58: {  	v1 =	vshll.u32 v5, $0x2;
	v2 =	vshra.s32 v5, $0x12  }
0x59: {  	v5 =	vshll.u32 v4, $0x2;
	v4 =	vshra.s32 v4, $0x12;
	v6 =	vand.u32 $0xFFFFC, v1  }
0x5a: {  	v5 =	vand.u32 $0xFFFFC, v5;
	v1 =	vshra.s32 v3, $0x12;
	v6 =	vor.u32 v2, v6  }
0x5b: {  	s18 =	sadd.s32 $0x40, s18;
	v3 =	vshll.u32 v3, $0x2;
	v2 =	vor.u32 v4, v5;
	[tilespmem:s16+$0x0] =	vst v6;
	v4 =	vshll.u32 v0, $0x2  }
0x5c: {  	v4 =	vand.u32 $0xFFFFC, v4;
	v0 =	vshra.s32 v0, $0x12  }
0x5d: {  	[tilespmem:s16+$0xFFFFFFE0] =	vst v2;
	v2 =	vand.u32 $0xFFFFC, v3;
	v0 =	vor.u32 v0, v4  }
0x5e: {  	v1 =	vor.u32 v1, v2;
	[tilespmem:s16+$0x10] =	vst v0  }
0x5f: {  	[tilespmem:s16+$0xFFFFFFF0] =	vst v1  }
0x60: {  	[tilespmem:s10], [sflag:$0x4] =	stream.indirect.gather [hbm4b:s4+s6], $0x20, s6, s6, $0xb8;
	[tilespmem:$0x19C80] =	vst v63  }
0x61: {  	_ =	swait.ge [sflag:s11], $0xC800  }
0x62: {  	[sflag:s11] =	ssyncset.done $0x0  }
0x63: {  	s17 =	rddreg [dreg:$0x6];
	[sflag:s11] =	ssyncadd.s32 $0xFFFF3800  }
0x64: {  	[tilespmem:s1], [sflag:$0x1] =	stream.linear.gather [hbm4b:s17+s1], $0x640, $0x38;
	[tilespmem:$0x19C80] =	vst v63  }
0x65: {  	s18 =	rddreg [dreg:$0x14]  }
0x66: {  	[hbm4b:s18+s1] =	stream.linear.scatter [tilespmem:s8], [sflag:$0x5], $0xC800, $0x38;
	[tilespmem:$0x19C80] =	vst v63  }
0x67: {  	_ =	swait.ge [sflag:s7], $0x640  }
0x68: {  	[sflag:s7] =	ssyncset.done $0x0  }
0x69: {  	s16 =	simm.s32 $0x20;
	[sflag:s7] =	ssyncadd.s32 $0xFFFFF9C0  }
0x6a: {  	v1 =	vld [tilespmem:s16+$0x0]  }
0x6b: {  	v2 =	vld [tilespmem:s16+$0xFFFFFFE0]  }
0x6c: {  	v3 =	vld [tilespmem:s16+$0xFFFFFFF0]  }
0x6d: {  	v0 =	vld [tilespmem:s16+$0x10];
	_ =	sdelay $0x1  }
0x6e: {  	v4 =	vshll.u32 v1, $0x2;
	v5 =	vshra.s32 v1, $0x12  }
0x6f: {  	v1 =	vshll.u32 v2, $0x2;
	v2 =	vshra.s32 v2, $0x12;
	v4 =	vand.u32 $0xFFFFC, v4  }
0x70: {  	v6 =	vand.u32 $0xFFFFC, v1;
	v1 =	vshra.s32 v3, $0x12;
	v4 =	vor.u32 v5, v4  }
0x71: {  	s17 =	simm.s32 $0x0;
	s18 =	simm.s32 $0x60;
	v3 =	vshll.u32 v3, $0x2;
	v2 =	vor.u32 v2, v6;
	[tilespmem:s16+$0x0] =	vst v4;
	v4 =	vshll.u32 v0, $0x2  }
.LBB2_6:
0x72: {  	v5 =	vld [tilespmem:s18+$0x0];
	s17 =	sadd.s32 $0x4, s17;
	[tilespmem:s16+$0xFFFFFFE0] =	vst v2;
	v2 =	vand.u32 $0xFFFFC, v3;
	v3 =	vand.u32 $0xFFFFC, v4;
	v0 =	vshra.s32 v0, $0x12  }
0x73: {  	v4 =	vld [tilespmem:s18+$0xFFFFFFE0];
	p0 =	slt.u32 s17, $0x60;
	v1 =	vor.u32 v1, v2;
	v0 =	vor.u32 v0, v3  }
0x74: {  	v3 =	vld [tilespmem:s18+$0xFFFFFFF0];
	[tilespmem:s16+$0x10] =	vst v0  }
0x75: {  	v0 =	vld [tilespmem:s18+$0x10];
	[tilespmem:s16+$0xFFFFFFF0] =	vst v1;
	s16 =	smov.u32 s18  }
.Ltmp2:
0x76: {  	(pc) =	sbr.rel @p0 .LBB2_6-.Ltmp2, $4  }
0x77: {  	v1 =	vshll.u32 v5, $0x2;
	v2 =	vshra.s32 v5, $0x12  }
0x78: {  	v5 =	vshll.u32 v4, $0x2;
	v4 =	vshra.s32 v4, $0x12;
	v6 =	vand.u32 $0xFFFFC, v1  }
0x79: {  	v5 =	vand.u32 $0xFFFFC, v5;
	v1 =	vshra.s32 v3, $0x12;
	v6 =	vor.u32 v2, v6  }
0x7a: {  	s18 =	sadd.s32 $0x40, s18;
	v3 =	vshll.u32 v3, $0x2;
	v2 =	vor.u32 v4, v5;
	[tilespmem:s16+$0x0] =	vst v6;
	v4 =	vshll.u32 v0, $0x2  }
0x7b: {  	v4 =	vand.u32 $0xFFFFC, v4;
	v0 =	vshra.s32 v0, $0x12  }
0x7c: {  	[tilespmem:s16+$0xFFFFFFE0] =	vst v2;
	v2 =	vand.u32 $0xFFFFC, v3;
	v0 =	vor.u32 v0, v4  }
0x7d: {  	v1 =	vor.u32 v1, v2;
	[tilespmem:s16+$0x10] =	vst v0  }
0x7e: {  	[tilespmem:s16+$0xFFFFFFF0] =	vst v1  }
0x7f: {  	_ =	swait.ge [sflag:s12], $0xC800  }
0x80: {  	[sflag:s12] =	ssyncset.done $0x0  }
0x81: {  	[sflag:s12] =	ssyncadd.s32 $0xFFFF3800  }
0x82: {  	[tilespmem:s8], [sflag:$0x3] =	stream.indirect.gather [hbm4b:s4+s6], $0x20, s1, s6, $0xb8;
	[tilespmem:$0x19C80] =	vst v63  }
0x83: {  	_ =	swait.ge [sflag:s13], $0xC800  }
0x84: {  	[sflag:s13] =	ssyncset.done $0x0  }
0x85: {  	s18 =	rddreg [dreg:$0x7];
	[sflag:s13] =	ssyncadd.s32 $0xFFFF3800  }
0x86: {  	[tilespmem:s6], [sflag:$0x2] =	stream.linear.gather [hbm4b:s18+s1], $0x640, $0x38;
	[tilespmem:$0x19C80] =	vst v63  }
0x87: {  	_ = 	snop  }
0x88: {  	[hbm4b:s19+s1] =	stream.linear.scatter [tilespmem:s10], [sflag:$0x6], $0xC800, $0x38;
	[tilespmem:$0x19C80] =	vst v63  }
0x89: {  	_ =	swait.ge [sflag:s9], $0x640  }
0x8a: {  	[sflag:s9] =	ssyncset.done $0x0  }
0x8b: {  	s16 =	simm.s32 $0x660;
	[sflag:s9] =	ssyncadd.s32 $0xFFFFF9C0  }
0x8c: {  	v1 =	vld [tilespmem:s16+$0x0]  }
0x8d: {  	v2 =	vld [tilespmem:s16+$0xFFFFFFE0]  }
0x8e: {  	v3 =	vld [tilespmem:s16+$0xFFFFFFF0]  }
0x8f: {  	v0 =	vld [tilespmem:s16+$0x10];
	_ =	sdelay $0x1  }
0x90: {  	v4 =	vshll.u32 v1, $0x2;
	v5 =	vshra.s32 v1, $0x12  }
0x91: {  	v1 =	vshll.u32 v2, $0x2;
	v2 =	vshra.s32 v2, $0x12;
	v4 =	vand.u32 $0xFFFFC, v4  }
0x92: {  	v6 =	vand.u32 $0xFFFFC, v1;
	v1 =	vshra.s32 v3, $0x12;
	v4 =	vor.u32 v5, v4  }
0x93: {  	s17 =	simm.s32 $0x0;
	s18 =	simm.s32 $0x6A0;
	v3 =	vshll.u32 v3, $0x2;
	v2 =	vor.u32 v2, v6;
	[tilespmem:s16+$0x0] =	vst v4;
	v4 =	vshll.u32 v0, $0x2  }
.LBB2_8:
0x94: {  	v5 =	vld [tilespmem:s18+$0x0];
	s17 =	sadd.s32 $0x4, s17;
	[tilespmem:s16+$0xFFFFFFE0] =	vst v2;
	v2 =	vand.u32 $0xFFFFC, v3;
	v3 =	vand.u32 $0xFFFFC, v4;
	v0 =	vshra.s32 v0, $0x12  }
0x95: {  	v4 =	vld [tilespmem:s18+$0xFFFFFFE0];
	p0 =	slt.u32 s17, $0x60;
	v1 =	vor.u32 v1, v2;
	v0 =	vor.u32 v0, v3  }
0x96: {  	v3 =	vld [tilespmem:s18+$0xFFFFFFF0];
	[tilespmem:s16+$0x10] =	vst v0  }
0x97: {  	v0 =	vld [tilespmem:s18+$0x10];
	[tilespmem:s16+$0xFFFFFFF0] =	vst v1;
	s16 =	smov.u32 s18  }
.Ltmp3:
0x98: {  	(pc) =	sbr.rel @p0 .LBB2_8-.Ltmp3, $4  }
0x99: {  	v1 =	vshll.u32 v5, $0x2;
	v2 =	vshra.s32 v5, $0x12  }
0x9a: {  	v5 =	vshll.u32 v4, $0x2;
	v4 =	vshra.s32 v4, $0x12;
	v6 =	vand.u32 $0xFFFFC, v1  }
0x9b: {  	v5 =	vand.u32 $0xFFFFC, v5;
	v1 =	vshra.s32 v3, $0x12;
	v6 =	vor.u32 v2, v6  }
0x9c: {  	s18 =	sadd.s32 $0x40, s18;
	v3 =	vshll.u32 v3, $0x2;
	v2 =	vor.u32 v4, v5;
	[tilespmem:s16+$0x0] =	vst v6;
	v4 =	vshll.u32 v0, $0x2  }
0x9d: {  	v4 =	vand.u32 $0xFFFFC, v4;
	v0 =	vshra.s32 v0, $0x12  }
0x9e: {  	[tilespmem:s16+$0xFFFFFFE0] =	vst v2;
	v2 =	vand.u32 $0xFFFFC, v3;
	v0 =	vor.u32 v0, v4  }
0x9f: {  	v1 =	vor.u32 v1, v2;
	[tilespmem:s16+$0x10] =	vst v0  }
0xa0: {  	[tilespmem:s16+$0xFFFFFFF0] =	vst v1  }
0xa1: {  	_ =	swait.ge [sflag:s14], $0xC800  }
0xa2: {  	[sflag:s14] =	ssyncset.done $0x0  }
0xa3: {  	[sflag:s14] =	ssyncadd.s32 $0xFFFF3800  }
0xa4: {  	[tilespmem:s10], [sflag:$0x4] =	stream.indirect.gather [hbm4b:s4+s6], $0x20, s6, s6, $0xb8;
	[tilespmem:$0x19C80] =	vst v63  }
0xa5: {  	_ =	swait.ge [sflag:s11], $0xC800  }
0xa6: {  	[sflag:s11] =	ssyncset.done $0x0  }
0xa7: {  	s18 =	rddreg [dreg:$0x8];
	[sflag:s11] =	ssyncadd.s32 $0xFFFF3800  }
0xa8: {  	[tilespmem:s1], [sflag:$0x1] =	stream.linear.gather [hbm4b:s18+s1], $0x640, $0x38;
	[tilespmem:$0x19C80] =	vst v63  }
0xa9: {  	_ = 	snop  }
0xaa: {  	[hbm4b:s20+s1] =	stream.linear.scatter [tilespmem:s8], [sflag:$0x5], $0xC800, $0x38;
	[tilespmem:$0x19C80] =	vst v63  }
0xab: {  	_ =	swait.ge [sflag:s7], $0x640  }
0xac: {  	[sflag:s7] =	ssyncset.done $0x0  }
0xad: {  	s16 =	simm.s32 $0x20;
	[sflag:s7] =	ssyncadd.s32 $0xFFFFF9C0  }
0xae: {  	v1 =	vld [tilespmem:s16+$0x0]  }
0xaf: {  	v2 =	vld [tilespmem:s16+$0xFFFFFFE0]  }
0xb0: {  	v3 =	vld [tilespmem:s16+$0xFFFFFFF0]  }
0xb1: {  	v0 =	vld [tilespmem:s16+$0x10];
	_ =	sdelay $0x1  }
0xb2: {  	v4 =	vshll.u32 v1, $0x2;
	v5 =	vshra.s32 v1, $0x12  }
0xb3: {  	v1 =	vshll.u32 v2, $0x2;
	v2 =	vshra.s32 v2, $0x12;
	v4 =	vand.u32 $0xFFFFC, v4  }
0xb4: {  	v6 =	vand.u32 $0xFFFFC, v1;
	v1 =	vshra.s32 v3, $0x12;
	v4 =	vor.u32 v5, v4  }
0xb5: {  	s17 =	simm.s32 $0x0;
	s18 =	simm.s32 $0x60;
	v3 =	vshll.u32 v3, $0x2;
	v2 =	vor.u32 v2, v6;
	[tilespmem:s16+$0x0] =	vst v4;
	v4 =	vshll.u32 v0, $0x2  }
.LBB2_10:
0xb6: {  	v5 =	vld [tilespmem:s18+$0x0];
	s17 =	sadd.s32 $0x4, s17;
	[tilespmem:s16+$0xFFFFFFE0] =	vst v2;
	v2 =	vand.u32 $0xFFFFC, v3;
	v3 =	vand.u32 $0xFFFFC, v4;
	v0 =	vshra.s32 v0, $0x12  }
0xb7: {  	v4 =	vld [tilespmem:s18+$0xFFFFFFE0];
	p0 =	slt.u32 s17, $0x60;
	v1 =	vor.u32 v1, v2;
	v0 =	vor.u32 v0, v3  }
0xb8: {  	v3 =	vld [tilespmem:s18+$0xFFFFFFF0];
	[tilespmem:s16+$0x10] =	vst v0  }
0xb9: {  	v0 =	vld [tilespmem:s18+$0x10];
	[tilespmem:s16+$0xFFFFFFF0] =	vst v1;
	s16 =	smov.u32 s18  }
.Ltmp4:
0xba: {  	(pc) =	sbr.rel @p0 .LBB2_10-.Ltmp4, $4  }
0xbb: {  	v1 =	vshll.u32 v5, $0x2;
	v2 =	vshra.s32 v5, $0x12  }
0xbc: {  	v5 =	vshll.u32 v4, $0x2;
	v4 =	vshra.s32 v4, $0x12;
	v6 =	vand.u32 $0xFFFFC, v1  }
0xbd: {  	v5 =	vand.u32 $0xFFFFC, v5;
	v1 =	vshra.s32 v3, $0x12;
	v6 =	vor.u32 v2, v6  }
0xbe: {  	s18 =	sadd.s32 $0x40, s18;
	v3 =	vshll.u32 v3, $0x2;
	v2 =	vor.u32 v4, v5;
	[tilespmem:s16+$0x0] =	vst v6;
	v4 =	vshll.u32 v0, $0x2  }
0xbf: {  	v4 =	vand.u32 $0xFFFFC, v4;
	v0 =	vshra.s32 v0, $0x12  }
0xc0: {  	[tilespmem:s16+$0xFFFFFFE0] =	vst v2;
	v2 =	vand.u32 $0xFFFFC, v3;
	v0 =	vor.u32 v0, v4  }
0xc1: {  	v1 =	vor.u32 v1, v2;
	[tilespmem:s16+$0x10] =	vst v0  }
0xc2: {  	[tilespmem:s16+$0xFFFFFFF0] =	vst v1  }
0xc3: {  	_ =	swait.ge [sflag:s12], $0xC800  }
0xc4: {  	[sflag:s12] =	ssyncset.done $0x0  }
0xc5: {  	[sflag:s12] =	ssyncadd.s32 $0xFFFF3800  }
0xc6: {  	[tilespmem:s8], [sflag:$0x3] =	stream.indirect.gather [hbm4b:s4+s6], $0x20, s1, s6, $0xb8;
	[tilespmem:$0x19C80] =	vst v63  }
0xc7: {  	_ =	swait.ge [sflag:s13], $0xC800  }
0xc8: {  	[sflag:s13] =	ssyncset.done $0x0  }
0xc9: {  	s18 =	rddreg [dreg:$0x9];
	[sflag:s13] =	ssyncadd.s32 $0xFFFF3800  }
0xca: {  	[tilespmem:s6], [sflag:$0x2] =	stream.linear.gather [hbm4b:s18+s1], $0x640, $0x38;
	[tilespmem:$0x19C80] =	vst v63  }
0xcb: {  	_ = 	snop  }
0xcc: {  	[hbm4b:s21+s1] =	stream.linear.scatter [tilespmem:s10], [sflag:$0x6], $0xC800, $0x38;
	[tilespmem:$0x19C80] =	vst v63  }
0xcd: {  	_ =	swait.ge [sflag:s9], $0x640  }
0xce: {  	[sflag:s9] =	ssyncset.done $0x0  }
0xcf: {  	s16 =	simm.s32 $0x660;
	[sflag:s9] =	ssyncadd.s32 $0xFFFFF9C0  }
0xd0: {  	v1 =	vld [tilespmem:s16+$0x0]  }
0xd1: {  	v2 =	vld [tilespmem:s16+$0xFFFFFFE0]  }
0xd2: {  	v3 =	vld [tilespmem:s16+$0xFFFFFFF0]  }
0xd3: {  	v0 =	vld [tilespmem:s16+$0x10];
	_ =	sdelay $0x1  }
0xd4: {  	v4 =	vshll.u32 v1, $0x2;
	v5 =	vshra.s32 v1, $0x12  }
0xd5: {  	v1 =	vshll.u32 v2, $0x2;
	v2 =	vshra.s32 v2, $0x12;
	v4 =	vand.u32 $0xFFFFC, v4  }
0xd6: {  	v6 =	vand.u32 $0xFFFFC, v1;
	v1 =	vshra.s32 v3, $0x12;
	v4 =	vor.u32 v5, v4  }
0xd7: {  	s17 =	simm.s32 $0x0;
	s18 =	simm.s32 $0x6A0;
	v3 =	vshll.u32 v3, $0x2;
	v2 =	vor.u32 v2, v6;
	[tilespmem:s16+$0x0] =	vst v4;
	v4 =	vshll.u32 v0, $0x2  }
.LBB2_12:
0xd8: {  	v5 =	vld [tilespmem:s18+$0x0];
	s17 =	sadd.s32 $0x4, s17;
	[tilespmem:s16+$0xFFFFFFE0] =	vst v2;
	v2 =	vand.u32 $0xFFFFC, v3;
	v3 =	vand.u32 $0xFFFFC, v4;
	v0 =	vshra.s32 v0, $0x12  }
0xd9: {  	v4 =	vld [tilespmem:s18+$0xFFFFFFE0];
	p0 =	slt.u32 s17, $0x60;
	v1 =	vor.u32 v1, v2;
	v0 =	vor.u32 v0, v3  }
0xda: {  	v3 =	vld [tilespmem:s18+$0xFFFFFFF0];
	[tilespmem:s16+$0x10] =	vst v0  }
0xdb: {  	v0 =	vld [tilespmem:s18+$0x10];
	[tilespmem:s16+$0xFFFFFFF0] =	vst v1;
	s16 =	smov.u32 s18  }
.Ltmp5:
0xdc: {  	(pc) =	sbr.rel @p0 .LBB2_12-.Ltmp5, $4  }
0xdd: {  	v1 =	vshll.u32 v5, $0x2;
	v2 =	vshra.s32 v5, $0x12  }
0xde: {  	v5 =	vshll.u32 v4, $0x2;
	v4 =	vshra.s32 v4, $0x12;
	v6 =	vand.u32 $0xFFFFC, v1  }
0xdf: {  	v5 =	vand.u32 $0xFFFFC, v5;
	v1 =	vshra.s32 v3, $0x12;
	v6 =	vor.u32 v2, v6  }
0xe0: {  	s18 =	sadd.s32 $0x40, s18;
	v3 =	vshll.u32 v3, $0x2;
	v2 =	vor.u32 v4, v5;
	[tilespmem:s16+$0x0] =	vst v6;
	v4 =	vshll.u32 v0, $0x2  }
0xe1: {  	v4 =	vand.u32 $0xFFFFC, v4;
	v0 =	vshra.s32 v0, $0x12  }
0xe2: {  	[tilespmem:s16+$0xFFFFFFE0] =	vst v2;
	v2 =	vand.u32 $0xFFFFC, v3;
	v0 =	vor.u32 v0, v4  }
0xe3: {  	v1 =	vor.u32 v1, v2;
	[tilespmem:s16+$0x10] =	vst v0  }
0xe4: {  	[tilespmem:s16+$0xFFFFFFF0] =	vst v1  }
0xe5: {  	_ =	swait.ge [sflag:s14], $0xC800  }
0xe6: {  	[sflag:s14] =	ssyncset.done $0x0  }
0xe7: {  	[sflag:s14] =	ssyncadd.s32 $0xFFFF3800  }
0xe8: {  	[tilespmem:s10], [sflag:$0x4] =	stream.indirect.gather [hbm4b:s4+s6], $0x20, s6, s6, $0xb8;
	[tilespmem:$0x19C80] =	vst v63  }
0xe9: {  	_ =	swait.ge [sflag:s11], $0xC800  }
0xea: {  	[sflag:s11] =	ssyncset.done $0x0  }
0xeb: {  	s18 =	rddreg [dreg:$0xa];
	[sflag:s11] =	ssyncadd.s32 $0xFFFF3800  }
0xec: {  	[tilespmem:s1], [sflag:$0x1] =	stream.linear.gather [hbm4b:s18+s1], $0x640, $0x38;
	[tilespmem:$0x19C80] =	vst v63  }
0xed: {  	_ = 	snop  }
0xee: {  	[hbm4b:s22+s1] =	stream.linear.scatter [tilespmem:s8], [sflag:$0x5], $0xC800, $0x38;
	[tilespmem:$0x19C80] =	vst v63  }
0xef: {  	_ =	swait.ge [sflag:s7], $0x640  }
0xf0: {  	[sflag:s7] =	ssyncset.done $0x0  }
0xf1: {  	s16 =	simm.s32 $0x20;
	[sflag:s7] =	ssyncadd.s32 $0xFFFFF9C0  }
0xf2: {  	v1 =	vld [tilespmem:s16+$0x0]  }
0xf3: {  	v2 =	vld [tilespmem:s16+$0xFFFFFFE0]  }
0xf4: {  	v3 =	vld [tilespmem:s16+$0xFFFFFFF0]  }
0xf5: {  	v0 =	vld [tilespmem:s16+$0x10];
	_ =	sdelay $0x1  }
0xf6: {  	v4 =	vshll.u32 v1, $0x2;
	v5 =	vshra.s32 v1, $0x12  }
0xf7: {  	v1 =	vshll.u32 v2, $0x2;
	v2 =	vshra.s32 v2, $0x12;
	v4 =	vand.u32 $0xFFFFC, v4  }
0xf8: {  	v6 =	vand.u32 $0xFFFFC, v1;
	v1 =	vshra.s32 v3, $0x12;
	v4 =	vor.u32 v5, v4  }
0xf9: {  	s17 =	simm.s32 $0x0;
	s18 =	simm.s32 $0x60;
	v3 =	vshll.u32 v3, $0x2;
	v2 =	vor.u32 v2, v6;
	[tilespmem:s16+$0x0] =	vst v4;
	v4 =	vshll.u32 v0, $0x2  }
.LBB2_14:
0xfa: {  	v5 =	vld [tilespmem:s18+$0x0];
	s17 =	sadd.s32 $0x4, s17;
	[tilespmem:s16+$0xFFFFFFE0] =	vst v2;
	v2 =	vand.u32 $0xFFFFC, v3;
	v3 =	vand.u32 $0xFFFFC, v4;
	v0 =	vshra.s32 v0, $0x12  }
0xfb: {  	v4 =	vld [tilespmem:s18+$0xFFFFFFE0];
	p0 =	slt.u32 s17, $0x60;
	v1 =	vor.u32 v1, v2;
	v0 =	vor.u32 v0, v3  }
0xfc: {  	v3 =	vld [tilespmem:s18+$0xFFFFFFF0];
	[tilespmem:s16+$0x10] =	vst v0  }
0xfd: {  	v0 =	vld [tilespmem:s18+$0x10];
	[tilespmem:s16+$0xFFFFFFF0] =	vst v1;
	s16 =	smov.u32 s18  }
.Ltmp6:
0xfe: {  	(pc) =	sbr.rel @p0 .LBB2_14-.Ltmp6, $4  }
0xff: {  	v1 =	vshll.u32 v5, $0x2;
	v2 =	vshra.s32 v5, $0x12  }
0x100: {  	v5 =	vshll.u32 v4, $0x2;
	v4 =	vshra.s32 v4, $0x12;
	v6 =	vand.u32 $0xFFFFC, v1  }
0x101: {  	v5 =	vand.u32 $0xFFFFC, v5;
	v1 =	vshra.s32 v3, $0x12;
	v6 =	vor.u32 v2, v6  }
0x102: {  	s18 =	sadd.s32 $0x40, s18;
	v3 =	vshll.u32 v3, $0x2;
	v2 =	vor.u32 v4, v5;
	[tilespmem:s16+$0x0] =	vst v6;
	v4 =	vshll.u32 v0, $0x2  }
0x103: {  	v4 =	vand.u32 $0xFFFFC, v4;
	v0 =	vshra.s32 v0, $0x12  }
0x104: {  	[tilespmem:s16+$0xFFFFFFE0] =	vst v2;
	v2 =	vand.u32 $0xFFFFC, v3;
	v0 =	vor.u32 v0, v4  }
0x105: {  	v1 =	vor.u32 v1, v2;
	[tilespmem:s16+$0x10] =	vst v0  }
0x106: {  	[tilespmem:s16+$0xFFFFFFF0] =	vst v1  }
0x107: {  	_ =	swait.ge [sflag:s12], $0xC800  }
0x108: {  	[sflag:s12] =	ssyncset.done $0x0  }
0x109: {  	[sflag:s12] =	ssyncadd.s32 $0xFFFF3800  }
0x10a: {  	[tilespmem:s8], [sflag:$0x3] =	stream.indirect.gather [hbm4b:s4+s6], $0x20, s1, s6, $0xb8;
	[tilespmem:$0x19C80] =	vst v63  }
0x10b: {  	_ =	swait.ge [sflag:s13], $0xC800  }
0x10c: {  	[sflag:s13] =	ssyncset.done $0x0  }
0x10d: {  	s18 =	rddreg [dreg:$0xb];
	[sflag:s13] =	ssyncadd.s32 $0xFFFF3800  }
0x10e: {  	[tilespmem:s6], [sflag:$0x2] =	stream.linear.gather [hbm4b:s18+s1], $0x640, $0x38;
	[tilespmem:$0x19C80] =	vst v63  }
0x10f: {  	_ = 	snop  }
0x110: {  	[hbm4b:s23+s1] =	stream.linear.scatter [tilespmem:s10], [sflag:$0x6], $0xC800, $0x38;
	[tilespmem:$0x19C80] =	vst v63  }
0x111: {  	_ =	swait.ge [sflag:s9], $0x640  }
0x112: {  	[sflag:s9] =	ssyncset.done $0x0  }
0x113: {  	s16 =	simm.s32 $0x660;
	[sflag:s9] =	ssyncadd.s32 $0xFFFFF9C0  }
0x114: {  	v1 =	vld [tilespmem:s16+$0x0]  }
0x115: {  	v2 =	vld [tilespmem:s16+$0xFFFFFFE0]  }
0x116: {  	v3 =	vld [tilespmem:s16+$0xFFFFFFF0]  }
0x117: {  	v0 =	vld [tilespmem:s16+$0x10];
	_ =	sdelay $0x1  }
0x118: {  	v4 =	vshll.u32 v1, $0x2;
	v5 =	vshra.s32 v1, $0x12  }
0x119: {  	v1 =	vshll.u32 v2, $0x2;
	v2 =	vshra.s32 v2, $0x12;
	v4 =	vand.u32 $0xFFFFC, v4  }
0x11a: {  	v6 =	vand.u32 $0xFFFFC, v1;
	v1 =	vshra.s32 v3, $0x12;
	v4 =	vor.u32 v5, v4  }
0x11b: {  	s17 =	simm.s32 $0x0;
	s18 =	simm.s32 $0x6A0;
	v3 =	vshll.u32 v3, $0x2;
	v2 =	vor.u32 v2, v6;
	[tilespmem:s16+$0x0] =	vst v4;
	v4 =	vshll.u32 v0, $0x2  }
.LBB2_16:
0x11c: {  	v5 =	vld [tilespmem:s18+$0x0];
	s17 =	sadd.s32 $0x4, s17;
	[tilespmem:s16+$0xFFFFFFE0] =	vst v2;
	v2 =	vand.u32 $0xFFFFC, v3;
	v3 =	vand.u32 $0xFFFFC, v4;
	v0 =	vshra.s32 v0, $0x12  }
0x11d: {  	v4 =	vld [tilespmem:s18+$0xFFFFFFE0];
	p0 =	slt.u32 s17, $0x60;
	v1 =	vor.u32 v1, v2;
	v0 =	vor.u32 v0, v3  }
0x11e: {  	v3 =	vld [tilespmem:s18+$0xFFFFFFF0];
	[tilespmem:s16+$0x10] =	vst v0  }
0x11f: {  	v0 =	vld [tilespmem:s18+$0x10];
	[tilespmem:s16+$0xFFFFFFF0] =	vst v1;
	s16 =	smov.u32 s18  }
.Ltmp7:
0x120: {  	(pc) =	sbr.rel @p0 .LBB2_16-.Ltmp7, $4  }
0x121: {  	v1 =	vshll.u32 v5, $0x2;
	v2 =	vshra.s32 v5, $0x12  }
0x122: {  	v5 =	vshll.u32 v4, $0x2;
	v4 =	vshra.s32 v4, $0x12;
	v6 =	vand.u32 $0xFFFFC, v1  }
0x123: {  	v5 =	vand.u32 $0xFFFFC, v5;
	v1 =	vshra.s32 v3, $0x12;
	v6 =	vor.u32 v2, v6  }
0x124: {  	s18 =	sadd.s32 $0x40, s18;
	v3 =	vshll.u32 v3, $0x2;
	v2 =	vor.u32 v4, v5;
	[tilespmem:s16+$0x0] =	vst v6;
	v4 =	vshll.u32 v0, $0x2  }
0x125: {  	v4 =	vand.u32 $0xFFFFC, v4;
	v0 =	vshra.s32 v0, $0x12  }
0x126: {  	[tilespmem:s16+$0xFFFFFFE0] =	vst v2;
	v2 =	vand.u32 $0xFFFFC, v3;
	v0 =	vor.u32 v0, v4  }
0x127: {  	v1 =	vor.u32 v1, v2;
	[tilespmem:s16+$0x10] =	vst v0  }
0x128: {  	[tilespmem:s16+$0xFFFFFFF0] =	vst v1  }
0x129: {  	_ =	swait.ge [sflag:s14], $0xC800  }
0x12a: {  	[sflag:s14] =	ssyncset.done $0x0  }
0x12b: {  	[sflag:s14] =	ssyncadd.s32 $0xFFFF3800  }
0x12c: {  	[tilespmem:s10], [sflag:$0x4] =	stream.indirect.gather [hbm4b:s4+s6], $0x20, s6, s6, $0xb8;
	[tilespmem:$0x19C80] =	vst v63  }
0x12d: {  	_ =	swait.ge [sflag:s11], $0xC800  }
0x12e: {  	[sflag:s11] =	ssyncset.done $0x0  }
0x12f: {  	s18 =	rddreg [dreg:$0xc];
	[sflag:s11] =	ssyncadd.s32 $0xFFFF3800  }
0x130: {  	[tilespmem:s1], [sflag:$0x1] =	stream.linear.gather [hbm4b:s18+s1], $0x640, $0x38;
	[tilespmem:$0x19C80] =	vst v63  }
0x131: {  	_ = 	snop  }
0x132: {  	[hbm4b:s24+s1] =	stream.linear.scatter [tilespmem:s8], [sflag:$0x5], $0xC800, $0x38;
	[tilespmem:$0x19C80] =	vst v63  }
0x133: {  	_ =	swait.ge [sflag:s7], $0x640  }
0x134: {  	[sflag:s7] =	ssyncset.done $0x0  }
0x135: {  	s16 =	simm.s32 $0x20;
	[sflag:s7] =	ssyncadd.s32 $0xFFFFF9C0  }
0x136: {  	v1 =	vld [tilespmem:s16+$0x0]  }
0x137: {  	v2 =	vld [tilespmem:s16+$0xFFFFFFE0]  }
0x138: {  	v3 =	vld [tilespmem:s16+$0xFFFFFFF0]  }
0x139: {  	v0 =	vld [tilespmem:s16+$0x10];
	_ =	sdelay $0x1  }
0x13a: {  	v4 =	vshll.u32 v1, $0x2;
	v5 =	vshra.s32 v1, $0x12  }
0x13b: {  	v1 =	vshll.u32 v2, $0x2;
	v2 =	vshra.s32 v2, $0x12;
	v4 =	vand.u32 $0xFFFFC, v4  }
0x13c: {  	v6 =	vand.u32 $0xFFFFC, v1;
	v1 =	vshra.s32 v3, $0x12;
	v4 =	vor.u32 v5, v4  }
0x13d: {  	s17 =	simm.s32 $0x0;
	s18 =	simm.s32 $0x60;
	v3 =	vshll.u32 v3, $0x2;
	v2 =	vor.u32 v2, v6;
	[tilespmem:s16+$0x0] =	vst v4;
	v4 =	vshll.u32 v0, $0x2  }
.LBB2_18:
0x13e: {  	v5 =	vld [tilespmem:s18+$0x0];
	s17 =	sadd.s32 $0x4, s17;
	[tilespmem:s16+$0xFFFFFFE0] =	vst v2;
	v2 =	vand.u32 $0xFFFFC, v3;
	v3 =	vand.u32 $0xFFFFC, v4;
	v0 =	vshra.s32 v0, $0x12  }
0x13f: {  	v4 =	vld [tilespmem:s18+$0xFFFFFFE0];
	p0 =	slt.u32 s17, $0x60;
	v1 =	vor.u32 v1, v2;
	v0 =	vor.u32 v0, v3  }
0x140: {  	v3 =	vld [tilespmem:s18+$0xFFFFFFF0];
	[tilespmem:s16+$0x10] =	vst v0  }
0x141: {  	v0 =	vld [tilespmem:s18+$0x10];
	[tilespmem:s16+$0xFFFFFFF0] =	vst v1;
	s16 =	smov.u32 s18  }
.Ltmp8:
0x142: {  	(pc) =	sbr.rel @p0 .LBB2_18-.Ltmp8, $4  }
0x143: {  	v1 =	vshll.u32 v5, $0x2;
	v2 =	vshra.s32 v5, $0x12  }
0x144: {  	v5 =	vshll.u32 v4, $0x2;
	v4 =	vshra.s32 v4, $0x12;
	v6 =	vand.u32 $0xFFFFC, v1  }
0x145: {  	v5 =	vand.u32 $0xFFFFC, v5;
	v1 =	vshra.s32 v3, $0x12;
	v6 =	vor.u32 v2, v6  }
0x146: {  	s18 =	sadd.s32 $0x40, s18;
	v3 =	vshll.u32 v3, $0x2;
	v2 =	vor.u32 v4, v5;
	[tilespmem:s16+$0x0] =	vst v6;
	v4 =	vshll.u32 v0, $0x2  }
0x147: {  	v4 =	vand.u32 $0xFFFFC, v4;
	v0 =	vshra.s32 v0, $0x12  }
0x148: {  	[tilespmem:s16+$0xFFFFFFE0] =	vst v2;
	v2 =	vand.u32 $0xFFFFC, v3;
	v0 =	vor.u32 v0, v4  }
0x149: {  	v1 =	vor.u32 v1, v2;
	[tilespmem:s16+$0x10] =	vst v0  }
0x14a: {  	[tilespmem:s16+$0xFFFFFFF0] =	vst v1  }
0x14b: {  	_ =	swait.ge [sflag:s12], $0xC800  }
0x14c: {  	[sflag:s12] =	ssyncset.done $0x0  }
0x14d: {  	[sflag:s12] =	ssyncadd.s32 $0xFFFF3800  }
0x14e: {  	[tilespmem:s8], [sflag:$0x3] =	stream.indirect.gather [hbm4b:s4+s6], $0x20, s1, s6, $0xb8;
	[tilespmem:$0x19C80] =	vst v63  }
0x14f: {  	_ =	swait.ge [sflag:s13], $0xC800  }
0x150: {  	[sflag:s13] =	ssyncset.done $0x0  }
0x151: {  	s18 =	rddreg [dreg:$0xd];
	[sflag:s13] =	ssyncadd.s32 $0xFFFF3800  }
0x152: {  	[tilespmem:s6], [sflag:$0x2] =	stream.linear.gather [hbm4b:s18+s1], $0x640, $0x38;
	[tilespmem:$0x19C80] =	vst v63  }
0x153: {  	_ = 	snop  }
0x154: {  	[hbm4b:s25+s1] =	stream.linear.scatter [tilespmem:s10], [sflag:$0x6], $0xC800, $0x38;
	[tilespmem:$0x19C80] =	vst v63  }
0x155: {  	_ =	swait.ge [sflag:s9], $0x640  }
0x156: {  	[sflag:s9] =	ssyncset.done $0x0  }
0x157: {  	s16 =	simm.s32 $0x660;
	[sflag:s9] =	ssyncadd.s32 $0xFFFFF9C0  }
0x158: {  	v1 =	vld [tilespmem:s16+$0x0]  }
0x159: {  	v2 =	vld [tilespmem:s16+$0xFFFFFFE0]  }
0x15a: {  	v3 =	vld [tilespmem:s16+$0xFFFFFFF0]  }
0x15b: {  	v0 =	vld [tilespmem:s16+$0x10];
	_ =	sdelay $0x1  }
0x15c: {  	v4 =	vshll.u32 v1, $0x2;
	v5 =	vshra.s32 v1, $0x12  }
0x15d: {  	v1 =	vshll.u32 v2, $0x2;
	v2 =	vshra.s32 v2, $0x12;
	v4 =	vand.u32 $0xFFFFC, v4  }
0x15e: {  	v6 =	vand.u32 $0xFFFFC, v1;
	v1 =	vshra.s32 v3, $0x12;
	v4 =	vor.u32 v5, v4  }
0x15f: {  	s17 =	simm.s32 $0x0;
	s18 =	simm.s32 $0x6A0;
	v3 =	vshll.u32 v3, $0x2;
	v2 =	vor.u32 v2, v6;
	[tilespmem:s16+$0x0] =	vst v4;
	v4 =	vshll.u32 v0, $0x2  }
.LBB2_20:
0x160: {  	v5 =	vld [tilespmem:s18+$0x0];
	s17 =	sadd.s32 $0x4, s17;
	[tilespmem:s16+$0xFFFFFFE0] =	vst v2;
	v2 =	vand.u32 $0xFFFFC, v3;
	v3 =	vand.u32 $0xFFFFC, v4;
	v0 =	vshra.s32 v0, $0x12  }
0x161: {  	v4 =	vld [tilespmem:s18+$0xFFFFFFE0];
	p0 =	slt.u32 s17, $0x60;
	v1 =	vor.u32 v1, v2;
	v0 =	vor.u32 v0, v3  }
0x162: {  	v3 =	vld [tilespmem:s18+$0xFFFFFFF0];
	[tilespmem:s16+$0x10] =	vst v0  }
0x163: {  	v0 =	vld [tilespmem:s18+$0x10];
	[tilespmem:s16+$0xFFFFFFF0] =	vst v1;
	s16 =	smov.u32 s18  }
.Ltmp9:
0x164: {  	(pc) =	sbr.rel @p0 .LBB2_20-.Ltmp9, $4  }
0x165: {  	v1 =	vshll.u32 v5, $0x2;
	v2 =	vshra.s32 v5, $0x12  }
0x166: {  	v5 =	vshll.u32 v4, $0x2;
	v4 =	vshra.s32 v4, $0x12;
	v6 =	vand.u32 $0xFFFFC, v1  }
0x167: {  	v5 =	vand.u32 $0xFFFFC, v5;
	v1 =	vshra.s32 v3, $0x12;
	v6 =	vor.u32 v2, v6  }
0x168: {  	s18 =	sadd.s32 $0x40, s18;
	v3 =	vshll.u32 v3, $0x2;
	v2 =	vor.u32 v4, v5;
	[tilespmem:s16+$0x0] =	vst v6;
	v4 =	vshll.u32 v0, $0x2  }
0x169: {  	v4 =	vand.u32 $0xFFFFC, v4;
	v0 =	vshra.s32 v0, $0x12  }
0x16a: {  	[tilespmem:s16+$0xFFFFFFE0] =	vst v2;
	v2 =	vand.u32 $0xFFFFC, v3;
	v0 =	vor.u32 v0, v4  }
0x16b: {  	v1 =	vor.u32 v1, v2;
	[tilespmem:s16+$0x10] =	vst v0  }
0x16c: {  	[tilespmem:s16+$0xFFFFFFF0] =	vst v1  }
0x16d: {  	_ =	swait.ge [sflag:s14], $0xC800  }
0x16e: {  	[sflag:s14] =	ssyncset.done $0x0  }
0x16f: {  	[sflag:s14] =	ssyncadd.s32 $0xFFFF3800  }
0x170: {  	[tilespmem:s10], [sflag:$0x4] =	stream.indirect.gather [hbm4b:s4+s6], $0x20, s6, s6, $0xb8;
	[tilespmem:$0x19C80] =	vst v63  }
0x171: {  	_ =	swait.ge [sflag:s11], $0xC800  }
0x172: {  	[sflag:s11] =	ssyncset.done $0x0  }
0x173: {  	s18 =	rddreg [dreg:$0xe];
	[sflag:s11] =	ssyncadd.s32 $0xFFFF3800  }
0x174: {  	[tilespmem:s1], [sflag:$0x1] =	stream.linear.gather [hbm4b:s18+s1], $0x640, $0x38;
	[tilespmem:$0x19C80] =	vst v63  }
0x175: {  	_ = 	snop  }
0x176: {  	[hbm4b:s26+s1] =	stream.linear.scatter [tilespmem:s8], [sflag:$0x5], $0xC800, $0x38;
	[tilespmem:$0x19C80] =	vst v63  }
0x177: {  	_ =	swait.ge [sflag:s7], $0x640  }
0x178: {  	[sflag:s7] =	ssyncset.done $0x0  }
0x179: {  	s16 =	simm.s32 $0x20;
	[sflag:s7] =	ssyncadd.s32 $0xFFFFF9C0  }
0x17a: {  	v1 =	vld [tilespmem:s16+$0x0]  }
0x17b: {  	v2 =	vld [tilespmem:s16+$0xFFFFFFE0]  }
0x17c: {  	v3 =	vld [tilespmem:s16+$0xFFFFFFF0]  }
0x17d: {  	v0 =	vld [tilespmem:s16+$0x10];
	_ =	sdelay $0x1  }
0x17e: {  	v4 =	vshll.u32 v1, $0x2;
	v5 =	vshra.s32 v1, $0x12  }
0x17f: {  	v1 =	vshll.u32 v2, $0x2;
	v2 =	vshra.s32 v2, $0x12;
	v4 =	vand.u32 $0xFFFFC, v4  }
0x180: {  	v6 =	vand.u32 $0xFFFFC, v1;
	v1 =	vshra.s32 v3, $0x12;
	v4 =	vor.u32 v5, v4  }
0x181: {  	s17 =	simm.s32 $0x0;
	s18 =	simm.s32 $0x60;
	v3 =	vshll.u32 v3, $0x2;
	v2 =	vor.u32 v2, v6;
	[tilespmem:s16+$0x0] =	vst v4;
	v4 =	vshll.u32 v0, $0x2  }
.LBB2_22:
0x182: {  	v5 =	vld [tilespmem:s18+$0x0];
	s17 =	sadd.s32 $0x4, s17;
	[tilespmem:s16+$0xFFFFFFE0] =	vst v2;
	v2 =	vand.u32 $0xFFFFC, v3;
	v3 =	vand.u32 $0xFFFFC, v4;
	v0 =	vshra.s32 v0, $0x12  }
0x183: {  	v4 =	vld [tilespmem:s18+$0xFFFFFFE0];
	p0 =	slt.u32 s17, $0x60;
	v1 =	vor.u32 v1, v2;
	v0 =	vor.u32 v0, v3  }
0x184: {  	v3 =	vld [tilespmem:s18+$0xFFFFFFF0];
	[tilespmem:s16+$0x10] =	vst v0  }
0x185: {  	v0 =	vld [tilespmem:s18+$0x10];
	[tilespmem:s16+$0xFFFFFFF0] =	vst v1;
	s16 =	smov.u32 s18  }
.Ltmp10:
0x186: {  	(pc) =	sbr.rel @p0 .LBB2_22-.Ltmp10, $4  }
0x187: {  	v1 =	vshll.u32 v5, $0x2;
	v2 =	vshra.s32 v5, $0x12  }
0x188: {  	v5 =	vshll.u32 v4, $0x2;
	v4 =	vshra.s32 v4, $0x12;
	v6 =	vand.u32 $0xFFFFC, v1  }
0x189: {  	v5 =	vand.u32 $0xFFFFC, v5;
	v1 =	vshra.s32 v3, $0x12;
	v6 =	vor.u32 v2, v6  }
0x18a: {  	s18 =	sadd.s32 $0x40, s18;
	v3 =	vshll.u32 v3, $0x2;
	v2 =	vor.u32 v4, v5;
	[tilespmem:s16+$0x0] =	vst v6;
	v4 =	vshll.u32 v0, $0x2  }
0x18b: {  	v4 =	vand.u32 $0xFFFFC, v4;
	v0 =	vshra.s32 v0, $0x12  }
0x18c: {  	[tilespmem:s16+$0xFFFFFFE0] =	vst v2;
	v2 =	vand.u32 $0xFFFFC, v3;
	v0 =	vor.u32 v0, v4  }
0x18d: {  	v1 =	vor.u32 v1, v2;
	[tilespmem:s16+$0x10] =	vst v0  }
0x18e: {  	[tilespmem:s16+$0xFFFFFFF0] =	vst v1  }
0x18f: {  	_ =	swait.ge [sflag:s12], $0xC800  }
0x190: {  	[sflag:s12] =	ssyncset.done $0x0  }
0x191: {  	[sflag:s12] =	ssyncadd.s32 $0xFFFF3800  }
0x192: {  	[tilespmem:s8], [sflag:$0x3] =	stream.indirect.gather [hbm4b:s4+s6], $0x20, s1, s6, $0xb8;
	[tilespmem:$0x19C80] =	vst v63  }
0x193: {  	_ =	swait.ge [sflag:s13], $0xC800  }
0x194: {  	[sflag:s13] =	ssyncset.done $0x0  }
0x195: {  	s18 =	rddreg [dreg:$0xf];
	[sflag:s13] =	ssyncadd.s32 $0xFFFF3800  }
0x196: {  	[tilespmem:s6], [sflag:$0x2] =	stream.linear.gather [hbm4b:s18+s1], $0x640, $0x38;
	[tilespmem:$0x19C80] =	vst v63  }
0x197: {  	_ = 	snop  }
0x198: {  	[hbm4b:s28+s1] =	stream.linear.scatter [tilespmem:s10], [sflag:$0x6], $0xC800, $0x38;
	[tilespmem:$0x19C80] =	vst v63  }
0x199: {  	_ =	swait.ge [sflag:s9], $0x640  }
0x19a: {  	[sflag:s9] =	ssyncset.done $0x0  }
0x19b: {  	s16 =	simm.s32 $0x660;
	[sflag:s9] =	ssyncadd.s32 $0xFFFFF9C0  }
0x19c: {  	v1 =	vld [tilespmem:s16+$0x0]  }
0x19d: {  	v2 =	vld [tilespmem:s16+$0xFFFFFFE0]  }
0x19e: {  	v3 =	vld [tilespmem:s16+$0xFFFFFFF0]  }
0x19f: {  	v0 =	vld [tilespmem:s16+$0x10];
	_ =	sdelay $0x1  }
0x1a0: {  	v4 =	vshll.u32 v1, $0x2;
	v5 =	vshra.s32 v1, $0x12  }
0x1a1: {  	v1 =	vshll.u32 v2, $0x2;
	v2 =	vshra.s32 v2, $0x12;
	v4 =	vand.u32 $0xFFFFC, v4  }
0x1a2: {  	v6 =	vand.u32 $0xFFFFC, v1;
	v1 =	vshra.s32 v3, $0x12;
	v4 =	vor.u32 v5, v4  }
0x1a3: {  	s17 =	simm.s32 $0x0;
	s18 =	simm.s32 $0x6A0;
	v3 =	vshll.u32 v3, $0x2;
	v2 =	vor.u32 v2, v6;
	[tilespmem:s16+$0x0] =	vst v4;
	v4 =	vshll.u32 v0, $0x2  }
.LBB2_24:
0x1a4: {  	v5 =	vld [tilespmem:s18+$0x0];
	s17 =	sadd.s32 $0x4, s17;
	[tilespmem:s16+$0xFFFFFFE0] =	vst v2;
	v2 =	vand.u32 $0xFFFFC, v3;
	v3 =	vand.u32 $0xFFFFC, v4;
	v0 =	vshra.s32 v0, $0x12  }
0x1a5: {  	v4 =	vld [tilespmem:s18+$0xFFFFFFE0];
	p0 =	slt.u32 s17, $0x60;
	v1 =	vor.u32 v1, v2;
	v0 =	vor.u32 v0, v3  }
0x1a6: {  	v3 =	vld [tilespmem:s18+$0xFFFFFFF0];
	[tilespmem:s16+$0x10] =	vst v0  }
0x1a7: {  	v0 =	vld [tilespmem:s18+$0x10];
	[tilespmem:s16+$0xFFFFFFF0] =	vst v1;
	s16 =	smov.u32 s18  }
.Ltmp11:
0x1a8: {  	(pc) =	sbr.rel @p0 .LBB2_24-.Ltmp11, $4  }
0x1a9: {  	v1 =	vshll.u32 v5, $0x2;
	v2 =	vshra.s32 v5, $0x12  }
0x1aa: {  	v5 =	vshll.u32 v4, $0x2;
	v4 =	vshra.s32 v4, $0x12;
	v6 =	vand.u32 $0xFFFFC, v1  }
0x1ab: {  	v5 =	vand.u32 $0xFFFFC, v5;
	v1 =	vshra.s32 v3, $0x12;
	v6 =	vor.u32 v2, v6  }
0x1ac: {  	s18 =	sadd.s32 $0x40, s18;
	v3 =	vshll.u32 v3, $0x2;
	v2 =	vor.u32 v4, v5;
	[tilespmem:s16+$0x0] =	vst v6;
	v4 =	vshll.u32 v0, $0x2  }
0x1ad: {  	v4 =	vand.u32 $0xFFFFC, v4;
	v0 =	vshra.s32 v0, $0x12  }
0x1ae: {  	[tilespmem:s16+$0xFFFFFFE0] =	vst v2;
	v2 =	vand.u32 $0xFFFFC, v3;
	v0 =	vor.u32 v0, v4  }
0x1af: {  	v1 =	vor.u32 v1, v2;
	[tilespmem:s16+$0x10] =	vst v0  }
0x1b0: {  	[tilespmem:s16+$0xFFFFFFF0] =	vst v1  }
0x1b1: {  	_ =	swait.ge [sflag:s14], $0xC800  }
0x1b2: {  	[sflag:s14] =	ssyncset.done $0x0  }
0x1b3: {  	[sflag:s14] =	ssyncadd.s32 $0xFFFF3800  }
0x1b4: {  	[tilespmem:s10], [sflag:$0x4] =	stream.indirect.gather [hbm4b:s4+s6], $0x20, s6, s6, $0xb8;
	[tilespmem:$0x19C80] =	vst v63  }
0x1b5: {  	_ =	swait.ge [sflag:s11], $0xC800  }
0x1b6: {  	[sflag:s11] =	ssyncset.done $0x0  }
0x1b7: {  	s18 =	rddreg [dreg:$0x10];
	[sflag:s11] =	ssyncadd.s32 $0xFFFF3800  }
0x1b8: {  	[tilespmem:s1], [sflag:$0x1] =	stream.linear.gather [hbm4b:s18+s1], $0x640, $0x38;
	[tilespmem:$0x19C80] =	vst v63  }
0x1b9: {  	_ = 	snop  }
0x1ba: {  	[hbm4b:s29+s1] =	stream.linear.scatter [tilespmem:s8], [sflag:$0x5], $0xC800, $0x38;
	[tilespmem:$0x19C80] =	vst v63  }
0x1bb: {  	_ =	swait.ge [sflag:s7], $0x640  }
0x1bc: {  	[sflag:s7] =	ssyncset.done $0x0  }
0x1bd: {  	s16 =	simm.s32 $0x20;
	[sflag:s7] =	ssyncadd.s32 $0xFFFFF9C0  }
0x1be: {  	v1 =	vld [tilespmem:s16+$0x0]  }
0x1bf: {  	v2 =	vld [tilespmem:s16+$0xFFFFFFE0]  }
0x1c0: {  	v3 =	vld [tilespmem:s16+$0xFFFFFFF0]  }
0x1c1: {  	v0 =	vld [tilespmem:s16+$0x10];
	_ =	sdelay $0x1  }
0x1c2: {  	v4 =	vshll.u32 v1, $0x2;
	v5 =	vshra.s32 v1, $0x12  }
0x1c3: {  	v1 =	vshll.u32 v2, $0x2;
	v2 =	vshra.s32 v2, $0x12;
	v4 =	vand.u32 $0xFFFFC, v4  }
0x1c4: {  	v6 =	vand.u32 $0xFFFFC, v1;
	v1 =	vshra.s32 v3, $0x12;
	v4 =	vor.u32 v5, v4  }
0x1c5: {  	s17 =	simm.s32 $0x0;
	s18 =	simm.s32 $0x60;
	v3 =	vshll.u32 v3, $0x2;
	v2 =	vor.u32 v2, v6;
	[tilespmem:s16+$0x0] =	vst v4;
	v4 =	vshll.u32 v0, $0x2  }
.LBB2_26:
0x1c6: {  	v5 =	vld [tilespmem:s18+$0x0];
	s17 =	sadd.s32 $0x4, s17;
	[tilespmem:s16+$0xFFFFFFE0] =	vst v2;
	v2 =	vand.u32 $0xFFFFC, v3;
	v3 =	vand.u32 $0xFFFFC, v4;
	v0 =	vshra.s32 v0, $0x12  }
0x1c7: {  	v4 =	vld [tilespmem:s18+$0xFFFFFFE0];
	p0 =	slt.u32 s17, $0x60;
	v1 =	vor.u32 v1, v2;
	v0 =	vor.u32 v0, v3  }
0x1c8: {  	v3 =	vld [tilespmem:s18+$0xFFFFFFF0];
	[tilespmem:s16+$0x10] =	vst v0  }
0x1c9: {  	v0 =	vld [tilespmem:s18+$0x10];
	[tilespmem:s16+$0xFFFFFFF0] =	vst v1;
	s16 =	smov.u32 s18  }
.Ltmp12:
0x1ca: {  	(pc) =	sbr.rel @p0 .LBB2_26-.Ltmp12, $4  }
0x1cb: {  	v1 =	vshll.u32 v5, $0x2;
	v2 =	vshra.s32 v5, $0x12  }
0x1cc: {  	v5 =	vshll.u32 v4, $0x2;
	v4 =	vshra.s32 v4, $0x12;
	v6 =	vand.u32 $0xFFFFC, v1  }
0x1cd: {  	v5 =	vand.u32 $0xFFFFC, v5;
	v1 =	vshra.s32 v3, $0x12;
	v6 =	vor.u32 v2, v6  }
0x1ce: {  	s18 =	sadd.s32 $0x40, s18;
	v3 =	vshll.u32 v3, $0x2;
	v2 =	vor.u32 v4, v5;
	[tilespmem:s16+$0x0] =	vst v6;
	v4 =	vshll.u32 v0, $0x2  }
0x1cf: {  	v4 =	vand.u32 $0xFFFFC, v4;
	v0 =	vshra.s32 v0, $0x12  }
0x1d0: {  	[tilespmem:s16+$0xFFFFFFE0] =	vst v2;
	v2 =	vand.u32 $0xFFFFC, v3;
	v0 =	vor.u32 v0, v4  }
0x1d1: {  	v1 =	vor.u32 v1, v2;
	[tilespmem:s16+$0x10] =	vst v0  }
0x1d2: {  	[tilespmem:s16+$0xFFFFFFF0] =	vst v1  }
0x1d3: {  	_ =	swait.ge [sflag:s12], $0xC800  }
0x1d4: {  	[sflag:s12] =	ssyncset.done $0x0  }
0x1d5: {  	[sflag:s12] =	ssyncadd.s32 $0xFFFF3800  }
0x1d6: {  	[tilespmem:s8], [sflag:$0x3] =	stream.indirect.gather [hbm4b:s4+s6], $0x20, s1, s6, $0xb8;
	[tilespmem:$0x19C80] =	vst v63  }
0x1d7: {  	_ =	swait.ge [sflag:s13], $0xC800  }
0x1d8: {  	[sflag:s13] =	ssyncset.done $0x0  }
0x1d9: {  	s18 =	rddreg [dreg:$0x11];
	[sflag:s13] =	ssyncadd.s32 $0xFFFF3800  }
0x1da: {  	[tilespmem:s6], [sflag:$0x2] =	stream.linear.gather [hbm4b:s18+s1], $0x640, $0x38;
	[tilespmem:$0x19C80] =	vst v63  }
0x1db: {  	_ = 	snop  }
0x1dc: {  	[hbm4b:s30+s1] =	stream.linear.scatter [tilespmem:s10], [sflag:$0x6], $0xC800, $0x38;
	[tilespmem:$0x19C80] =	vst v63  }
0x1dd: {  	_ =	swait.ge [sflag:s9], $0x640  }
0x1de: {  	[sflag:s9] =	ssyncset.done $0x0  }
0x1df: {  	s16 =	simm.s32 $0x660;
	[sflag:s9] =	ssyncadd.s32 $0xFFFFF9C0  }
0x1e0: {  	v1 =	vld [tilespmem:s16+$0x0]  }
0x1e1: {  	v2 =	vld [tilespmem:s16+$0xFFFFFFE0]  }
0x1e2: {  	v3 =	vld [tilespmem:s16+$0xFFFFFFF0]  }
0x1e3: {  	v0 =	vld [tilespmem:s16+$0x10];
	_ =	sdelay $0x1  }
0x1e4: {  	v4 =	vshll.u32 v1, $0x2;
	v5 =	vshra.s32 v1, $0x12  }
0x1e5: {  	v1 =	vshll.u32 v2, $0x2;
	v2 =	vshra.s32 v2, $0x12;
	v4 =	vand.u32 $0xFFFFC, v4  }
0x1e6: {  	v6 =	vand.u32 $0xFFFFC, v1;
	v1 =	vshra.s32 v3, $0x12;
	v4 =	vor.u32 v5, v4  }
0x1e7: {  	s17 =	simm.s32 $0x0;
	s18 =	simm.s32 $0x6A0;
	v3 =	vshll.u32 v3, $0x2;
	v2 =	vor.u32 v2, v6;
	[tilespmem:s16+$0x0] =	vst v4;
	v4 =	vshll.u32 v0, $0x2  }
.LBB2_28:
0x1e8: {  	v5 =	vld [tilespmem:s18+$0x0];
	s17 =	sadd.s32 $0x4, s17;
	[tilespmem:s16+$0xFFFFFFE0] =	vst v2;
	v2 =	vand.u32 $0xFFFFC, v3;
	v3 =	vand.u32 $0xFFFFC, v4;
	v0 =	vshra.s32 v0, $0x12  }
0x1e9: {  	v4 =	vld [tilespmem:s18+$0xFFFFFFE0];
	p0 =	slt.u32 s17, $0x60;
	v1 =	vor.u32 v1, v2;
	v0 =	vor.u32 v0, v3  }
0x1ea: {  	v3 =	vld [tilespmem:s18+$0xFFFFFFF0];
	[tilespmem:s16+$0x10] =	vst v0  }
0x1eb: {  	v0 =	vld [tilespmem:s18+$0x10];
	[tilespmem:s16+$0xFFFFFFF0] =	vst v1;
	s16 =	smov.u32 s18  }
.Ltmp13:
0x1ec: {  	(pc) =	sbr.rel @p0 .LBB2_28-.Ltmp13, $4  }
0x1ed: {  	v1 =	vshll.u32 v5, $0x2;
	v2 =	vshra.s32 v5, $0x12  }
0x1ee: {  	v5 =	vshll.u32 v4, $0x2;
	v4 =	vshra.s32 v4, $0x12;
	v6 =	vand.u32 $0xFFFFC, v1  }
0x1ef: {  	v5 =	vand.u32 $0xFFFFC, v5;
	v1 =	vshra.s32 v3, $0x12;
	v6 =	vor.u32 v2, v6  }
0x1f0: {  	s18 =	sadd.s32 $0x40, s18;
	v3 =	vshll.u32 v3, $0x2;
	v2 =	vor.u32 v4, v5;
	[tilespmem:s16+$0x0] =	vst v6;
	v4 =	vshll.u32 v0, $0x2  }
0x1f1: {  	v4 =	vand.u32 $0xFFFFC, v4;
	v0 =	vshra.s32 v0, $0x12  }
0x1f2: {  	[tilespmem:s16+$0xFFFFFFE0] =	vst v2;
	v2 =	vand.u32 $0xFFFFC, v3;
	v0 =	vor.u32 v0, v4  }
0x1f3: {  	v1 =	vor.u32 v1, v2;
	[tilespmem:s16+$0x10] =	vst v0  }
0x1f4: {  	[tilespmem:s16+$0xFFFFFFF0] =	vst v1  }
0x1f5: {  	_ =	swait.ge [sflag:s14], $0xC800  }
0x1f6: {  	[sflag:s14] =	ssyncset.done $0x0  }
0x1f7: {  	[sflag:s14] =	ssyncadd.s32 $0xFFFF3800  }
0x1f8: {  	[tilespmem:s10], [sflag:$0x4] =	stream.indirect.gather [hbm4b:s4+s6], $0x20, s6, s6, $0xb8;
	[tilespmem:$0x19C80] =	vst v63  }
0x1f9: {  	_ =	swait.ge [sflag:s11], $0xC800  }
0x1fa: {  	[sflag:s11] =	ssyncset.done $0x0  }
0x1fb: {  	s18 =	rddreg [dreg:$0x12];
	[sflag:s11] =	ssyncadd.s32 $0xFFFF3800  }
0x1fc: {  	[tilespmem:s1], [sflag:$0x1] =	stream.linear.gather [hbm4b:s18+s1], $0x640, $0x38;
	[tilespmem:$0x19C80] =	vst v63  }
0x1fd: {  	_ = 	snop  }
0x1fe: {  	[hbm4b:s31+s1] =	stream.linear.scatter [tilespmem:s8], [sflag:$0x5], $0xC800, $0x38;
	[tilespmem:$0x19C80] =	vst v63  }
0x1ff: {  	_ =	swait.ge [sflag:s7], $0x640  }
0x200: {  	[sflag:s7] =	ssyncset.done $0x0  }
0x201: {  	s16 =	simm.s32 $0x20;
	[sflag:s7] =	ssyncadd.s32 $0xFFFFF9C0  }
0x202: {  	v1 =	vld [tilespmem:s16+$0x0]  }
0x203: {  	v2 =	vld [tilespmem:s16+$0xFFFFFFE0]  }
0x204: {  	v3 =	vld [tilespmem:s16+$0xFFFFFFF0]  }
0x205: {  	v0 =	vld [tilespmem:s16+$0x10];
	_ =	sdelay $0x1  }
0x206: {  	v4 =	vshll.u32 v1, $0x2;
	v5 =	vshra.s32 v1, $0x12  }
0x207: {  	v1 =	vshll.u32 v2, $0x2;
	v2 =	vshra.s32 v2, $0x12;
	v4 =	vand.u32 $0xFFFFC, v4  }
0x208: {  	v6 =	vand.u32 $0xFFFFC, v1;
	v1 =	vshra.s32 v3, $0x12;
	v4 =	vor.u32 v5, v4  }
0x209: {  	s17 =	simm.s32 $0x0;
	s18 =	simm.s32 $0x60;
	v3 =	vshll.u32 v3, $0x2;
	v2 =	vor.u32 v2, v6;
	[tilespmem:s16+$0x0] =	vst v4;
	v4 =	vshll.u32 v0, $0x2  }
.LBB2_30:
0x20a: {  	v5 =	vld [tilespmem:s18+$0x0];
	s17 =	sadd.s32 $0x4, s17;
	[tilespmem:s16+$0xFFFFFFE0] =	vst v2;
	v2 =	vand.u32 $0xFFFFC, v3;
	v3 =	vand.u32 $0xFFFFC, v4;
	v0 =	vshra.s32 v0, $0x12  }
0x20b: {  	v4 =	vld [tilespmem:s18+$0xFFFFFFE0];
	p0 =	slt.u32 s17, $0x60;
	v1 =	vor.u32 v1, v2;
	v0 =	vor.u32 v0, v3  }
0x20c: {  	v3 =	vld [tilespmem:s18+$0xFFFFFFF0];
	[tilespmem:s16+$0x10] =	vst v0  }
0x20d: {  	v0 =	vld [tilespmem:s18+$0x10];
	[tilespmem:s16+$0xFFFFFFF0] =	vst v1;
	s16 =	smov.u32 s18  }
.Ltmp14:
0x20e: {  	(pc) =	sbr.rel @p0 .LBB2_30-.Ltmp14, $4  }
0x20f: {  	v1 =	vshll.u32 v5, $0x2;
	v2 =	vshra.s32 v5, $0x12  }
0x210: {  	v5 =	vshll.u32 v4, $0x2;
	v4 =	vshra.s32 v4, $0x12;
	v6 =	vand.u32 $0xFFFFC, v1  }
0x211: {  	v5 =	vand.u32 $0xFFFFC, v5;
	v1 =	vshra.s32 v3, $0x12;
	v6 =	vor.u32 v2, v6  }
0x212: {  	s18 =	sadd.s32 $0x40, s18;
	v3 =	vshll.u32 v3, $0x2;
	v2 =	vor.u32 v4, v5;
	[tilespmem:s16+$0x0] =	vst v6;
	v4 =	vshll.u32 v0, $0x2  }
0x213: {  	v4 =	vand.u32 $0xFFFFC, v4;
	v0 =	vshra.s32 v0, $0x12  }
0x214: {  	[tilespmem:s16+$0xFFFFFFE0] =	vst v2;
	v2 =	vand.u32 $0xFFFFC, v3;
	v0 =	vor.u32 v0, v4  }
0x215: {  	v1 =	vor.u32 v1, v2;
	[tilespmem:s16+$0x10] =	vst v0  }
0x216: {  	[tilespmem:s16+$0xFFFFFFF0] =	vst v1  }
0x217: {  	_ =	swait.ge [sflag:s12], $0xC800  }
0x218: {  	[sflag:s12] =	ssyncset.done $0x0  }
0x219: {  	[sflag:s12] =	ssyncadd.s32 $0xFFFF3800  }
0x21a: {  	[tilespmem:s8], [sflag:$0x3] =	stream.indirect.gather [hbm4b:s4+s6], $0x20, s1, s6, $0xb8;
	[tilespmem:$0x19C80] =	vst v63  }
0x21b: {  	_ =	swait.ge [sflag:s13], $0xC800  }
0x21c: {  	[sflag:s13] =	ssyncset.done $0x0  }
0x21d: {  	s18 =	rddreg [dreg:$0x13];
	[sflag:s13] =	ssyncadd.s32 $0xFFFF3800  }
0x21e: {  	[tilespmem:s6], [sflag:$0x2] =	stream.linear.gather [hbm4b:s18+s1], $0x640, $0x38;
	[tilespmem:$0x19C80] =	vst v63  }
0x21f: {  	_ = 	snop  }
0x220: {  	[hbm4b:s0+s1] =	stream.linear.scatter [tilespmem:s10], [sflag:$0x6], $0xC800, $0x38;
	[tilespmem:$0x19C80] =	vst v63  }
0x221: {  	_ =	swait.ge [sflag:s9], $0x640  }
0x222: {  	[sflag:s9] =	ssyncset.done $0x0  }
0x223: {  	s16 =	simm.s32 $0x660;
	[sflag:s9] =	ssyncadd.s32 $0xFFFFF9C0  }
0x224: {  	v1 =	vld [tilespmem:s16+$0x0]  }
0x225: {  	v2 =	vld [tilespmem:s16+$0xFFFFFFE0]  }
0x226: {  	v3 =	vld [tilespmem:s16+$0xFFFFFFF0]  }
0x227: {  	v0 =	vld [tilespmem:s16+$0x10];
	_ =	sdelay $0x1  }
0x228: {  	v4 =	vshll.u32 v1, $0x2;
	v5 =	vshra.s32 v1, $0x12  }
0x229: {  	v1 =	vshll.u32 v2, $0x2;
	v2 =	vshra.s32 v2, $0x12;
	v4 =	vand.u32 $0xFFFFC, v4  }
0x22a: {  	v6 =	vand.u32 $0xFFFFC, v1;
	v1 =	vshra.s32 v3, $0x12;
	v4 =	vor.u32 v5, v4  }
0x22b: {  	s17 =	simm.s32 $0x0;
	s18 =	simm.s32 $0x6A0;
	v3 =	vshll.u32 v3, $0x2;
	v2 =	vor.u32 v2, v6;
	[tilespmem:s16+$0x0] =	vst v4;
	v4 =	vshll.u32 v0, $0x2  }
.LBB2_32:
0x22c: {  	v5 =	vld [tilespmem:s18+$0x0];
	s17 =	sadd.s32 $0x4, s17;
	[tilespmem:s16+$0xFFFFFFE0] =	vst v2;
	v2 =	vand.u32 $0xFFFFC, v3;
	v3 =	vand.u32 $0xFFFFC, v4;
	v0 =	vshra.s32 v0, $0x12  }
0x22d: {  	v4 =	vld [tilespmem:s18+$0xFFFFFFE0];
	p0 =	slt.u32 s17, $0x60;
	v1 =	vor.u32 v1, v2;
	v0 =	vor.u32 v0, v3  }
0x22e: {  	v3 =	vld [tilespmem:s18+$0xFFFFFFF0];
	[tilespmem:s16+$0x10] =	vst v0  }
0x22f: {  	v0 =	vld [tilespmem:s18+$0x10];
	[tilespmem:s16+$0xFFFFFFF0] =	vst v1;
	s16 =	smov.u32 s18  }
.Ltmp15:
0x230: {  	(pc) =	sbr.rel @p0 .LBB2_32-.Ltmp15, $4  }
0x231: {  	v1 =	vshll.u32 v5, $0x2;
	v2 =	vshra.s32 v5, $0x12  }
0x232: {  	v5 =	vshll.u32 v4, $0x2;
	v4 =	vshra.s32 v4, $0x12;
	v6 =	vand.u32 $0xFFFFC, v1  }
0x233: {  	v5 =	vand.u32 $0xFFFFC, v5;
	v1 =	vshra.s32 v3, $0x12;
	v6 =	vor.u32 v2, v6  }
0x234: {  	s18 =	sadd.s32 $0x40, s18;
	v3 =	vshll.u32 v3, $0x2;
	v2 =	vor.u32 v4, v5;
	[tilespmem:s16+$0x0] =	vst v6;
	v4 =	vshll.u32 v0, $0x2  }
0x235: {  	v4 =	vand.u32 $0xFFFFC, v4;
	v0 =	vshra.s32 v0, $0x12  }
0x236: {  	[tilespmem:s16+$0xFFFFFFE0] =	vst v2;
	v63 =	vand.u32 $0xFFFFC, v3;
	v0 =	vor.u32 v0, v4  }
0x237: {  	v1 =	vor.u32 v1, v63;
	[tilespmem:s16+$0x10] =	vst v0  }
0x238: {  	[tilespmem:s16+$0xFFFFFFF0] =	vst v1  }
0x239: {  	_ =	swait.ge [sflag:s14], $0xC800  }
0x23a: {  	[sflag:s14] =	ssyncset.done $0x0  }
0x23b: {  	[sflag:s14] =	ssyncadd.s32 $0xFFFF3800  }
0x23c: {  	[tilespmem:s10], [sflag:$0x4] =	stream.indirect.gather [hbm4b:s4+s6], $0x20, s6, s6, $0xb8;
	[tilespmem:$0x19C80] =	vst v63  }
0x23d: {  	_ =	swait.ge [sflag:s11], $0xC800  }
0x23e: {  	[sflag:s11] =	ssyncset.done $0x0  }
0x23f: {  	[sflag:s11] =	ssyncadd.s32 $0xFFFF3800  }
0x240: {  	[hbm4b:s2+s1] =	stream.linear.scatter [tilespmem:s8], [sflag:$0x5], $0xC800, $0x38;
	[tilespmem:$0x19C80] =	vst v63  }
0x241: {  	_ =	swait.ge [sflag:s13], $0xC800  }
0x242: {  	[sflag:s13] =	ssyncset.done $0x0  }
0x243: {  	s15 =	sadd.s32 $0x1, s15;
	[sflag:s13] =	ssyncadd.s32 $0xFFFF3800  }
0x244: {  	[hbm4b:s3+s1] =	stream.linear.scatter [tilespmem:s10], [sflag:$0x6], $0xC800, $0x38;
	[tilespmem:$0x19C80] =	vst v63  }
0x245: {  	p0 =	sne.s32 s15, s5;
	_ =	swait.ge [sflag:s12], $0xC800  }
.Ltmp16:
0x246: {  	[sflag:s12] =	ssyncset.done $0x0;
	(pc) =	sbr.rel @p0 .LBB2_1-.Ltmp16, $4  }
0x247: {  	[sflag:s12] =	ssyncadd.s32 $0xFFFF3800  }
0x248: {  	_ =	swait.ge [sflag:s14], $0xC800  }
0x249: {  	[sflag:s14] =	ssyncset.done $0x0  }
0x24a: {  	[sflag:s14] =	ssyncadd.s32 $0xFFFF3800  }
0x24b: {  	_ =	sfence.sel $0x180000  }
0x24c: {  	[bflag:$0x0] =	sbarrier.arrive $0xFFFF  }
0x24d: {  	_ =	strace $0x90000047  }
0x24e: {  	s0 =	stileid.u32;
	[bflag:$0x2] =	sbarrier.arrive $0xFFFF  }
0x24f: {  	p0 =	sne.s32 s0, $0x0;
	s0 =	rddreg [dreg:$0x3]  }
0x250: {  	s0 =	sadd.s32 @!p0 $0x100000, s0  }
0x251: {  	[sflag:s0] =	ssyncadd.tile.s32 @!p0 $0x1;
	_ =	shalt  }
.Lfunc_end2:
_tile_overlayer_lowered:
.L_overlay_start_2:
0x252: {  	(tag) =	ssettag $0x2  }
0x253: {  	s0 =	rddreg [dreg:$0x0];
	s2 =	stileid.u32  }
0x254: {  	s1 =	rddreg [dreg:$0x1];
	p0 =	sne.s32 s2, $0x0  }
0x255: {  	s3 =	rddreg [dreg:$0x2];
	[bflag:$0x3] =	sbarrier.arrive $0xFFFF;
	s2 =	simm.s32 @!p0 $0x1C07  }
0x256: {  	[timem:s3], [sflag:s2] =	dma.local @!p0 [hbm:s0], s1  }
0x257: {  	s0 =	simm.s32 @!p0 $0x7  }
0x258: {  	_ =	swait.ge @!p0 [sflag:s0], s1  }
0x259: {  	s1 =	ssub.s32 @!p0 $0x0, s1;
	[sflag:s0] =	ssyncset.done @!p0 $0x0  }
0x25a: {  	[sflag:s0] =	ssyncadd.s32 @!p0 s1  }
0x25b: {  	[bflag:$0x3] =	sbarrier.arrive $0xFFFF  }
0x25c: {  	_ =	shalt  }

// kernel: sparse-core-data-format-call.cloned.1.call-start
scs
called_computation_lowered:
.L_overlay_start_0:
0x0: {  	s2 =	sld [smem:$0x3FD9]  }
0x1: {  	s3 =	sld [smem:$0x3FFE];
	_ =	sdelay $0x1  }
0x2: {  	s1 =	srdreg.scid  }
0x3: {  	s0 =	sand.u32 $0x1, s1  }
0x4: {  	s18 =	sshll.u32 s0, $0xA;
	s2 =	sadd.s32 s3, s2  }
0x5: {  	s2 =	sadd.s32 s2, s18  }
0x6: {  	[smem:$0x3FC6] =	sst s2  }
0x7: {  	_ = 	snop  }
0x8: {  	s2 =	sld [smem:$0x3FD0];
	(tm) =	ssettm $0x1  }
0x9: {  	s19 =	sld [smem:$0x3FFB];
	_ =	sdelay $0x3  }
0xa: {  	_ =	strace s19  }
0xb: {  	s3 =	sld [smem:$0x3FFC];
	_ =	sdelay $0x3  }
0xc: {  	_ =	strace s3  }
0xd: {  	s3 =	sld [smem:$0x3FFD];
	_ =	sdelay $0x3  }
0xe: {  	_ =	strace s3  }
0xf: {  	_ =	strace $0x8FFFFFFF  }
0x10: {  	s20 =	sld [smem:$0x3FDB];
	_ =	sdelay $0x1  }
0x11: {  	s4 =	simm.s32 $_scs_section_size  }
0x12: {  	s5 =	simm.s32 $_size__tile_overlayer_lowered;
	s6 =	simm.s32 $_tile_overlayer_lowered  }
0x13: {  	s23 =	simm.s32 $0x1BFF;
	s22 =	sshll.u32 s6, $0x1;
	s3 =	sadd.s32 s4, s20  }
0x14: {  	s7 =	simm.s32 $0x0;
	s21 =	sshll.u32 s5, $0x1;
	s5 =	sadd.s32 s22, s3  }
0x15: {  	[timem:s7], [sflag:s23] =	dma.local [hbm:s5], s21  }
0x16: {  	_ =	swait.ge [sflag:s23], s21  }
0x17: {  	s4 =	ssub.s32 $0x0, s21;
	[sflag:s23] =	ssyncset.done $0x0  }
0x18: {  	[sflag:s23] =	ssyncadd.s32 s4;
	_ =	sdelay $0x1  }
0x19: {  	s24 =	simm.s32 $0x1B8B  }
0x1a: {  	_ =	swait.ge [sflag:s24], $0x1  }
0x1b: {  	[sflag:s24] =	ssyncset.done $0x0  }
0x1c: {  	s26 =	simm.s32 $0x1B8E;
	s25 =	sld [smem:$0x3FFE];
	[sflag:s24] =	ssyncadd.s32 $0xFFFFFFFF  }
0x1d: {  	s27 =	simm.s32 $execute0_lowered;
	[smem:$0x3FD2] =	sst s26  }
0x1e: {  	s5 =	sshll.u32 s27, $0x1;
	_ =	strace $0x80000049;
	[dreg:$0x1] =	wrdreg $0xFFFFFFFF  }
0x1f: {  	s28 =	simm.s32 $_size_execute0_lowered;
	s3 =	sadd.s32 s3, s5;
	[dreg:$0x0] =	wrdreg $0x0  }
0x20: {  	s5 =	sshll.u32 s28, $0x1;
	[dreg:$0x2] =	wrdreg s3  }
0x21: {  	[dreg:$0x3] =	wrdreg s5  }
0x22: {  	[dreg:$0x4] =	wrdreg $0xC0  }
0x23: {  	_ =	task [dreg:s7], $0x5FFFF  }
0x24: {  	[dreg:$0x1] =	wrdreg $0xFFFFFFFF  }
0x25: {  	[dreg:$0x0] =	wrdreg $0x60  }
0x26: {  	[dreg:$0x2] =	wrdreg s25  }
0x27: {  	[dreg:$0x3] =	wrdreg s2  }
0x28: {  	[dreg:$0x4] =	wrdreg $0x9  }
0x29: {  	_ =	task.clear_ibuf [dreg:s7], $0x5FFFF;
	_ =	strace $0x90000049  }
0x2a: {  	s29 =	simm.s32 $0x9;
	_ =	strace $0x8000004B  }
0x2b: {  	_ =	swait.ge [sflag:s29], $0x1  }
0x2c: {  	[sflag:s29] =	ssyncadd.s32 $0xFFFFFFFF  }
0x2d: {  	_ =	strace $0x9000004B  }
0x2e: {  	_ =	sfence  }
0x2f: {  	s30 =	sld [smem:$0x0];
	_ =	sdelay $0x2  }
0x30: {  	s31 =	sshll.u32 s1, $0xD;
	s1 =	sshrl.u32 s1, $0x2  }
0x31: {  	s3 =	sand.u32 $0x4000, s31;
	s1 =	sadd.s32 s1, s30  }
0x32: {  	s0 =	sor.u32 s3, s0;
	s1 =	sshll.u32 s1, $0x11  }
0x33: {  	s0 =	sor.u32 s1, s0  }
0x34: {  	s0 =	sadd.s32 $0x8F2B, s0  }
0x35: {  	[sflag:s0] =	ssyncadd.remote.s32 $0x1  }
0x36: {  	_ =	sfence.sel $0xFFFF  }
0x37: {  	[dreg:$0x0] =	wrdreg $0xFFFFFFFF;
	(pc) =	sbr.abs _section_cstart, $3  }
0x38: {  	[dreg:$0x1] =	wrdreg $0xFFFFFFFF  }
0x39: {  	_ =	task.clear_ibuf [dreg:s7], $0x2FFFF;
	_ =	strace $0x9FFFFFFF  }
0x3a: {  	(tm) =	ssettm $0x7FFFFFFF  }
0x3b: {  	_ =	shalt  }
tec
execute0_lowered:
.L_overlay_start_1:
0x0: {  	(tag) =	ssettag $0x1  }
0x1: {  	s0 =	srdreg.scid  }
0x2: {  	s1 =	sshll.u32 s0, $0x4  }
0x3: {  	s4 =	rddreg [dreg:$0x0];
	s0 =	stileid.u32;
	s1 =	sand.u32 $0x10, s1  }
0x4: {  	s2 =	rddreg [dreg:$0x1];
	s7 =	simm.s32 $0x1;
	s1 =	sor.u32 s0, s1  }
0x5: {  	s8 =	simm.s32 $0x2;
	s11 =	simm.s32 $0x0;
	s3 =	sshll.u32 s1, $0x7  }
0x6: {  	s10 =	simm.s32 $0x0;
	s4 =	sadd.s32 $0x800, s4;
	s6 =	ssub.s32 $0xC8000, s3  }
.Ltmp0:
0x7: {  	s1 =	rddreg [dreg:$0x2];
	s5 =	sand.u32 $0xF80, s6;
	(pc) =	sbr.rel .LBB1_1-.Ltmp0, $4  }
0x8: {  	_ =	strace $0x8000004A;
	s9 =	smov.u32 s3;
	p0 =	sne.s32 s5, $0x0  }
0x9: {  	s6 =	sshrl.u32 s6, $0xC;
	s5 =	simm.s32 $0x1;
	s7 =	simm.s32 @!p0 $0x0  }
0xa: {  	[sflag:s5] =	ssyncpa.u1 $0x0;
	p0 =	por $0x0, $0x0;
	s6 =	sadd.s32 s7, s6  }
0xb: {  	[sflag:s8] =	ssyncpa.u1 $0x0;
	s8 =	simm.s32 $0x640000;
	s7 =	sadd.s32 $0x1, s6  }
.LBB1_4:
0xc: {  	s14 =	sshll.u32 s11, $0x3  }
0xd: {  	s30 =	sand.u32 $0x7F, s11;
	s15 =	sand.u32 $0xFFFFFC00, s14  }
0xe: {  	s11 =	sor.u32 s30, s15  }
0xf: {  	s15 =	smulhi.u32 $0x51EB851F, s11  }
0x10: {  	s14 =	smulhi.u32 $0x51EB851F, s14  }
0x11: {  	s15 =	sshrl.u32 s15, $0x12  }
0x12: {  	s14 =	sshrl.u32 s14, $0x12;
	s15 =	smul.u32 $0xC8000, s15  }
0x13: {  	s14 =	sand.u32 $0x1F, s14  }
0x14: {  	s14 =	smul.u32 $0x19000, s14;
	s11 =	ssub.s32 s11, s15  }
0x15: {  	s15 =	sand.u32 $0x7, s11  }
0x16: {  	s14 =	sadd.s32 s2, s14;
	s11 =	sshrl.u32 s11, $0x3;
	s15 =	sshll.u32 s15, $0x12  }
0x17: {  	[tilespmem:s13+$0x0 ss:$0x81] =	vst.msk $0xffff, v0;
	s11 =	sadd.s32 s11, s14;
	s31 =	sor.u32 $0x400, s15  }
0x18: {  	[hbm4b:s11+s31] =	stream.strided.scatter [tilespmem:s12], [sflag:$0x2], $0x1000, s8, s31, $0x20;
	[tilespmem:$0x4040] =	vst v63  }
.LBB1_5:
0x19: {  	s13 =	sadd.s32 $0x1000, s9  }
0x1a: {  	p2 =	sgt.s32 s13, $0xC7FFF  }
0x1b: {  	s13 =	smov.u32 @p2 s3;
	p2 =	sne.s32 s10, s7  }
.Ltmp1:
0x1c: {  	p1 =	slt.u32 s10, $0x2;
	(pc) =	sbr.rel @!p2 .LBB1_6-.Ltmp1, $4  }
0x1d: {  	s12 =	simm.s32 @!p1 $0x2  }
0x1e: {  	s14 =	sadd.s32 $0x1, s10;
	_ =	swait.ge @!p1 [sflag:s12], $0x1000  }
0x1f: {  	s11 =	smov.u32 s9;
	p0 =	por !p0, !p0;
	[sflag:s12] =	ssyncset.done @!p1 $0x0  }
0x20: {  	s10 =	smov.u32 s14;
	s9 =	smov.u32 s13;
	[sflag:s12] =	ssyncadd.s32 @!p1 $0xFFFFF000  }
.LBB1_1:
0x21: {  	p1 =	sge.u32 s10, s6  }
0x22: {  	s12 =	sand.u32 @!p1 $0x1FFFFFF, s9  }
0x23: {  	s13 =	smulhi.u32 @!p1 $0x147AE15, s12;
	_ =	sdelay $0x1  }
0x24: {  	s13 =	sshrl.u32 @!p1 s13, $0xC  }
0x25: {  	s13 =	smul.u32 @!p1 $0xC8000, s13;
	_ =	sdelay $0x1  }
0x26: {  	s31 =	sadd.s32 $0xFFFFFFFF, s10;
	s14 =	sxor.u32 @!p1 $0xFFFFFFFF, s10;
	s12 =	ssub.s32 @!p1 s12, s13  }
0x27: {  	s15 =	simm.s32 @!p1 $0x80;
	s14 =	sshll.u32 @!p1 s14, $0xC;
	s12 =	sshll.u32 @!p1 s12, $0x4  }
0x28: {  	s13 =	sand.u32 @!p1 $0x1000, s14;
	s14 =	simm.s32 @!p1 $0x20;
	s12 =	sadd.s32 @!p1 s4, s12  }
0x29: {  	[tilespmem:s13], [sflag:$0x1] =	stream.strided.gather @!p1 [hbm4b:s12+s14], $0x1000, s15, s14, $0x38;
	[tilespmem:$0x4040] =	vst v63  }
0x2a: {  	p1 =	sge.u32 s31, s6  }
.Ltmp2:
0x2b: {  	_ = 	snop;
	(pc) =	sbr.rel @p1 .LBB1_5-.Ltmp2, $1  }
0x2c: {  	_ =	sdelay $0x3  }
0x2d: {  	s12 =	simm.s32 $0x1  }
0x2e: {  	_ =	swait.ge [sflag:s5], $0x1000;
	s12 =	simm.s32 @!p0 $0x0  }
0x2f: {  	[sflag:s5] =	ssyncset.done $0x0;
	s13 =	sshll.u32 s12, $0xC  }
0x30: {  	[sflag:s5] =	ssyncadd.s32 $0xFFFFF000;
	s16 =	sor.u32 $0x10, s13  }
0x31: {  	s12 =	smul.u32 $0x4080, s12;
	v1 =	vld [tilespmem:s16+$0x0]  }
0x32: {  	s30 =	sand.u32 $0x1, s10;
	v0 =	vld [tilespmem:s16+$0xFFFFFFF0]  }
0x33: {  	s13 =	smul.u32 $0x4080, s30;
	s12 =	sshrl.u32 s12, $0x2  }
0x34: {  	s14 =	sor.u32 $0x2000, s12  }
0x35: {  	s31 =	sshrl.u32 s13, $0x2;
	s13 =	sadd.s32 $0x0, s14  }
0x36: {  	s15 =	simm.s32 $0x4;
	s16 =	sadd.s32 $0x20, s16;
	s12 =	sor.u32 $0x2000, s31;
	[tilespmem:s13+$0x810 ss:$0x81] =	vst.msk $0xffff, v1  }
.LBB1_3:
0x37: {  	v1 =	vld [tilespmem:s16+$0x0];
	p1 =	sne.s32 s15, $0x1FC;
	[tilespmem:s13+$0x0 ss:$0x81] =	vst.msk $0xffff, v0;
	s13 =	smov.u32 s15;
	s15 =	sadd.s32 $0x4, s15  }
.Ltmp3:
0x38: {  	v0 =	vld [tilespmem:s16+$0xFFFFFFF0];
	(pc) =	sbr.rel @p1 .LBB1_3-.Ltmp3, $4  }
0x39: {  	_ = 	snop  }
0x3a: {  	s13 =	sshra.s32 s13, $0x2  }
0x3b: {  	s13 =	sadd.s32 s13, s14  }
0x3c: {  	s16 =	sadd.s32 $0x20, s16;
	[tilespmem:s13+$0x810 ss:$0x81] =	vst.msk $0xffff, v1  }
.Ltmp4:
0x3d: {  	_ = 	snop;
	(pc) =	sbr.rel .LBB1_4-.Ltmp4, $1  }
0x3e: {  	_ =	sdelay $0x3  }
.LBB1_6:
0x3f: {  	_ =	sfence.sel $0x180000  }
0x40: {  	s2 =	simm.s32 $0x1;
	[bflag:$0x0] =	sbarrier.arrive $0xFFFF  }
0x41: {  	s31 =	simm.s32 $0x2;
	[sflag:s2] =	ssyncpa.u1 $0x1  }
0x42: {  	[sflag:s31] =	ssyncpa.u1 $0x1  }
0x43: {  	p0 =	sne.s32 s0, $0x0;
	_ =	strace $0x9000004A  }
0x44: {  	s0 =	sadd.s32 @!p0 $0x100000, s1;
	[bflag:$0x2] =	sbarrier.arrive $0xFFFF  }
0x45: {  	[sflag:s0] =	ssyncadd.tile.s32 @!p0 $0x1;
	_ =	shalt  }
.Lfunc_end1:
_tile_overlayer_lowered:
.L_overlay_start_2:
0x46: {  	(tag) =	ssettag $0x2  }
0x47: {  	s0 =	rddreg [dreg:$0x0];
	s2 =	stileid.u32  }
0x48: {  	s1 =	rddreg [dreg:$0x1];
	p0 =	sne.s32 s2, $0x0  }
0x49: {  	s3 =	rddreg [dreg:$0x2];
	[bflag:$0x3] =	sbarrier.arrive $0xFFFF;
	s2 =	simm.s32 @!p0 $0x1C01  }
0x4a: {  	[timem:s3], [sflag:s2] =	dma.local @!p0 [hbm:s0], s1  }
0x4b: {  	s0 =	simm.s32 @!p0 $0x1  }
0x4c: {  	_ =	swait.ge @!p0 [sflag:s0], s1  }
0x4d: {  	s1 =	ssub.s32 @!p0 $0x0, s1;
	[sflag:s0] =	ssyncset.done @!p0 $0x0  }
0x4e: {  	[sflag:s0] =	ssyncadd.s32 @!p0 s1  }
0x4f: {  	[bflag:$0x3] =	sbarrier.arrive $0xFFFF  }
0x50: {  	_ =	shalt  }

</sc_bundles>
